<compile_context>
chip_gen: v7x
topology: tpu7x:2x2x1
jax: 0.10.2.dev20260603
libtpu: 0.0.44.dev20260713+nightly
codegen_flags: <defaults>
</compile_context>

<pallas_src>
import functools

import jax
import jax.numpy as jnp
from jax import lax
from jax.experimental import pallas as pl
from jax.experimental.pallas import tpu as pltpu
from jax.experimental.pallas import tpu_sc as plsc

_N = 10000
_E = 320000
_D = 128
_DE = 16
_G = 64
_NC = 2
_NS = 16
_NW = _NC * _NS
_EPT = 10240
_EP = _NW * _EPT
_CH = 64
_CPT = _EPT // _CH
_NCHB = _E // _CH
_RA = 10112
_RPT = _RA // _NS
_BN = 1000
_NB = _N // _BN
_BE = 12800
_NBE = _E // _BE

_mesh = plsc.VectorSubcoreMesh(core_axis_name="c", subcore_axis_name="s")


def _sc_body(x_hbm, src_hbm, dst_hbm, z128_hbm, acc_out, w,
             dst_c, src_c, rows, sgs, sss, sis, sds, acc_sh, em_ops):
    c = lax.axis_index("c")
    s = lax.axis_index("s")
    r0 = s * _RPT
    pltpu.sync_copy(z128_hbm, acc_sh.at[pl.ds(r0, _RPT)])
    plsc.subcore_barrier()

    em_start, em_finish = em_ops

    def gather_start(j, q, rb):
        pltpu.async_copy(x_hbm.at[src_c.at[q]], rows[rb], sgs[q])

    def gather_wait(j, q, rb):
        pltpu.make_async_copy(x_hbm.at[src_c.at[q]], rows[rb], sgs[q]).wait()

    def scatter_start(j, rb):
        pltpu.async_copy(rows[rb], acc_sh.at[dst_c.at[rb]], sss[rb], add=True)

    def scatter_wait(j, rb):
        pltpu.make_async_copy(rows[rb], acc_sh.at[dst_c.at[rb]],
                              sss[rb]).wait()

    for q in range(4):
        pltpu.sync_copy(dst_hbm.at[w, q], dst_c.at[q])
    for b in range(2):
        pltpu.sync_copy(src_hbm.at[w, b], src_c.at[b])
        gather_start(b, b, b)
        em_start(b, b)

    def body(i, carry):
        for b in range(4):
            j = 4 * i + b
            gather_wait(j, b % 2, b)
            scatter_start(j, b)
            em_finish(j, b % 2, b)

            @pl.when(j >= 2)
            def _():
                scatter_wait(j - 2, (b + 2) % 4)

            @pl.when(j + 2 < _CPT)
            def _():
                pltpu.async_copy(src_hbm.at[w, j + 2], src_c.at[b % 2],
                                 sis[b % 2])
                pltpu.async_copy(dst_hbm.at[w, j + 2], dst_c.at[(b + 2) % 4],
                                 sds[b % 2])
                pltpu.make_async_copy(src_hbm.at[w, j + 2], src_c.at[b % 2],
                                      sis[b % 2]).wait()
                pltpu.make_async_copy(dst_hbm.at[w, j + 2], dst_c.at[(b + 2) % 4],
                                      sds[b % 2]).wait()
                gather_start(j + 2, b % 2, (b + 2) % 4)
                em_start(j + 2, b % 2)

        return carry

    lax.fori_loop(0, _CPT // 4, body, 0)

    scatter_wait(_CPT - 2, (_CPT - 2) % 4)
    scatter_wait(_CPT - 1, (_CPT - 1) % 4)
    plsc.subcore_barrier()
    pltpu.sync_copy(acc_sh.at[pl.ds(r0, _RPT)], acc_out.at[c, pl.ds(r0, _RPT)])


@functools.partial(
    pl.kernel,
    out_type=[jax.ShapeDtypeStruct((_NC, _RA, _D), jnp.float32)],
    mesh=_mesh,
    scratch_types=[
        pltpu.VMEM((4, _CH), jnp.int32),
        pltpu.VMEM((2, _CH), jnp.int32),
        pltpu.VMEM((_CH, _D), jnp.float32),
        pltpu.VMEM((_CH, _D), jnp.float32),
        pltpu.VMEM((_CH, _D), jnp.float32),
        pltpu.VMEM((_CH, _D), jnp.float32),
        pltpu.VMEM_SHARED((_RA, _D), jnp.float32),
    ] + [pltpu.SemaphoreType.DMA] * 12,
)
def _sc_edge_pass_a(x_hbm, src_hbm, dst_hbm, z128_hbm,
                    acc_out,
                    dst_c, src_c, r0_, r1_, r2_, r3_,
                    acc_sh, sg0, sg1, sg2, sg3, ss0, ss1, ss2, ss3,
                    si0, si1, sd0, sd1):
    c = lax.axis_index("c")
    s = lax.axis_index("s")
    w = c * _NS + s

    def em_nop(j, b, q=0):
        del j, b, q

    _sc_body(x_hbm, src_hbm, dst_hbm, z128_hbm, acc_out, w,
             dst_c, src_c, (r0_, r1_, r2_, r3_), (sg0, sg1, sg2, sg3),
             (ss0, ss1, ss2, ss3), (si0, si1), (sd0, sd1),
             acc_sh, (em_nop, em_nop))


@functools.partial(
    pl.kernel,
    out_type=[jax.ShapeDtypeStruct((_NC, _RA, _D), jnp.float32)],
    mesh=_mesh,
    scratch_types=[
        pltpu.VMEM((4, _CH), jnp.int32),
        pltpu.VMEM((2, _CH), jnp.int32),
        pltpu.VMEM((_CH, _D), jnp.float32),
        pltpu.VMEM((_CH, _D), jnp.float32),
        pltpu.VMEM((_CH, _D), jnp.float32),
        pltpu.VMEM((_CH, _D), jnp.float32),
        pltpu.VMEM((_CH, _D), jnp.float32),
        pltpu.VMEM((_CH, _D), jnp.float32),
        pltpu.VMEM_SHARED((_RA, _D), jnp.float32),
    ] + [pltpu.SemaphoreType.DMA] * 14,
)
def _sc_edge_pass_b(x_hbm, src_hbm, dst_hbm, em_hbm, z128_hbm,
                    acc_out,
                    dst_c, src_c, r0_, r1_, r2_, r3_, em0, em1,
                    acc_sh, sg0, sg1, sg2, sg3, ss0, ss1, ss2, ss3,
                    si0, si1, sd0, sd1, sm0, sm1):
    c = lax.axis_index("c")
    s = lax.axis_index("s")
    w = c * _NS + s
    emb = (em0, em1)
    sms = (sm0, sm1)

    def em_start(j, b):
        g = w * _CPT + j

        @pl.when(g < _NCHB)
        def _():
            pltpu.async_copy(em_hbm.at[g], emb[b], sms[b])

    def em_finish(j, b, q):
        g = w * _CPT + j

        @pl.when(g < _NCHB)
        def _():
            pltpu.make_async_copy(em_hbm.at[g], emb[b], sms[b]).wait()
            pltpu.sync_copy(emb[b], acc_sh.at[dst_c.at[q]], add=True)

    _sc_body(x_hbm, src_hbm, dst_hbm, z128_hbm, acc_out, w,
             dst_c, src_c, (r0_, r1_, r2_, r3_), (sg0, sg1, sg2, sg3),
             (ss0, ss1, ss2, ss3), (si0, si1), (sd0, sd1),
             acc_sh, (em_start, em_finish))


def _tc_em_body(ea_ref, we_ref, be_ref, em_ref):
    em_ref[...] = lax.dot_general(
        ea_ref[...], we_ref[...], (((0,), (0,)), ((), ())),
        preferred_element_type=jnp.float32) + be_ref[...]


def _tc_pool_stats_body(p_ref, x_ref, b_ref, vmsg_ref, cnt_ref, accv, accc):
    i = pl.program_id(0)

    @pl.when(i == 0)
    def _():
        accv[...] = jnp.zeros_like(accv)
        accc[...] = jnp.zeros_like(accc)

    bvec = b_ref[0, 0, :]
    m = (lax.broadcasted_iota(jnp.int32, (_G, _BN), 0) == bvec[None, :]).astype(jnp.float32)
    rows = p_ref[0] + p_ref[1] + x_ref[...]
    accv[...] += jnp.dot(m, rows, preferred_element_type=jnp.float32)
    accc[...] += jnp.sum(m, axis=1, keepdims=True)

    @pl.when(i == _NB - 1)
    def _():
        cnt = jnp.maximum(accc[...], 1.0)
        cnt_ref[...] = cnt
        vmsg_ref[...] = accv[...] / cnt


def _tc_layer1_body(p_ref, x_ref, b_ref, vmsg_ref, w1_ref, x1_ref):
    bvec = b_ref[0, 0, :]
    mt = (bvec[:, None] == lax.broadcasted_iota(jnp.int32, (_BN, _G), 1)).astype(jnp.float32)
    vm = jnp.dot(mt, vmsg_ref[...], preferred_element_type=jnp.float32)
    t = p_ref[0] + p_ref[1] + x_ref[...] + vm
    x1_ref[...] = jax.nn.relu(jnp.dot(t, w1_ref[...], preferred_element_type=jnp.float32)) + x_ref[...]


def _tc_layer2_body(q_ref, x1_ref, b_ref, cnt_ref,
                    wn1_ref, bn1_ref, wn2_ref, bn2_ref,
                    wfc_ref, bfc_ref, y_ref, accp):
    i = pl.program_id(0)

    @pl.when(i == 0)
    def _():
        accp[...] = jnp.zeros_like(accp)

    agg = q_ref[0] + q_ref[1]
    h = jax.nn.relu(jnp.dot(agg, wn1_ref[...], preferred_element_type=jnp.float32) + bn1_ref[...])
    out2 = jnp.dot(h, wn2_ref[...], preferred_element_type=jnp.float32) + bn2_ref[...]
    x2 = out2 + x1_ref[...]
    bvec = b_ref[0, 0, :]
    m = (lax.broadcasted_iota(jnp.int32, (_G, _BN), 0) == bvec[None, :]).astype(jnp.float32)
    accp[...] += jnp.dot(m, x2, preferred_element_type=jnp.float32)

    @pl.when(i == _NB - 1)
    def _():
        pooled = accp[...] / cnt_ref[...]
        y_ref[...] = jnp.dot(pooled, wfc_ref[...], preferred_element_type=jnp.float32) + bfc_ref[...]


def _full(shape):
    return pl.BlockSpec(shape, lambda i: tuple(0 for _ in shape))


def _part_spec(minor):
    return pl.BlockSpec((_NC, _BN, minor), lambda i: (0, i, 0))


_tc_em = pl.pallas_call(
    _tc_em_body,
    grid=(_NBE,),
    in_specs=[
        pl.BlockSpec((_DE, _BE), lambda i: (0, i)),
        _full((_DE, _D)),
        _full((1, _D)),
    ],
    out_specs=pl.BlockSpec((_BE, _D), lambda i: (i, 0)),
    out_shape=jax.ShapeDtypeStruct((_E, _D), jnp.float32),
)

_tc_pool_stats = pl.pallas_call(
    _tc_pool_stats_body,
    grid=(_NB,),
    in_specs=[
        _part_spec(_D),
        pl.BlockSpec((_BN, _D), lambda i: (i, 0)),
        pl.BlockSpec((1, 1, _BN), lambda i: (i, 0, 0)),
    ],
    out_specs=[_full((_G, _D)), _full((_G, 1))],
    out_shape=[
        jax.ShapeDtypeStruct((_G, _D), jnp.float32),
        jax.ShapeDtypeStruct((_G, 1), jnp.float32),
    ],
    scratch_shapes=[
        pltpu.VMEM((_G, _D), jnp.float32),
        pltpu.VMEM((_G, 1), jnp.float32),
    ],
)

_tc_layer1 = pl.pallas_call(
    _tc_layer1_body,
    grid=(_NB,),
    in_specs=[
        _part_spec(_D),
        pl.BlockSpec((_BN, _D), lambda i: (i, 0)),
        pl.BlockSpec((1, 1, _BN), lambda i: (i, 0, 0)),
        _full((_G, _D)),
        _full((_D, _D)),
    ],
    out_specs=pl.BlockSpec((_BN, _D), lambda i: (i, 0)),
    out_shape=jax.ShapeDtypeStruct((_N, _D), jnp.float32),
)

_tc_layer2 = pl.pallas_call(
    _tc_layer2_body,
    grid=(_NB,),
    in_specs=[
        _part_spec(_D),
        pl.BlockSpec((_BN, _D), lambda i: (i, 0)),
        pl.BlockSpec((1, 1, _BN), lambda i: (i, 0, 0)),
        _full((_G, 1)),
        _full((_D, _D)),
        _full((1, _D)),
        _full((_D, _D)),
        _full((1, _D)),
        _full((_D, _D)),
        _full((1, _D)),
    ],
    out_specs=_full((_G, _D)),
    out_shape=jax.ShapeDtypeStruct((_G, _D), jnp.float32),
    scratch_shapes=[pltpu.VMEM((_G, _D), jnp.float32)],
)


def kernel(x, edge_index, edge_attr, batch, W1, We, be, Wn1, bn1, Wn2, bn2, Wfc, bfc):
    src = edge_index[0]
    dst = edge_index[1]
    padn = _EP - _E
    pad_src = jnp.zeros((padn,), jnp.int32)
    pad_dst = _N + (jnp.arange(padn, dtype=jnp.int32) % (_RA - _N))
    srcf = jnp.concatenate([src, pad_src])
    dstf = jnp.concatenate([dst, pad_dst])
    srca = srcf.reshape(_NW, _CPT, _CH)
    dsta = dstf.reshape(_NW, _CPT, _CH)
    z128 = jnp.zeros((_RPT, _D), jnp.float32)
    batchr = batch.reshape(_NB, 1, _BN)

    em = _tc_em(edge_attr.T, We, be.reshape(1, _D)).reshape(_NCHB, _CH, _D)
    (p,) = _sc_edge_pass_a(x, srca, dsta, z128)
    vmsg, cnt = _tc_pool_stats(p, x, batchr)
    x1 = _tc_layer1(p, x, batchr, vmsg, W1)
    (q,) = _sc_edge_pass_b(x1, srca, dsta, em, z128)

    y = _tc_layer2(q, x1, batchr, cnt,
                   Wn1, bn1.reshape(1, _D),
                   Wn2, bn2.reshape(1, _D), Wfc, bfc.reshape(1, _D))
    return y

# --- scband reference (transcript-rebuilt; emitter-appended) ---
"""Pipeline reference for scband-gnnwith-virtual-node-and-gine-30116310679889 (READ-ONLY COPY).

The authoritative reference and input builder live on the scoring server;
editing this copy changes nothing except your own understanding.
"""

import jax, jax.numpy as jnp
import numpy as np

N = 10000
E = 320000
D = 128
DE = 16
G = 64


def _linear_init(key, fan_in, fan_out):
    kw, kb = jax.random.split(key)
    bound = 1.0 / np.sqrt(fan_in)
    W = jax.random.uniform(kw, (fan_in, fan_out), minval=-bound, maxval=bound, dtype=jnp.float32)
    b = jax.random.uniform(kb, (fan_out,), minval=-bound, maxval=bound, dtype=jnp.float32)
    return W, b


def setup_inputs(seed: int = 0) -> dict:
    key = jax.random.key(seed)
    ks = jax.random.split(key, 10)
    x = jax.random.normal(ks[0], (N, D), dtype=jnp.float32)
    edge_index = jax.random.randint(ks[1], (2, E), 0, N, dtype=jnp.int32)
    edge_attr = jax.random.normal(ks[2], (E, DE), dtype=jnp.float32)
    batch = jnp.sort(jax.random.randint(ks[3], (N,), 0, G, dtype=jnp.int32))
    # conv1.W : kaiming normal, fan_in = D
    W1 = jax.random.normal(ks[4], (D, D), dtype=jnp.float32) * np.sqrt(2.0 / D)
    # conv2.edge_mlp : Linear(DE, D)
    We, be = _linear_init(ks[5], DE, D)
    # conv2.node_mlp : Linear(D, D) -> ReLU -> Linear(D, D)
    Wn1, bn1 = _linear_init(ks[6], D, D)
    Wn2, bn2 = _linear_init(ks[7], D, D)
    # fc : Linear(D, D)
    Wfc, bfc = _linear_init(ks[8], D, D)
    return {"x": x, "edge_index": edge_index, "edge_attr": edge_attr, "batch": batch,
            "W1": W1, "We": We, "be": be, "Wn1": Wn1, "bn1": bn1,
            "Wn2": Wn2, "bn2": bn2, "Wfc": Wfc, "bfc": bfc}


def reference(x, edge_index, edge_attr, batch, W1, We, be, Wn1, bn1, Wn2, bn2, Wfc, bfc):
    src = edge_index[0]
    dst = edge_index[1]
    counts = jax.ops.segment_sum(jnp.ones((N, 1), x.dtype), batch, num_segments=G)
    counts = jnp.maximum(counts, 1.0)
    # --- conv1: GCNLayerWithVirtualNode ---
    residual = x
    out = x + jax.ops.segment_sum(x[src], dst, num_segments=N)
    vmsg = jax.ops.segment_sum(out, batch, num_segments=G) / counts
    out = out + vmsg[batch]
    out = jax.nn.relu(out @ W1)
    # residual add (in_features == hidden_features so no proj1)
    x1 = out + residual
    # --- conv2: GINELayer ---
    em = edge_attr @ We + be
    msgs = x1[src] + em
    agg = jax.ops.segment_sum(msgs, dst, num_segments=N)
    out2 = jax.nn.relu(agg @ Wn1 + bn1) @ Wn2 + bn2
    x2 = out2 + x1
    # --- graph pooling (scatter_mean over batch) + fc ---
    pooled = jax.ops.segment_sum(x2, batch, num_segments=G) / counts
    return pooled @ Wfc + bfc

if __name__ == "__main__":
    import jax
    _d = setup_inputs()
    print(jax.jit(kernel)(*tuple(_d.values())))

</pallas_src>

<mosaic_0001>
#map = affine_map<(d0, d1) -> (0, 0)>
#map1 = affine_map<(d0, d1) -> (0, 0, 0)>
module attributes {stable_mosaic.version = 14 : i64} {
  func.func @_sc_edge_pass_b(%arg0: i32, %arg1: i32, %arg2: memref<10000x128xf32, #tpu.memory_space<hbm>>, %arg3: memref<32x160x64xi32, #tpu.memory_space<hbm>>, %arg4: memref<32x160x64xi32, #tpu.memory_space<hbm>>, %arg5: memref<5000x64x128xf32, #tpu.memory_space<hbm>>, %arg6: memref<632x128xf32, #tpu.memory_space<hbm>>, %arg7: memref<2x10112x128xf32, #tpu.memory_space<hbm>>, %arg8: memref<4x64xi32, #tpu.memory_space<vmem>>, %arg9: memref<2x64xi32, #tpu.memory_space<vmem>>, %arg10: memref<64x128xf32, #tpu.memory_space<vmem>>, %arg11: memref<64x128xf32, #tpu.memory_space<vmem>>, %arg12: memref<64x128xf32, #tpu.memory_space<vmem>>, %arg13: memref<64x128xf32, #tpu.memory_space<vmem>>, %arg14: memref<64x128xf32, #tpu.memory_space<vmem>>, %arg15: memref<64x128xf32, #tpu.memory_space<vmem>>, %arg16: memref<10112x128xf32, #tpu.memory_space<vmem_shared>>, %arg17: memref<!tpu.dma_semaphore, #tpu.memory_space<semaphore_mem>>, %arg18: memref<!tpu.dma_semaphore, #tpu.memory_space<semaphore_mem>>, %arg19: memref<!tpu.dma_semaphore, #tpu.memory_space<semaphore_mem>>, %arg20: memref<!tpu.dma_semaphore, #tpu.memory_space<semaphore_mem>>, %arg21: memref<!tpu.dma_semaphore, #tpu.memory_space<semaphore_mem>>, %arg22: memref<!tpu.dma_semaphore, #tpu.memory_space<semaphore_mem>>, %arg23: memref<!tpu.dma_semaphore, #tpu.memory_space<semaphore_mem>>, %arg24: memref<!tpu.dma_semaphore, #tpu.memory_space<semaphore_mem>>, %arg25: memref<!tpu.dma_semaphore, #tpu.memory_space<semaphore_mem>>, %arg26: memref<!tpu.dma_semaphore, #tpu.memory_space<semaphore_mem>>, %arg27: memref<!tpu.dma_semaphore, #tpu.memory_space<semaphore_mem>>, %arg28: memref<!tpu.dma_semaphore, #tpu.memory_space<semaphore_mem>>, %arg29: memref<!tpu.dma_semaphore, #tpu.memory_space<semaphore_mem>>, %arg30: memref<!tpu.dma_semaphore, #tpu.memory_space<semaphore_mem>>) attributes {dimension_semantics = [#tpu.dimension_semantics<core_parallel>, #tpu.dimension_semantics<subcore_parallel>], iteration_bounds = array<i64: 2, 16>, scalar_prefetch = 0 : i64, scratch_operands = 23 : i64, tpu.core_type = #tpu.core_type<sc_vector_subcore>, window_params = [{transform_indices = #map}, {transform_indices = #map1}, {transform_indices = #map1}, {transform_indices = #map1}, {transform_indices = #map}, {transform_indices = #map1}]} {
    %mul3A = arith.constant 16 : i32
    %mul3A_0 = arith.muli %arg0, %mul3A : i32
    %add3A = arith.addi %mul3A_0, %arg1 : i32
    %mul3A_1 = arith.constant 632 : i32
    %mul3A_2 = arith.muli %arg1, %mul3A_1 : i32
    "tpu.region"() ({
      %run_scoped3A_61 = tpu.sem_alloc : memref<!tpu.dma_semaphore, #tpu.memory_space<semaphore_mem>>
      %dma_start3A_62 = arith.constant 0 : i32
      %dma_start3A_63 = tpu.memref_slice %arg16[%mul3A_2, %dma_start3A_62] : memref<10112x128xf32, #tpu.memory_space<vmem_shared>> -> memref<632x128xf32, #tpu.memory_space<vmem_shared>>
      tpu.enqueue_dma source(%arg6 : memref<632x128xf32, #tpu.memory_space<hbm>>) target(%dma_start3A_63 : memref<632x128xf32, #tpu.memory_space<vmem_shared>>) target_semaphore(%run_scoped3A_61 : memref<!tpu.dma_semaphore, #tpu.memory_space<semaphore_mem>>)
      %dma_wait3A_64 = arith.constant 0 : i32
      %dma_wait3A_65 = tpu.memref_slice %arg16[%mul3A_2, %dma_wait3A_64] : memref<10112x128xf32, #tpu.memory_space<vmem_shared>> -> memref<632x128xf32, #tpu.memory_space<vmem_shared>>
      tpu.wait_dma2 semaphore(%run_scoped3A_61 : memref<!tpu.dma_semaphore, #tpu.memory_space<semaphore_mem>>) src(%arg6 : memref<632x128xf32, #tpu.memory_space<hbm>>) dst(%dma_wait3A_65 : memref<632x128xf32, #tpu.memory_space<vmem_shared>>)
      tpu.yield
    }) : () -> ()
    %barrier3A = arith.constant 0 : index
    tpu.barrier barrier_id(%barrier3A)
    %run_scoped3A = arith.constant 0 : i32
    %run_scoped3A_3 = arith.constant 0 : i32
    "tpu.region"() ({
      %run_scoped3A_61 = tpu.sem_alloc : memref<!tpu.dma_semaphore, #tpu.memory_space<semaphore_mem>>
      %dma_start3A_62 = arith.constant 0 : i32
      %dma_start3A_63 = tpu.memref_slice %arg8[%run_scoped3A_3, %dma_start3A_62] : memref<4x64xi32, #tpu.memory_space<vmem>> -> memref<1x64xi32, #tpu.memory_space<vmem>>
      %dma_start3A_64 = tpu.memref_squeeze %dma_start3A_63 : memref<1x64xi32, #tpu.memory_space<vmem>> -> memref<64xi32, #tpu.memory_space<vmem>>
      %dma_start3A_65 = arith.constant 0 : i32
      %dma_start3A_66 = tpu.memref_slice %arg4[%add3A, %run_scoped3A, %dma_start3A_65] : memref<32x160x64xi32, #tpu.memory_space<hbm>> -> memref<1x1x64xi32, #tpu.memory_space<hbm>>
      %dma_start3A_67 = tpu.memref_squeeze %dma_start3A_66 : memref<1x1x64xi32, #tpu.memory_space<hbm>> -> memref<64xi32, #tpu.memory_space<hbm>>
      %dma_start3A_68 = arith.constant 0 : i32
      %dma_start3A_69 = tpu.memref_slice %arg8[%run_scoped3A_3, %dma_start3A_68] : memref<4x64xi32, #tpu.memory_space<vmem>> -> memref<1x64xi32, #tpu.memory_space<vmem>>
      %dma_start3A_70 = tpu.memref_squeeze %dma_start3A_69 : memref<1x64xi32, #tpu.memory_space<vmem>> -> memref<64xi32, #tpu.memory_space<vmem>>
      %dma_start3A_71 = arith.constant 0 : i32
      %dma_start3A_72 = tpu.memref_slice %arg4[%add3A, %run_scoped3A, %dma_start3A_71] : memref<32x160x64xi32, #tpu.memory_space<hbm>> -> memref<1x1x64xi32, #tpu.memory_space<hbm>>
      %dma_start3A_73 = tpu.memref_squeeze %dma_start3A_72 : memref<1x1x64xi32, #tpu.memory_space<hbm>> -> memref<64xi32, #tpu.memory_space<hbm>>
      tpu.enqueue_dma source(%dma_start3A_73 : memref<64xi32, #tpu.memory_space<hbm>>) target(%dma_start3A_70 : memref<64xi32, #tpu.memory_space<vmem>>) target_semaphore(%run_scoped3A_61 : memref<!tpu.dma_semaphore, #tpu.memory_space<semaphore_mem>>)
      %dma_wait3A_74 = arith.constant 0 : i32
      %dma_wait3A_75 = tpu.memref_slice %arg8[%run_scoped3A_3, %dma_wait3A_74] : memref<4x64xi32, #tpu.memory_space<vmem>> -> memref<1x64xi32, #tpu.memory_space<vmem>>
      %dma_wait3A_76 = tpu.memref_squeeze %dma_wait3A_75 : memref<1x64xi32, #tpu.memory_space<vmem>> -> memref<64xi32, #tpu.memory_space<vmem>>
      %dma_wait3A_77 = arith.constant 0 : i32
      %dma_wait3A_78 = tpu.memref_slice %arg4[%add3A, %run_scoped3A, %dma_wait3A_77] : memref<32x160x64xi32, #tpu.memory_space<hbm>> -> memref<1x1x64xi32, #tpu.memory_space<hbm>>
      %dma_wait3A_79 = tpu.memref_squeeze %dma_wait3A_78 : memref<1x1x64xi32, #tpu.memory_space<hbm>> -> memref<64xi32, #tpu.memory_space<hbm>>
      %dma_wait3A_80 = arith.constant 0 : i32
      %dma_wait3A_81 = tpu.memref_slice %arg8[%run_scoped3A_3, %dma_wait3A_80] : memref<4x64xi32, #tpu.memory_space<vmem>> -> memref<1x64xi32, #tpu.memory_space<vmem>>
      %dma_wait3A_82 = tpu.memref_squeeze %dma_wait3A_81 : memref<1x64xi32, #tpu.memory_space<vmem>> -> memref<64xi32, #tpu.memory_space<vmem>>
      %dma_wait3A_83 = arith.constant 0 : i32
      %dma_wait3A_84 = tpu.memref_slice %arg4[%add3A, %run_scoped3A, %dma_wait3A_83] : memref<32x160x64xi32, #tpu.memory_space<hbm>> -> memref<1x1x64xi32, #tpu.memory_space<hbm>>
      %dma_wait3A_85 = tpu.memref_squeeze %dma_wait3A_84 : memref<1x1x64xi32, #tpu.memory_space<hbm>> -> memref<64xi32, #tpu.memory_space<hbm>>
      tpu.wait_dma2 semaphore(%run_scoped3A_61 : memref<!tpu.dma_semaphore, #tpu.memory_space<semaphore_mem>>) src(%dma_wait3A_85 : memref<64xi32, #tpu.memory_space<hbm>>) dst(%dma_wait3A_82 : memref<64xi32, #tpu.memory_space<vmem>>)
      tpu.yield
    }) : () -> ()
    %run_scoped3A_4 = arith.constant 1 : i32
    %run_scoped3A_5 = arith.constant 1 : i32
    "tpu.region"() ({
      %run_scoped3A_61 = tpu.sem_alloc : memref<!tpu.dma_semaphore, #tpu.memory_space<semaphore_mem>>
      %dma_start3A_62 = arith.constant 0 : i32
      %dma_start3A_63 = tpu.memref_slice %arg8[%run_scoped3A_5, %dma_start3A_62] : memref<4x64xi32, #tpu.memory_space<vmem>> -> memref<1x64xi32, #tpu.memory_space<vmem>>
      %dma_start3A_64 = tpu.memref_squeeze %dma_start3A_63 : memref<1x64xi32, #tpu.memory_space<vmem>> -> memref<64xi32, #tpu.memory_space<vmem>>
      %dma_start3A_65 = arith.constant 0 : i32
      %dma_start3A_66 = tpu.memref_slice %arg4[%add3A, %run_scoped3A_4, %dma_start3A_65] : memref<32x160x64xi32, #tpu.memory_space<hbm>> -> memref<1x1x64xi32, #tpu.memory_space<hbm>>
      %dma_start3A_67 = tpu.memref_squeeze %dma_start3A_66 : memref<1x1x64xi32, #tpu.memory_space<hbm>> -> memref<64xi32, #tpu.memory_space<hbm>>
      %dma_start3A_68 = arith.constant 0 : i32
      %dma_start3A_69 = tpu.memref_slice %arg8[%run_scoped3A_5, %dma_start3A_68] : memref<4x64xi32, #tpu.memory_space<vmem>> -> memref<1x64xi32, #tpu.memory_space<vmem>>
      %dma_start3A_70 = tpu.memref_squeeze %dma_start3A_69 : memref<1x64xi32, #tpu.memory_space<vmem>> -> memref<64xi32, #tpu.memory_space<vmem>>
      %dma_start3A_71 = arith.constant 0 : i32
      %dma_start3A_72 = tpu.memref_slice %arg4[%add3A, %run_scoped3A_4, %dma_start3A_71] : memref<32x160x64xi32, #tpu.memory_space<hbm>> -> memref<1x1x64xi32, #tpu.memory_space<hbm>>
      %dma_start3A_73 = tpu.memref_squeeze %dma_start3A_72 : memref<1x1x64xi32, #tpu.memory_space<hbm>> -> memref<64xi32, #tpu.memory_space<hbm>>
      tpu.enqueue_dma source(%dma_start3A_73 : memref<64xi32, #tpu.memory_space<hbm>>) target(%dma_start3A_70 : memref<64xi32, #tpu.memory_space<vmem>>) target_semaphore(%run_scoped3A_61 : memref<!tpu.dma_semaphore, #tpu.memory_space<semaphore_mem>>)
      %dma_wait3A_74 = arith.constant 0 : i32
      %dma_wait3A_75 = tpu.memref_slice %arg8[%run_scoped3A_5, %dma_wait3A_74] : memref<4x64xi32, #tpu.memory_space<vmem>> -> memref<1x64xi32, #tpu.memory_space<vmem>>
      %dma_wait3A_76 = tpu.memref_squeeze %dma_wait3A_75 : memref<1x64xi32, #tpu.memory_space<vmem>> -> memref<64xi32, #tpu.memory_space<vmem>>
      %dma_wait3A_77 = arith.constant 0 : i32
      %dma_wait3A_78 = tpu.memref_slice %arg4[%add3A, %run_scoped3A_4, %dma_wait3A_77] : memref<32x160x64xi32, #tpu.memory_space<hbm>> -> memref<1x1x64xi32, #tpu.memory_space<hbm>>
      %dma_wait3A_79 = tpu.memref_squeeze %dma_wait3A_78 : memref<1x1x64xi32, #tpu.memory_space<hbm>> -> memref<64xi32, #tpu.memory_space<hbm>>
      %dma_wait3A_80 = arith.constant 0 : i32
      %dma_wait3A_81 = tpu.memref_slice %arg8[%run_scoped3A_5, %dma_wait3A_80] : memref<4x64xi32, #tpu.memory_space<vmem>> -> memref<1x64xi32, #tpu.memory_space<vmem>>
      %dma_wait3A_82 = tpu.memref_squeeze %dma_wait3A_81 : memref<1x64xi32, #tpu.memory_space<vmem>> -> memref<64xi32, #tpu.memory_space<vmem>>
      %dma_wait3A_83 = arith.constant 0 : i32
      %dma_wait3A_84 = tpu.memref_slice %arg4[%add3A, %run_scoped3A_4, %dma_wait3A_83] : memref<32x160x64xi32, #tpu.memory_space<hbm>> -> memref<1x1x64xi32, #tpu.memory_space<hbm>>
      %dma_wait3A_85 = tpu.memref_squeeze %dma_wait3A_84 : memref<1x1x64xi32, #tpu.memory_space<hbm>> -> memref<64xi32, #tpu.memory_space<hbm>>
      tpu.wait_dma2 semaphore(%run_scoped3A_61 : memref<!tpu.dma_semaphore, #tpu.memory_space<semaphore_mem>>) src(%dma_wait3A_85 : memref<64xi32, #tpu.memory_space<hbm>>) dst(%dma_wait3A_82 : memref<64xi32, #tpu.memory_space<vmem>>)
      tpu.yield
    }) : () -> ()
    %run_scoped3A_6 = arith.constant 2 : i32
    %run_scoped3A_7 = arith.constant 2 : i32
    "tpu.region"() ({
      %run_scoped3A_61 = tpu.sem_alloc : memref<!tpu.dma_semaphore, #tpu.memory_space<semaphore_mem>>
      %dma_start3A_62 = arith.constant 0 : i32
      %dma_start3A_63 = tpu.memref_slice %arg8[%run_scoped3A_7, %dma_start3A_62] : memref<4x64xi32, #tpu.memory_space<vmem>> -> memref<1x64xi32, #tpu.memory_space<vmem>>
      %dma_start3A_64 = tpu.memref_squeeze %dma_start3A_63 : memref<1x64xi32, #tpu.memory_space<vmem>> -> memref<64xi32, #tpu.memory_space<vmem>>
      %dma_start3A_65 = arith.constant 0 : i32
      %dma_start3A_66 = tpu.memref_slice %arg4[%add3A, %run_scoped3A_6, %dma_start3A_65] : memref<32x160x64xi32, #tpu.memory_space<hbm>> -> memref<1x1x64xi32, #tpu.memory_space<hbm>>
      %dma_start3A_67 = tpu.memref_squeeze %dma_start3A_66 : memref<1x1x64xi32, #tpu.memory_space<hbm>> -> memref<64xi32, #tpu.memory_space<hbm>>
      %dma_start3A_68 = arith.constant 0 : i32
      %dma_start3A_69 = tpu.memref_slice %arg8[%run_scoped3A_7, %dma_start3A_68] : memref<4x64xi32, #tpu.memory_space<vmem>> -> memref<1x64xi32, #tpu.memory_space<vmem>>
      %dma_start3A_70 = tpu.memref_squeeze %dma_start3A_69 : memref<1x64xi32, #tpu.memory_space<vmem>> -> memref<64xi32, #tpu.memory_space<vmem>>
      %dma_start3A_71 = arith.constant 0 : i32
      %dma_start3A_72 = tpu.memref_slice %arg4[%add3A, %run_scoped3A_6, %dma_start3A_71] : memref<32x160x64xi32, #tpu.memory_space<hbm>> -> memref<1x1x64xi32, #tpu.memory_space<hbm>>
      %dma_start3A_73 = tpu.memref_squeeze %dma_start3A_72 : memref<1x1x64xi32, #tpu.memory_space<hbm>> -> memref<64xi32, #tpu.memory_space<hbm>>
      tpu.enqueue_dma source(%dma_start3A_73 : memref<64xi32, #tpu.memory_space<hbm>>) target(%dma_start3A_70 : memref<64xi32, #tpu.memory_space<vmem>>) target_semaphore(%run_scoped3A_61 : memref<!tpu.dma_semaphore, #tpu.memory_space<semaphore_mem>>)
      %dma_wait3A_74 = arith.constant 0 : i32
      %dma_wait3A_75 = tpu.memref_slice %arg8[%run_scoped3A_7, %dma_wait3A_74] : memref<4x64xi32, #tpu.memory_space<vmem>> -> memref<1x64xi32, #tpu.memory_space<vmem>>
      %dma_wait3A_76 = tpu.memref_squeeze %dma_wait3A_75 : memref<1x64xi32, #tpu.memory_space<vmem>> -> memref<64xi32, #tpu.memory_space<vmem>>
      %dma_wait3A_77 = arith.constant 0 : i32
      %dma_wait3A_78 = tpu.memref_slice %arg4[%add3A, %run_scoped3A_6, %dma_wait3A_77] : memref<32x160x64xi32, #tpu.memory_space<hbm>> -> memref<1x1x64xi32, #tpu.memory_space<hbm>>
      %dma_wait3A_79 = tpu.memref_squeeze %dma_wait3A_78 : memref<1x1x64xi32, #tpu.memory_space<hbm>> -> memref<64xi32, #tpu.memory_space<hbm>>
      %dma_wait3A_80 = arith.constant 0 : i32
      %dma_wait3A_81 = tpu.memref_slice %arg8[%run_scoped3A_7, %dma_wait3A_80] : memref<4x64xi32, #tpu.memory_space<vmem>> -> memref<1x64xi32, #tpu.memory_space<vmem>>
      %dma_wait3A_82 = tpu.memref_squeeze %dma_wait3A_81 : memref<1x64xi32, #tpu.memory_space<vmem>> -> memref<64xi32, #tpu.memory_space<vmem>>
      %dma_wait3A_83 = arith.constant 0 : i32
      %dma_wait3A_84 = tpu.memref_slice %arg4[%add3A, %run_scoped3A_6, %dma_wait3A_83] : memref<32x160x64xi32, #tpu.memory_space<hbm>> -> memref<1x1x64xi32, #tpu.memory_space<hbm>>
      %dma_wait3A_85 = tpu.memref_squeeze %dma_wait3A_84 : memref<1x1x64xi32, #tpu.memory_space<hbm>> -> memref<64xi32, #tpu.memory_space<hbm>>
      tpu.wait_dma2 semaphore(%run_scoped3A_61 : memref<!tpu.dma_semaphore, #tpu.memory_space<semaphore_mem>>) src(%dma_wait3A_85 : memref<64xi32, #tpu.memory_space<hbm>>) dst(%dma_wait3A_82 : memref<64xi32, #tpu.memory_space<vmem>>)
      tpu.yield
    }) : () -> ()
    %run_scoped3A_8 = arith.constant 3 : i32
    %run_scoped3A_9 = arith.constant 3 : i32
    "tpu.region"() ({
      %run_scoped3A_61 = tpu.sem_alloc : memref<!tpu.dma_semaphore, #tpu.memory_space<semaphore_mem>>
      %dma_start3A_62 = arith.constant 0 : i32
      %dma_start3A_63 = tpu.memref_slice %arg8[%run_scoped3A_9, %dma_start3A_62] : memref<4x64xi32, #tpu.memory_space<vmem>> -> memref<1x64xi32, #tpu.memory_space<vmem>>
      %dma_start3A_64 = tpu.memref_squeeze %dma_start3A_63 : memref<1x64xi32, #tpu.memory_space<vmem>> -> memref<64xi32, #tpu.memory_space<vmem>>
      %dma_start3A_65 = arith.constant 0 : i32
      %dma_start3A_66 = tpu.memref_slice %arg4[%add3A, %run_scoped3A_8, %dma_start3A_65] : memref<32x160x64xi32, #tpu.memory_space<hbm>> -> memref<1x1x64xi32, #tpu.memory_space<hbm>>
      %dma_start3A_67 = tpu.memref_squeeze %dma_start3A_66 : memref<1x1x64xi32, #tpu.memory_space<hbm>> -> memref<64xi32, #tpu.memory_space<hbm>>
      %dma_start3A_68 = arith.constant 0 : i32
      %dma_start3A_69 = tpu.memref_slice %arg8[%run_scoped3A_9, %dma_start3A_68] : memref<4x64xi32, #tpu.memory_space<vmem>> -> memref<1x64xi32, #tpu.memory_space<vmem>>
      %dma_start3A_70 = tpu.memref_squeeze %dma_start3A_69 : memref<1x64xi32, #tpu.memory_space<vmem>> -> memref<64xi32, #tpu.memory_space<vmem>>
      %dma_start3A_71 = arith.constant 0 : i32
      %dma_start3A_72 = tpu.memref_slice %arg4[%add3A, %run_scoped3A_8, %dma_start3A_71] : memref<32x160x64xi32, #tpu.memory_space<hbm>> -> memref<1x1x64xi32, #tpu.memory_space<hbm>>
      %dma_start3A_73 = tpu.memref_squeeze %dma_start3A_72 : memref<1x1x64xi32, #tpu.memory_space<hbm>> -> memref<64xi32, #tpu.memory_space<hbm>>
      tpu.enqueue_dma source(%dma_start3A_73 : memref<64xi32, #tpu.memory_space<hbm>>) target(%dma_start3A_70 : memref<64xi32, #tpu.memory_space<vmem>>) target_semaphore(%run_scoped3A_61 : memref<!tpu.dma_semaphore, #tpu.memory_space<semaphore_mem>>)
      %dma_wait3A_74 = arith.constant 0 : i32
      %dma_wait3A_75 = tpu.memref_slice %arg8[%run_scoped3A_9, %dma_wait3A_74] : memref<4x64xi32, #tpu.memory_space<vmem>> -> memref<1x64xi32, #tpu.memory_space<vmem>>
      %dma_wait3A_76 = tpu.memref_squeeze %dma_wait3A_75 : memref<1x64xi32, #tpu.memory_space<vmem>> -> memref<64xi32, #tpu.memory_space<vmem>>
      %dma_wait3A_77 = arith.constant 0 : i32
      %dma_wait3A_78 = tpu.memref_slice %arg4[%add3A, %run_scoped3A_8, %dma_wait3A_77] : memref<32x160x64xi32, #tpu.memory_space<hbm>> -> memref<1x1x64xi32, #tpu.memory_space<hbm>>
      %dma_wait3A_79 = tpu.memref_squeeze %dma_wait3A_78 : memref<1x1x64xi32, #tpu.memory_space<hbm>> -> memref<64xi32, #tpu.memory_space<hbm>>
      %dma_wait3A_80 = arith.constant 0 : i32
      %dma_wait3A_81 = tpu.memref_slice %arg8[%run_scoped3A_9, %dma_wait3A_80] : memref<4x64xi32, #tpu.memory_space<vmem>> -> memref<1x64xi32, #tpu.memory_space<vmem>>
      %dma_wait3A_82 = tpu.memref_squeeze %dma_wait3A_81 : memref<1x64xi32, #tpu.memory_space<vmem>> -> memref<64xi32, #tpu.memory_space<vmem>>
      %dma_wait3A_83 = arith.constant 0 : i32
      %dma_wait3A_84 = tpu.memref_slice %arg4[%add3A, %run_scoped3A_8, %dma_wait3A_83] : memref<32x160x64xi32, #tpu.memory_space<hbm>> -> memref<1x1x64xi32, #tpu.memory_space<hbm>>
      %dma_wait3A_85 = tpu.memref_squeeze %dma_wait3A_84 : memref<1x1x64xi32, #tpu.memory_space<hbm>> -> memref<64xi32, #tpu.memory_space<hbm>>
      tpu.wait_dma2 semaphore(%run_scoped3A_61 : memref<!tpu.dma_semaphore, #tpu.memory_space<semaphore_mem>>) src(%dma_wait3A_85 : memref<64xi32, #tpu.memory_space<hbm>>) dst(%dma_wait3A_82 : memref<64xi32, #tpu.memory_space<vmem>>)
      tpu.yield
    }) : () -> ()
    %run_scoped3A_10 = arith.constant 0 : i32
    %run_scoped3A_11 = arith.constant 0 : i32
    "tpu.region"() ({
      %run_scoped3A_61 = tpu.sem_alloc : memref<!tpu.dma_semaphore, #tpu.memory_space<semaphore_mem>>
      %dma_start3A_62 = arith.constant 0 : i32
      %dma_start3A_63 = tpu.memref_slice %arg9[%run_scoped3A_11, %dma_start3A_62] : memref<2x64xi32, #tpu.memory_space<vmem>> -> memref<1x64xi32, #tpu.memory_space<vmem>>
      %dma_start3A_64 = tpu.memref_squeeze %dma_start3A_63 : memref<1x64xi32, #tpu.memory_space<vmem>> -> memref<64xi32, #tpu.memory_space<vmem>>
      %dma_start3A_65 = arith.constant 0 : i32
      %dma_start3A_66 = tpu.memref_slice %arg3[%add3A, %run_scoped3A_10, %dma_start3A_65] : memref<32x160x64xi32, #tpu.memory_space<hbm>> -> memref<1x1x64xi32, #tpu.memory_space<hbm>>
      %dma_start3A_67 = tpu.memref_squeeze %dma_start3A_66 : memref<1x1x64xi32, #tpu.memory_space<hbm>> -> memref<64xi32, #tpu.memory_space<hbm>>
      %dma_start3A_68 = arith.constant 0 : i32
      %dma_start3A_69 = tpu.memref_slice %arg9[%run_scoped3A_11, %dma_start3A_68] : memref<2x64xi32, #tpu.memory_space<vmem>> -> memref<1x64xi32, #tpu.memory_space<vmem>>
      %dma_start3A_70 = tpu.memref_squeeze %dma_start3A_69 : memref<1x64xi32, #tpu.memory_space<vmem>> -> memref<64xi32, #tpu.memory_space<vmem>>
      %dma_start3A_71 = arith.constant 0 : i32
      %dma_start3A_72 = tpu.memref_slice %arg3[%add3A, %run_scoped3A_10, %dma_start3A_71] : memref<32x160x64xi32, #tpu.memory_space<hbm>> -> memref<1x1x64xi32, #tpu.memory_space<hbm>>
      %dma_start3A_73 = tpu.memref_squeeze %dma_start3A_72 : memref<1x1x64xi32, #tpu.memory_space<hbm>> -> memref<64xi32, #tpu.memory_space<hbm>>
      tpu.enqueue_dma source(%dma_start3A_73 : memref<64xi32, #tpu.memory_space<hbm>>) target(%dma_start3A_70 : memref<64xi32, #tpu.memory_space<vmem>>) target_semaphore(%run_scoped3A_61 : memref<!tpu.dma_semaphore, #tpu.memory_space<semaphore_mem>>)
      %dma_wait3A_74 = arith.constant 0 : i32
      %dma_wait3A_75 = tpu.memref_slice %arg9[%run_scoped3A_11, %dma_wait3A_74] : memref<2x64xi32, #tpu.memory_space<vmem>> -> memref<1x64xi32, #tpu.memory_space<vmem>>
      %dma_wait3A_76 = tpu.memref_squeeze %dma_wait3A_75 : memref<1x64xi32, #tpu.memory_space<vmem>> -> memref<64xi32, #tpu.memory_space<vmem>>
      %dma_wait3A_77 = arith.constant 0 : i32
      %dma_wait3A_78 = tpu.memref_slice %arg3[%add3A, %run_scoped3A_10, %dma_wait3A_77] : memref<32x160x64xi32, #tpu.memory_space<hbm>> -> memref<1x1x64xi32, #tpu.memory_space<hbm>>
      %dma_wait3A_79 = tpu.memref_squeeze %dma_wait3A_78 : memref<1x1x64xi32, #tpu.memory_space<hbm>> -> memref<64xi32, #tpu.memory_space<hbm>>
      %dma_wait3A_80 = arith.constant 0 : i32
      %dma_wait3A_81 = tpu.memref_slice %arg9[%run_scoped3A_11, %dma_wait3A_80] : memref<2x64xi32, #tpu.memory_space<vmem>> -> memref<1x64xi32, #tpu.memory_space<vmem>>
      %dma_wait3A_82 = tpu.memref_squeeze %dma_wait3A_81 : memref<1x64xi32, #tpu.memory_space<vmem>> -> memref<64xi32, #tpu.memory_space<vmem>>
      %dma_wait3A_83 = arith.constant 0 : i32
      %dma_wait3A_84 = tpu.memref_slice %arg3[%add3A, %run_scoped3A_10, %dma_wait3A_83] : memref<32x160x64xi32, #tpu.memory_space<hbm>> -> memref<1x1x64xi32, #tpu.memory_space<hbm>>
      %dma_wait3A_85 = tpu.memref_squeeze %dma_wait3A_84 : memref<1x1x64xi32, #tpu.memory_space<hbm>> -> memref<64xi32, #tpu.memory_space<hbm>>
      tpu.wait_dma2 semaphore(%run_scoped3A_61 : memref<!tpu.dma_semaphore, #tpu.memory_space<semaphore_mem>>) src(%dma_wait3A_85 : memref<64xi32, #tpu.memory_space<hbm>>) dst(%dma_wait3A_82 : memref<64xi32, #tpu.memory_space<vmem>>)
      tpu.yield
    }) : () -> ()
    %dma_start3A = arith.constant 0 : i32
    %dma_start3A_12 = arith.constant 0 : i32
    %dma_start3A_13 = tpu.memref_slice %arg9[%dma_start3A, %dma_start3A_12] : memref<2x64xi32, #tpu.memory_space<vmem>> -> memref<1x64xi32, #tpu.memory_space<vmem>>
    %dma_start3A_14 = tpu.memref_squeeze %dma_start3A_13 : memref<1x64xi32, #tpu.memory_space<vmem>> -> memref<64xi32, #tpu.memory_space<vmem>>
    %dma_start3A_15 = arith.constant 0 : i32
    %dma_start3A_16 = arith.constant 0 : i32
    %dma_start3A_17 = tpu.memref_slice %arg2[%dma_start3A_15, %dma_start3A_16] : memref<10000x128xf32, #tpu.memory_space<hbm>> -> memref<10000x128xf32, #tpu.memory_space<hbm>>
    tpu.enqueue_indirect_dma source(%dma_start3A_17 : memref<10000x128xf32, #tpu.memory_space<hbm>>) target(%arg10 : memref<64x128xf32, #tpu.memory_space<vmem>>) offsets(%dma_start3A_14 : memref<64xi32, #tpu.memory_space<vmem>>) semaphore(%arg17 : memref<!tpu.dma_semaphore, #tpu.memory_space<semaphore_mem>>)
    %mul3A_18 = arith.constant 160 : i32
    %mul3A_19 = arith.muli %add3A, %mul3A_18 : i32
    %add3A_20 = arith.constant 0 : i32
    %add3A_21 = arith.addi %mul3A_19, %add3A_20 : i32
    %lt3A = arith.constant 5000 : i32
    %lt3A_22 = arith.cmpi slt, %add3A_21, %lt3A : i32
    %convert_element_type3A = arith.extui %lt3A_22 : i1 to i32
    %cond3A = arith.constant 0 : i32
    %cond3A_23 = arith.cmpi ne, %convert_element_type3A, %cond3A : i32
    scf.if %cond3A_23 {
      %dma_start3A_61 = arith.constant 0 : i32
      %dma_start3A_62 = arith.constant 0 : i32
      %dma_start3A_63 = tpu.memref_slice %arg5[%add3A_21, %dma_start3A_61, %dma_start3A_62] : memref<5000x64x128xf32, #tpu.memory_space<hbm>> -> memref<1x64x128xf32, #tpu.memory_space<hbm>>
      %dma_start3A_64 = tpu.memref_squeeze %dma_start3A_63 : memref<1x64x128xf32, #tpu.memory_space<hbm>> -> memref<64x128xf32, #tpu.memory_space<hbm>>
      %dma_start3A_65 = arith.constant 0 : i32
      %dma_start3A_66 = arith.constant 0 : i32
      %dma_start3A_67 = tpu.memref_slice %arg5[%add3A_21, %dma_start3A_65, %dma_start3A_66] : memref<5000x64x128xf32, #tpu.memory_space<hbm>> -> memref<1x64x128xf32, #tpu.memory_space<hbm>>
      %dma_start3A_68 = tpu.memref_squeeze %dma_start3A_67 : memref<1x64x128xf32, #tpu.memory_space<hbm>> -> memref<64x128xf32, #tpu.memory_space<hbm>>
      tpu.enqueue_dma source(%dma_start3A_68 : memref<64x128xf32, #tpu.memory_space<hbm>>) target(%arg14 : memref<64x128xf32, #tpu.memory_space<vmem>>) target_semaphore(%arg29 : memref<!tpu.dma_semaphore, #tpu.memory_space<semaphore_mem>>)
    } else {
    }
    %run_scoped3A_24 = arith.constant 1 : i32
    %run_scoped3A_25 = arith.constant 1 : i32
    "tpu.region"() ({
      %run_scoped3A_61 = tpu.sem_alloc : memref<!tpu.dma_semaphore, #tpu.memory_space<semaphore_mem>>
      %dma_start3A_62 = arith.constant 0 : i32
      %dma_start3A_63 = tpu.memref_slice %arg9[%run_scoped3A_25, %dma_start3A_62] : memref<2x64xi32, #tpu.memory_space<vmem>> -> memref<1x64xi32, #tpu.memory_space<vmem>>
      %dma_start3A_64 = tpu.memref_squeeze %dma_start3A_63 : memref<1x64xi32, #tpu.memory_space<vmem>> -> memref<64xi32, #tpu.memory_space<vmem>>
      %dma_start3A_65 = arith.constant 0 : i32
      %dma_start3A_66 = tpu.memref_slice %arg3[%add3A, %run_scoped3A_24, %dma_start3A_65] : memref<32x160x64xi32, #tpu.memory_space<hbm>> -> memref<1x1x64xi32, #tpu.memory_space<hbm>>
      %dma_start3A_67 = tpu.memref_squeeze %dma_start3A_66 : memref<1x1x64xi32, #tpu.memory_space<hbm>> -> memref<64xi32, #tpu.memory_space<hbm>>
      %dma_start3A_68 = arith.constant 0 : i32
      %dma_start3A_69 = tpu.memref_slice %arg9[%run_scoped3A_25, %dma_start3A_68] : memref<2x64xi32, #tpu.memory_space<vmem>> -> memref<1x64xi32, #tpu.memory_space<vmem>>
      %dma_start3A_70 = tpu.memref_squeeze %dma_start3A_69 : memref<1x64xi32, #tpu.memory_space<vmem>> -> memref<64xi32, #tpu.memory_space<vmem>>
      %dma_start3A_71 = arith.constant 0 : i32
      %dma_start3A_72 = tpu.memref_slice %arg3[%add3A, %run_scoped3A_24, %dma_start3A_71] : memref<32x160x64xi32, #tpu.memory_space<hbm>> -> memref<1x1x64xi32, #tpu.memory_space<hbm>>
      %dma_start3A_73 = tpu.memref_squeeze %dma_start3A_72 : memref<1x1x64xi32, #tpu.memory_space<hbm>> -> memref<64xi32, #tpu.memory_space<hbm>>
      tpu.enqueue_dma source(%dma_start3A_73 : memref<64xi32, #tpu.memory_space<hbm>>) target(%dma_start3A_70 : memref<64xi32, #tpu.memory_space<vmem>>) target_semaphore(%run_scoped3A_61 : memref<!tpu.dma_semaphore, #tpu.memory_space<semaphore_mem>>)
      %dma_wait3A_74 = arith.constant 0 : i32
      %dma_wait3A_75 = tpu.memref_slice %arg9[%run_scoped3A_25, %dma_wait3A_74] : memref<2x64xi32, #tpu.memory_space<vmem>> -> memref<1x64xi32, #tpu.memory_space<vmem>>
      %dma_wait3A_76 = tpu.memref_squeeze %dma_wait3A_75 : memref<1x64xi32, #tpu.memory_space<vmem>> -> memref<64xi32, #tpu.memory_space<vmem>>
      %dma_wait3A_77 = arith.constant 0 : i32
      %dma_wait3A_78 = tpu.memref_slice %arg3[%add3A, %run_scoped3A_24, %dma_wait3A_77] : memref<32x160x64xi32, #tpu.memory_space<hbm>> -> memref<1x1x64xi32, #tpu.memory_space<hbm>>
      %dma_wait3A_79 = tpu.memref_squeeze %dma_wait3A_78 : memref<1x1x64xi32, #tpu.memory_space<hbm>> -> memref<64xi32, #tpu.memory_space<hbm>>
      %dma_wait3A_80 = arith.constant 0 : i32
      %dma_wait3A_81 = tpu.memref_slice %arg9[%run_scoped3A_25, %dma_wait3A_80] : memref<2x64xi32, #tpu.memory_space<vmem>> -> memref<1x64xi32, #tpu.memory_space<vmem>>
      %dma_wait3A_82 = tpu.memref_squeeze %dma_wait3A_81 : memref<1x64xi32, #tpu.memory_space<vmem>> -> memref<64xi32, #tpu.memory_space<vmem>>
      %dma_wait3A_83 = arith.constant 0 : i32
      %dma_wait3A_84 = tpu.memref_slice %arg3[%add3A, %run_scoped3A_24, %dma_wait3A_83] : memref<32x160x64xi32, #tpu.memory_space<hbm>> -> memref<1x1x64xi32, #tpu.memory_space<hbm>>
      %dma_wait3A_85 = tpu.memref_squeeze %dma_wait3A_84 : memref<1x1x64xi32, #tpu.memory_space<hbm>> -> memref<64xi32, #tpu.memory_space<hbm>>
      tpu.wait_dma2 semaphore(%run_scoped3A_61 : memref<!tpu.dma_semaphore, #tpu.memory_space<semaphore_mem>>) src(%dma_wait3A_85 : memref<64xi32, #tpu.memory_space<hbm>>) dst(%dma_wait3A_82 : memref<64xi32, #tpu.memory_space<vmem>>)
      tpu.yield
    }) : () -> ()
    %dma_start3A_26 = arith.constant 1 : i32
    %dma_start3A_27 = arith.constant 0 : i32
    %dma_start3A_28 = tpu.memref_slice %arg9[%dma_start3A_26, %dma_start3A_27] : memref<2x64xi32, #tpu.memory_space<vmem>> -> memref<1x64xi32, #tpu.memory_space<vmem>>
    %dma_start3A_29 = tpu.memref_squeeze %dma_start3A_28 : memref<1x64xi32, #tpu.memory_space<vmem>> -> memref<64xi32, #tpu.memory_space<vmem>>
    %dma_start3A_30 = arith.constant 0 : i32
    %dma_start3A_31 = arith.constant 0 : i32
    %dma_start3A_32 = tpu.memref_slice %arg2[%dma_start3A_30, %dma_start3A_31] : memref<10000x128xf32, #tpu.memory_space<hbm>> -> memref<10000x128xf32, #tpu.memory_space<hbm>>
    tpu.enqueue_indirect_dma source(%dma_start3A_32 : memref<10000x128xf32, #tpu.memory_space<hbm>>) target(%arg11 : memref<64x128xf32, #tpu.memory_space<vmem>>) offsets(%dma_start3A_29 : memref<64xi32, #tpu.memory_space<vmem>>) semaphore(%arg18 : memref<!tpu.dma_semaphore, #tpu.memory_space<semaphore_mem>>)
    %mul3A_33 = arith.constant 160 : i32
    %mul3A_34 = arith.muli %add3A, %mul3A_33 : i32
    %add3A_35 = arith.constant 1 : i32
    %add3A_36 = arith.addi %mul3A_34, %add3A_35 : i32
    %lt3A_37 = arith.constant 5000 : i32
    %lt3A_38 = arith.cmpi slt, %add3A_36, %lt3A_37 : i32
    %convert_element_type3A_39 = arith.extui %lt3A_38 : i1 to i32
    %cond3A_40 = arith.constant 0 : i32
    %cond3A_41 = arith.cmpi ne, %convert_element_type3A_39, %cond3A_40 : i32
    scf.if %cond3A_41 {
      %dma_start3A_61 = arith.constant 0 : i32
      %dma_start3A_62 = arith.constant 0 : i32
      %dma_start3A_63 = tpu.memref_slice %arg5[%add3A_36, %dma_start3A_61, %dma_start3A_62] : memref<5000x64x128xf32, #tpu.memory_space<hbm>> -> memref<1x64x128xf32, #tpu.memory_space<hbm>>
      %dma_start3A_64 = tpu.memref_squeeze %dma_start3A_63 : memref<1x64x128xf32, #tpu.memory_space<hbm>> -> memref<64x128xf32, #tpu.memory_space<hbm>>
      %dma_start3A_65 = arith.constant 0 : i32
      %dma_start3A_66 = arith.constant 0 : i32
      %dma_start3A_67 = tpu.memref_slice %arg5[%add3A_36, %dma_start3A_65, %dma_start3A_66] : memref<5000x64x128xf32, #tpu.memory_space<hbm>> -> memref<1x64x128xf32, #tpu.memory_space<hbm>>
      %dma_start3A_68 = tpu.memref_squeeze %dma_start3A_67 : memref<1x64x128xf32, #tpu.memory_space<hbm>> -> memref<64x128xf32, #tpu.memory_space<hbm>>
      tpu.enqueue_dma source(%dma_start3A_68 : memref<64x128xf32, #tpu.memory_space<hbm>>) target(%arg15 : memref<64x128xf32, #tpu.memory_space<vmem>>) target_semaphore(%arg30 : memref<!tpu.dma_semaphore, #tpu.memory_space<semaphore_mem>>)
    } else {
    }
    %scan3A = arith.constant 0 : i32
    %scan3A_42 = arith.constant 0 : i32
    %scan3A_43 = arith.constant 40 : i32
    %scan3A_44 = arith.addi %scan3A_42, %scan3A_43 : i32
    %scan3A_45 = arith.constant 1 : i32
    scf.for %scan3A_61 = %scan3A_42 to %scan3A_44 step %scan3A_45  : i32 {
      %mul3A_62 = arith.constant 4 : i32
      %mul3A_63 = arith.muli %mul3A_62, %scan3A_61 : i32
      %add3A_64 = arith.constant 0 : i32
      %add3A_65 = arith.addi %mul3A_63, %add3A_64 : i32
      %dma_wait3A_66 = arith.constant 0 : i32
      %dma_wait3A_67 = arith.constant 0 : i32
      %dma_wait3A_68 = tpu.memref_slice %arg9[%dma_wait3A_66, %dma_wait3A_67] : memref<2x64xi32, #tpu.memory_space<vmem>> -> memref<1x64xi32, #tpu.memory_space<vmem>>
      %dma_wait3A_69 = tpu.memref_squeeze %dma_wait3A_68 : memref<1x64xi32, #tpu.memory_space<vmem>> -> memref<64xi32, #tpu.memory_space<vmem>>
      %dma_wait3A_70 = arith.constant 0 : i32
      %dma_wait3A_71 = arith.constant 0 : i32
      %dma_wait3A_72 = tpu.memref_slice %arg2[%dma_wait3A_70, %dma_wait3A_71] : memref<10000x128xf32, #tpu.memory_space<hbm>> -> memref<10000x128xf32, #tpu.memory_space<hbm>>
      tpu.wait_indirect_dma semaphore(%arg17 : memref<!tpu.dma_semaphore, #tpu.memory_space<semaphore_mem>>) src(%dma_wait3A_72 : memref<10000x128xf32, #tpu.memory_space<hbm>>) dst(%arg10 : memref<64x128xf32, #tpu.memory_space<vmem>>)
      %dma_start3A_73 = arith.constant 0 : i32
      %dma_start3A_74 = arith.constant 0 : i32
      %dma_start3A_75 = tpu.memref_slice %arg8[%dma_start3A_73, %dma_start3A_74] : memref<4x64xi32, #tpu.memory_space<vmem>> -> memref<1x64xi32, #tpu.memory_space<vmem>>
      %dma_start3A_76 = tpu.memref_squeeze %dma_start3A_75 : memref<1x64xi32, #tpu.memory_space<vmem>> -> memref<64xi32, #tpu.memory_space<vmem>>
      %dma_start3A_77 = arith.constant 0 : i32
      %dma_start3A_78 = arith.constant 0 : i32
      %dma_start3A_79 = tpu.memref_slice %arg16[%dma_start3A_77, %dma_start3A_78] : memref<10112x128xf32, #tpu.memory_space<vmem_shared>> -> memref<10112x128xf32, #tpu.memory_space<vmem_shared>>
      tpu.enqueue_indirect_dma source(%arg10 : memref<64x128xf32, #tpu.memory_space<vmem>>) target(%dma_start3A_79 : memref<10112x128xf32, #tpu.memory_space<vmem_shared>>) offsets(%dma_start3A_76 : memref<64xi32, #tpu.memory_space<vmem>>) semaphore(%arg21 : memref<!tpu.dma_semaphore, #tpu.memory_space<semaphore_mem>>) {add = true}
      %mul3A_80 = arith.constant 160 : i32
      %mul3A_81 = arith.muli %add3A, %mul3A_80 : i32
      %add3A_82 = arith.addi %mul3A_81, %add3A_65 : i32
      %lt3A_83 = arith.constant 5000 : i32
      %lt3A_84 = arith.cmpi slt, %add3A_82, %lt3A_83 : i32
      %convert_element_type3A_85 = arith.extui %lt3A_84 : i1 to i32
      %cond3A_86 = arith.constant 0 : i32
      %cond3A_87 = arith.cmpi ne, %convert_element_type3A_85, %cond3A_86 : i32
      scf.if %cond3A_87 {
        %dma_wait3A_213 = arith.constant 0 : i32
        %dma_wait3A_214 = arith.constant 0 : i32
        %dma_wait3A_215 = tpu.memref_slice %arg5[%add3A_82, %dma_wait3A_213, %dma_wait3A_214] : memref<5000x64x128xf32, #tpu.memory_space<hbm>> -> memref<1x64x128xf32, #tpu.memory_space<hbm>>
        %dma_wait3A_216 = tpu.memref_squeeze %dma_wait3A_215 : memref<1x64x128xf32, #tpu.memory_space<hbm>> -> memref<64x128xf32, #tpu.memory_space<hbm>>
        %dma_wait3A_217 = arith.constant 0 : i32
        %dma_wait3A_218 = arith.constant 0 : i32
        %dma_wait3A_219 = tpu.memref_slice %arg5[%add3A_82, %dma_wait3A_217, %dma_wait3A_218] : memref<5000x64x128xf32, #tpu.memory_space<hbm>> -> memref<1x64x128xf32, #tpu.memory_space<hbm>>
        %dma_wait3A_220 = tpu.memref_squeeze %dma_wait3A_219 : memref<1x64x128xf32, #tpu.memory_space<hbm>> -> memref<64x128xf32, #tpu.memory_space<hbm>>
        tpu.wait_dma2 semaphore(%arg29 : memref<!tpu.dma_semaphore, #tpu.memory_space<semaphore_mem>>) src(%dma_wait3A_220 : memref<64x128xf32, #tpu.memory_space<hbm>>) dst(%arg14 : memref<64x128xf32, #tpu.memory_space<vmem>>)
        %run_scoped3A_221 = arith.constant 0 : i32
        "tpu.region"() ({
          %run_scoped3A_222 = tpu.sem_alloc : memref<!tpu.dma_semaphore, #tpu.memory_space<semaphore_mem>>
          %dma_start3A_223 = arith.constant 0 : i32
          %dma_start3A_224 = tpu.memref_slice %arg8[%run_scoped3A_221, %dma_start3A_223] : memref<4x64xi32, #tpu.memory_space<vmem>> -> memref<1x64xi32, #tpu.memory_space<vmem>>
          %dma_start3A_225 = tpu.memref_squeeze %dma_start3A_224 : memref<1x64xi32, #tpu.memory_space<vmem>> -> memref<64xi32, #tpu.memory_space<vmem>>
          %dma_start3A_226 = arith.constant 0 : i32
          %dma_start3A_227 = arith.constant 0 : i32
          %dma_start3A_228 = tpu.memref_slice %arg16[%dma_start3A_226, %dma_start3A_227] : memref<10112x128xf32, #tpu.memory_space<vmem_shared>> -> memref<10112x128xf32, #tpu.memory_space<vmem_shared>>
          tpu.enqueue_indirect_dma source(%arg14 : memref<64x128xf32, #tpu.memory_space<vmem>>) target(%dma_start3A_228 : memref<10112x128xf32, #tpu.memory_space<vmem_shared>>) offsets(%dma_start3A_225 : memref<64xi32, #tpu.memory_space<vmem>>) semaphore(%run_scoped3A_222 : memref<!tpu.dma_semaphore, #tpu.memory_space<semaphore_mem>>) {add = true}
          %dma_wait3A_229 = arith.constant 0 : i32
          %dma_wait3A_230 = tpu.memref_slice %arg8[%run_scoped3A_221, %dma_wait3A_229] : memref<4x64xi32, #tpu.memory_space<vmem>> -> memref<1x64xi32, #tpu.memory_space<vmem>>
          %dma_wait3A_231 = tpu.memref_squeeze %dma_wait3A_230 : memref<1x64xi32, #tpu.memory_space<vmem>> -> memref<64xi32, #tpu.memory_space<vmem>>
          %dma_wait3A_232 = arith.constant 0 : i32
          %dma_wait3A_233 = arith.constant 0 : i32
          %dma_wait3A_234 = tpu.memref_slice %arg16[%dma_wait3A_232, %dma_wait3A_233] : memref<10112x128xf32, #tpu.memory_space<vmem_shared>> -> memref<10112x128xf32, #tpu.memory_space<vmem_shared>>
          tpu.wait_indirect_dma semaphore(%run_scoped3A_222 : memref<!tpu.dma_semaphore, #tpu.memory_space<semaphore_mem>>) src(%arg14 : memref<64x128xf32, #tpu.memory_space<vmem>>) dst(%dma_wait3A_234 : memref<10112x128xf32, #tpu.memory_space<vmem_shared>>)
          tpu.yield
        }) : () -> ()
      } else {
      }
      %ge3A = arith.constant 2 : i32
      %ge3A_88 = arith.cmpi sge, %add3A_65, %ge3A : i32
      %convert_element_type3A_89 = arith.extui %ge3A_88 : i1 to i32
      %cond3A_90 = arith.constant 0 : i32
      %cond3A_91 = arith.cmpi ne, %convert_element_type3A_89, %cond3A_90 : i32
      scf.if %cond3A_91 {
        %sub3A = arith.constant 2 : i32
        %sub3A_213 = arith.subi %add3A_65, %sub3A : i32
        %dma_wait3A_214 = arith.constant 2 : i32
        %dma_wait3A_215 = arith.constant 0 : i32
        %dma_wait3A_216 = tpu.memref_slice %arg8[%dma_wait3A_214, %dma_wait3A_215] : memref<4x64xi32, #tpu.memory_space<vmem>> -> memref<1x64xi32, #tpu.memory_space<vmem>>
        %dma_wait3A_217 = tpu.memref_squeeze %dma_wait3A_216 : memref<1x64xi32, #tpu.memory_space<vmem>> -> memref<64xi32, #tpu.memory_space<vmem>>
        %dma_wait3A_218 = arith.constant 0 : i32
        %dma_wait3A_219 = arith.constant 0 : i32
        %dma_wait3A_220 = tpu.memref_slice %arg16[%dma_wait3A_218, %dma_wait3A_219] : memref<10112x128xf32, #tpu.memory_space<vmem_shared>> -> memref<10112x128xf32, #tpu.memory_space<vmem_shared>>
        tpu.wait_indirect_dma semaphore(%arg23 : memref<!tpu.dma_semaphore, #tpu.memory_space<semaphore_mem>>) src(%arg12 : memref<64x128xf32, #tpu.memory_space<vmem>>) dst(%dma_wait3A_220 : memref<10112x128xf32, #tpu.memory_space<vmem_shared>>)
      } else {
      }
      %add3A_92 = arith.constant 2 : i32
      %add3A_93 = arith.addi %add3A_65, %add3A_92 : i32
      %lt3A_94 = arith.constant 160 : i32
      %lt3A_95 = arith.cmpi slt, %add3A_93, %lt3A_94 : i32
      %convert_element_type3A_96 = arith.extui %lt3A_95 : i1 to i32
      %cond3A_97 = arith.constant 0 : i32
      %cond3A_98 = arith.cmpi ne, %convert_element_type3A_96, %cond3A_97 : i32
      scf.if %cond3A_98 {
        %add3A_213 = arith.constant 2 : i32
        %add3A_214 = arith.addi %add3A_65, %add3A_213 : i32
        %dma_start3A_215 = arith.constant 0 : i32
        %dma_start3A_216 = arith.constant 0 : i32
        %dma_start3A_217 = tpu.memref_slice %arg9[%dma_start3A_215, %dma_start3A_216] : memref<2x64xi32, #tpu.memory_space<vmem>> -> memref<1x64xi32, #tpu.memory_space<vmem>>
        %dma_start3A_218 = tpu.memref_squeeze %dma_start3A_217 : memref<1x64xi32, #tpu.memory_space<vmem>> -> memref<64xi32, #tpu.memory_space<vmem>>
        %dma_start3A_219 = arith.constant 0 : i32
        %dma_start3A_220 = tpu.memref_slice %arg3[%add3A, %add3A_214, %dma_start3A_219] : memref<32x160x64xi32, #tpu.memory_space<hbm>> -> memref<1x1x64xi32, #tpu.memory_space<hbm>>
        %dma_start3A_221 = tpu.memref_squeeze %dma_start3A_220 : memref<1x1x64xi32, #tpu.memory_space<hbm>> -> memref<64xi32, #tpu.memory_space<hbm>>
        %dma_start3A_222 = arith.constant 0 : i32
        %dma_start3A_223 = tpu.memref_slice %arg9[%dma_start3A_215, %dma_start3A_222] : memref<2x64xi32, #tpu.memory_space<vmem>> -> memref<1x64xi32, #tpu.memory_space<vmem>>
        %dma_start3A_224 = tpu.memref_squeeze %dma_start3A_223 : memref<1x64xi32, #tpu.memory_space<vmem>> -> memref<64xi32, #tpu.memory_space<vmem>>
        %dma_start3A_225 = arith.constant 0 : i32
        %dma_start3A_226 = tpu.memref_slice %arg3[%add3A, %add3A_214, %dma_start3A_225] : memref<32x160x64xi32, #tpu.memory_space<hbm>> -> memref<1x1x64xi32, #tpu.memory_space<hbm>>
        %dma_start3A_227 = tpu.memref_squeeze %dma_start3A_226 : memref<1x1x64xi32, #tpu.memory_space<hbm>> -> memref<64xi32, #tpu.memory_space<hbm>>
        tpu.enqueue_dma source(%dma_start3A_227 : memref<64xi32, #tpu.memory_space<hbm>>) target(%dma_start3A_224 : memref<64xi32, #tpu.memory_space<vmem>>) target_semaphore(%arg25 : memref<!tpu.dma_semaphore, #tpu.memory_space<semaphore_mem>>)
        %add3A_228 = arith.constant 2 : i32
        %add3A_229 = arith.addi %add3A_65, %add3A_228 : i32
        %dma_start3A_230 = arith.constant 2 : i32
        %dma_start3A_231 = arith.constant 0 : i32
        %dma_start3A_232 = tpu.memref_slice %arg8[%dma_start3A_230, %dma_start3A_231] : memref<4x64xi32, #tpu.memory_space<vmem>> -> memref<1x64xi32, #tpu.memory_space<vmem>>
        %dma_start3A_233 = tpu.memref_squeeze %dma_start3A_232 : memref<1x64xi32, #tpu.memory_space<vmem>> -> memref<64xi32, #tpu.memory_space<vmem>>
        %dma_start3A_234 = arith.constant 0 : i32
        %dma_start3A_235 = tpu.memref_slice %arg4[%add3A, %add3A_229, %dma_start3A_234] : memref<32x160x64xi32, #tpu.memory_space<hbm>> -> memref<1x1x64xi32, #tpu.memory_space<hbm>>
        %dma_start3A_236 = tpu.memref_squeeze %dma_start3A_235 : memref<1x1x64xi32, #tpu.memory_space<hbm>> -> memref<64xi32, #tpu.memory_space<hbm>>
        %dma_start3A_237 = arith.constant 0 : i32
        %dma_start3A_238 = tpu.memref_slice %arg8[%dma_start3A_230, %dma_start3A_237] : memref<4x64xi32, #tpu.memory_space<vmem>> -> memref<1x64xi32, #tpu.memory_space<vmem>>
        %dma_start3A_239 = tpu.memref_squeeze %dma_start3A_238 : memref<1x64xi32, #tpu.memory_space<vmem>> -> memref<64xi32, #tpu.memory_space<vmem>>
        %dma_start3A_240 = arith.constant 0 : i32
        %dma_start3A_241 = tpu.memref_slice %arg4[%add3A, %add3A_229, %dma_start3A_240] : memref<32x160x64xi32, #tpu.memory_space<hbm>> -> memref<1x1x64xi32, #tpu.memory_space<hbm>>
        %dma_start3A_242 = tpu.memref_squeeze %dma_start3A_241 : memref<1x1x64xi32, #tpu.memory_space<hbm>> -> memref<64xi32, #tpu.memory_space<hbm>>
        tpu.enqueue_dma source(%dma_start3A_242 : memref<64xi32, #tpu.memory_space<hbm>>) target(%dma_start3A_239 : memref<64xi32, #tpu.memory_space<vmem>>) target_semaphore(%arg27 : memref<!tpu.dma_semaphore, #tpu.memory_space<semaphore_mem>>)
        %add3A_243 = arith.constant 2 : i32
        %add3A_244 = arith.addi %add3A_65, %add3A_243 : i32
        %dma_wait3A_245 = arith.constant 0 : i32
        %dma_wait3A_246 = arith.constant 0 : i32
        %dma_wait3A_247 = tpu.memref_slice %arg9[%dma_wait3A_245, %dma_wait3A_246] : memref<2x64xi32, #tpu.memory_space<vmem>> -> memref<1x64xi32, #tpu.memory_space<vmem>>
        %dma_wait3A_248 = tpu.memref_squeeze %dma_wait3A_247 : memref<1x64xi32, #tpu.memory_space<vmem>> -> memref<64xi32, #tpu.memory_space<vmem>>
        %dma_wait3A_249 = arith.constant 0 : i32
        %dma_wait3A_250 = tpu.memref_slice %arg3[%add3A, %add3A_244, %dma_wait3A_249] : memref<32x160x64xi32, #tpu.memory_space<hbm>> -> memref<1x1x64xi32, #tpu.memory_space<hbm>>
        %dma_wait3A_251 = tpu.memref_squeeze %dma_wait3A_250 : memref<1x1x64xi32, #tpu.memory_space<hbm>> -> memref<64xi32, #tpu.memory_space<hbm>>
        %dma_wait3A_252 = arith.constant 0 : i32
        %dma_wait3A_253 = tpu.memref_slice %arg9[%dma_wait3A_245, %dma_wait3A_252] : memref<2x64xi32, #tpu.memory_space<vmem>> -> memref<1x64xi32, #tpu.memory_space<vmem>>
        %dma_wait3A_254 = tpu.memref_squeeze %dma_wait3A_253 : memref<1x64xi32, #tpu.memory_space<vmem>> -> memref<64xi32, #tpu.memory_space<vmem>>
        %dma_wait3A_255 = arith.constant 0 : i32
        %dma_wait3A_256 = tpu.memref_slice %arg3[%add3A, %add3A_244, %dma_wait3A_255] : memref<32x160x64xi32, #tpu.memory_space<hbm>> -> memref<1x1x64xi32, #tpu.memory_space<hbm>>
        %dma_wait3A_257 = tpu.memref_squeeze %dma_wait3A_256 : memref<1x1x64xi32, #tpu.memory_space<hbm>> -> memref<64xi32, #tpu.memory_space<hbm>>
        tpu.wait_dma2 semaphore(%arg25 : memref<!tpu.dma_semaphore, #tpu.memory_space<semaphore_mem>>) src(%dma_wait3A_257 : memref<64xi32, #tpu.memory_space<hbm>>) dst(%dma_wait3A_254 : memref<64xi32, #tpu.memory_space<vmem>>)
        %add3A_258 = arith.constant 2 : i32
        %add3A_259 = arith.addi %add3A_65, %add3A_258 : i32
        %dma_wait3A_260 = arith.constant 2 : i32
        %dma_wait3A_261 = arith.constant 0 : i32
        %dma_wait3A_262 = tpu.memref_slice %arg8[%dma_wait3A_260, %dma_wait3A_261] : memref<4x64xi32, #tpu.memory_space<vmem>> -> memref<1x64xi32, #tpu.memory_space<vmem>>
        %dma_wait3A_263 = tpu.memref_squeeze %dma_wait3A_262 : memref<1x64xi32, #tpu.memory_space<vmem>> -> memref<64xi32, #tpu.memory_space<vmem>>
        %dma_wait3A_264 = arith.constant 0 : i32
        %dma_wait3A_265 = tpu.memref_slice %arg4[%add3A, %add3A_259, %dma_wait3A_264] : memref<32x160x64xi32, #tpu.memory_space<hbm>> -> memref<1x1x64xi32, #tpu.memory_space<hbm>>
        %dma_wait3A_266 = tpu.memref_squeeze %dma_wait3A_265 : memref<1x1x64xi32, #tpu.memory_space<hbm>> -> memref<64xi32, #tpu.memory_space<hbm>>
        %dma_wait3A_267 = arith.constant 0 : i32
        %dma_wait3A_268 = tpu.memref_slice %arg8[%dma_wait3A_260, %dma_wait3A_267] : memref<4x64xi32, #tpu.memory_space<vmem>> -> memref<1x64xi32, #tpu.memory_space<vmem>>
        %dma_wait3A_269 = tpu.memref_squeeze %dma_wait3A_268 : memref<1x64xi32, #tpu.memory_space<vmem>> -> memref<64xi32, #tpu.memory_space<vmem>>
        %dma_wait3A_270 = arith.constant 0 : i32
        %dma_wait3A_271 = tpu.memref_slice %arg4[%add3A, %add3A_259, %dma_wait3A_270] : memref<32x160x64xi32, #tpu.memory_space<hbm>> -> memref<1x1x64xi32, #tpu.memory_space<hbm>>
        %dma_wait3A_272 = tpu.memref_squeeze %dma_wait3A_271 : memref<1x1x64xi32, #tpu.memory_space<hbm>> -> memref<64xi32, #tpu.memory_space<hbm>>
        tpu.wait_dma2 semaphore(%arg27 : memref<!tpu.dma_semaphore, #tpu.memory_space<semaphore_mem>>) src(%dma_wait3A_272 : memref<64xi32, #tpu.memory_space<hbm>>) dst(%dma_wait3A_269 : memref<64xi32, #tpu.memory_space<vmem>>)
        %add3A_273 = arith.constant 2 : i32
        %add3A_274 = arith.addi %add3A_65, %add3A_273 : i32
        %dma_start3A_275 = arith.constant 0 : i32
        %dma_start3A_276 = arith.constant 0 : i32
        %dma_start3A_277 = tpu.memref_slice %arg9[%dma_start3A_275, %dma_start3A_276] : memref<2x64xi32, #tpu.memory_space<vmem>> -> memref<1x64xi32, #tpu.memory_space<vmem>>
        %dma_start3A_278 = tpu.memref_squeeze %dma_start3A_277 : memref<1x64xi32, #tpu.memory_space<vmem>> -> memref<64xi32, #tpu.memory_space<vmem>>
        %dma_start3A_279 = arith.constant 0 : i32
        %dma_start3A_280 = arith.constant 0 : i32
        %dma_start3A_281 = tpu.memref_slice %arg2[%dma_start3A_279, %dma_start3A_280] : memref<10000x128xf32, #tpu.memory_space<hbm>> -> memref<10000x128xf32, #tpu.memory_space<hbm>>
        tpu.enqueue_indirect_dma source(%dma_start3A_281 : memref<10000x128xf32, #tpu.memory_space<hbm>>) target(%arg12 : memref<64x128xf32, #tpu.memory_space<vmem>>) offsets(%dma_start3A_278 : memref<64xi32, #tpu.memory_space<vmem>>) semaphore(%arg17 : memref<!tpu.dma_semaphore, #tpu.memory_space<semaphore_mem>>)
        %add3A_282 = arith.constant 2 : i32
        %add3A_283 = arith.addi %add3A_65, %add3A_282 : i32
        %mul3A_284 = arith.constant 160 : i32
        %mul3A_285 = arith.muli %add3A, %mul3A_284 : i32
        %add3A_286 = arith.addi %mul3A_285, %add3A_283 : i32
        %lt3A_287 = arith.constant 5000 : i32
        %lt3A_288 = arith.cmpi slt, %add3A_286, %lt3A_287 : i32
        %convert_element_type3A_289 = arith.extui %lt3A_288 : i1 to i32
        %cond3A_290 = arith.constant 0 : i32
        %cond3A_291 = arith.cmpi ne, %convert_element_type3A_289, %cond3A_290 : i32
        scf.if %cond3A_291 {
          %dma_start3A_292 = arith.constant 0 : i32
          %dma_start3A_293 = arith.constant 0 : i32
          %dma_start3A_294 = tpu.memref_slice %arg5[%add3A_286, %dma_start3A_292, %dma_start3A_293] : memref<5000x64x128xf32, #tpu.memory_space<hbm>> -> memref<1x64x128xf32, #tpu.memory_space<hbm>>
          %dma_start3A_295 = tpu.memref_squeeze %dma_start3A_294 : memref<1x64x128xf32, #tpu.memory_space<hbm>> -> memref<64x128xf32, #tpu.memory_space<hbm>>
          %dma_start3A_296 = arith.constant 0 : i32
          %dma_start3A_297 = arith.constant 0 : i32
          %dma_start3A_298 = tpu.memref_slice %arg5[%add3A_286, %dma_start3A_296, %dma_start3A_297] : memref<5000x64x128xf32, #tpu.memory_space<hbm>> -> memref<1x64x128xf32, #tpu.memory_space<hbm>>
          %dma_start3A_299 = tpu.memref_squeeze %dma_start3A_298 : memref<1x64x128xf32, #tpu.memory_space<hbm>> -> memref<64x128xf32, #tpu.memory_space<hbm>>
          tpu.enqueue_dma source(%dma_start3A_299 : memref<64x128xf32, #tpu.memory_space<hbm>>) target(%arg14 : memref<64x128xf32, #tpu.memory_space<vmem>>) target_semaphore(%arg29 : memref<!tpu.dma_semaphore, #tpu.memory_space<semaphore_mem>>)
        } else {
        }
      } else {
      }
      %mul3A_99 = arith.constant 4 : i32
      %mul3A_100 = arith.muli %mul3A_99, %scan3A_61 : i32
      %add3A_101 = arith.constant 1 : i32
      %add3A_102 = arith.addi %mul3A_100, %add3A_101 : i32
      %dma_wait3A_103 = arith.constant 1 : i32
      %dma_wait3A_104 = arith.constant 0 : i32
      %dma_wait3A_105 = tpu.memref_slice %arg9[%dma_wait3A_103, %dma_wait3A_104] : memref<2x64xi32, #tpu.memory_space<vmem>> -> memref<1x64xi32, #tpu.memory_space<vmem>>
      %dma_wait3A_106 = tpu.memref_squeeze %dma_wait3A_105 : memref<1x64xi32, #tpu.memory_space<vmem>> -> memref<64xi32, #tpu.memory_space<vmem>>
      %dma_wait3A_107 = arith.constant 0 : i32
      %dma_wait3A_108 = arith.constant 0 : i32
      %dma_wait3A_109 = tpu.memref_slice %arg2[%dma_wait3A_107, %dma_wait3A_108] : memref<10000x128xf32, #tpu.memory_space<hbm>> -> memref<10000x128xf32, #tpu.memory_space<hbm>>
      tpu.wait_indirect_dma semaphore(%arg18 : memref<!tpu.dma_semaphore, #tpu.memory_space<semaphore_mem>>) src(%dma_wait3A_109 : memref<10000x128xf32, #tpu.memory_space<hbm>>) dst(%arg11 : memref<64x128xf32, #tpu.memory_space<vmem>>)
      %dma_start3A_110 = arith.constant 1 : i32
      %dma_start3A_111 = arith.constant 0 : i32
      %dma_start3A_112 = tpu.memref_slice %arg8[%dma_start3A_110, %dma_start3A_111] : memref<4x64xi32, #tpu.memory_space<vmem>> -> memref<1x64xi32, #tpu.memory_space<vmem>>
      %dma_start3A_113 = tpu.memref_squeeze %dma_start3A_112 : memref<1x64xi32, #tpu.memory_space<vmem>> -> memref<64xi32, #tpu.memory_space<vmem>>
      %dma_start3A_114 = arith.constant 0 : i32
      %dma_start3A_115 = arith.constant 0 : i32
      %dma_start3A_116 = tpu.memref_slice %arg16[%dma_start3A_114, %dma_start3A_115] : memref<10112x128xf32, #tpu.memory_space<vmem_shared>> -> memref<10112x128xf32, #tpu.memory_space<vmem_shared>>
      tpu.enqueue_indirect_dma source(%arg11 : memref<64x128xf32, #tpu.memory_space<vmem>>) target(%dma_start3A_116 : memref<10112x128xf32, #tpu.memory_space<vmem_shared>>) offsets(%dma_start3A_113 : memref<64xi32, #tpu.memory_space<vmem>>) semaphore(%arg22 : memref<!tpu.dma_semaphore, #tpu.memory_space<semaphore_mem>>) {add = true}
      %mul3A_117 = arith.constant 160 : i32
      %mul3A_118 = arith.muli %add3A, %mul3A_117 : i32
      %add3A_119 = arith.addi %mul3A_118, %add3A_102 : i32
      %lt3A_120 = arith.constant 5000 : i32
      %lt3A_121 = arith.cmpi slt, %add3A_119, %lt3A_120 : i32
      %convert_element_type3A_122 = arith.extui %lt3A_121 : i1 to i32
      %cond3A_123 = arith.constant 0 : i32
      %cond3A_124 = arith.cmpi ne, %convert_element_type3A_122, %cond3A_123 : i32
      scf.if %cond3A_124 {
        %dma_wait3A_213 = arith.constant 0 : i32
        %dma_wait3A_214 = arith.constant 0 : i32
        %dma_wait3A_215 = tpu.memref_slice %arg5[%add3A_119, %dma_wait3A_213, %dma_wait3A_214] : memref<5000x64x128xf32, #tpu.memory_space<hbm>> -> memref<1x64x128xf32, #tpu.memory_space<hbm>>
        %dma_wait3A_216 = tpu.memref_squeeze %dma_wait3A_215 : memref<1x64x128xf32, #tpu.memory_space<hbm>> -> memref<64x128xf32, #tpu.memory_space<hbm>>
        %dma_wait3A_217 = arith.constant 0 : i32
        %dma_wait3A_218 = arith.constant 0 : i32
        %dma_wait3A_219 = tpu.memref_slice %arg5[%add3A_119, %dma_wait3A_217, %dma_wait3A_218] : memref<5000x64x128xf32, #tpu.memory_space<hbm>> -> memref<1x64x128xf32, #tpu.memory_space<hbm>>
        %dma_wait3A_220 = tpu.memref_squeeze %dma_wait3A_219 : memref<1x64x128xf32, #tpu.memory_space<hbm>> -> memref<64x128xf32, #tpu.memory_space<hbm>>
        tpu.wait_dma2 semaphore(%arg30 : memref<!tpu.dma_semaphore, #tpu.memory_space<semaphore_mem>>) src(%dma_wait3A_220 : memref<64x128xf32, #tpu.memory_space<hbm>>) dst(%arg15 : memref<64x128xf32, #tpu.memory_space<vmem>>)
        %run_scoped3A_221 = arith.constant 1 : i32
        "tpu.region"() ({
          %run_scoped3A_222 = tpu.sem_alloc : memref<!tpu.dma_semaphore, #tpu.memory_space<semaphore_mem>>
          %dma_start3A_223 = arith.constant 0 : i32
          %dma_start3A_224 = tpu.memref_slice %arg8[%run_scoped3A_221, %dma_start3A_223] : memref<4x64xi32, #tpu.memory_space<vmem>> -> memref<1x64xi32, #tpu.memory_space<vmem>>
          %dma_start3A_225 = tpu.memref_squeeze %dma_start3A_224 : memref<1x64xi32, #tpu.memory_space<vmem>> -> memref<64xi32, #tpu.memory_space<vmem>>
          %dma_start3A_226 = arith.constant 0 : i32
          %dma_start3A_227 = arith.constant 0 : i32
          %dma_start3A_228 = tpu.memref_slice %arg16[%dma_start3A_226, %dma_start3A_227] : memref<10112x128xf32, #tpu.memory_space<vmem_shared>> -> memref<10112x128xf32, #tpu.memory_space<vmem_shared>>
          tpu.enqueue_indirect_dma source(%arg15 : memref<64x128xf32, #tpu.memory_space<vmem>>) target(%dma_start3A_228 : memref<10112x128xf32, #tpu.memory_space<vmem_shared>>) offsets(%dma_start3A_225 : memref<64xi32, #tpu.memory_space<vmem>>) semaphore(%run_scoped3A_222 : memref<!tpu.dma_semaphore, #tpu.memory_space<semaphore_mem>>) {add = true}
          %dma_wait3A_229 = arith.constant 0 : i32
          %dma_wait3A_230 = tpu.memref_slice %arg8[%run_scoped3A_221, %dma_wait3A_229] : memref<4x64xi32, #tpu.memory_space<vmem>> -> memref<1x64xi32, #tpu.memory_space<vmem>>
          %dma_wait3A_231 = tpu.memref_squeeze %dma_wait3A_230 : memref<1x64xi32, #tpu.memory_space<vmem>> -> memref<64xi32, #tpu.memory_space<vmem>>
          %dma_wait3A_232 = arith.constant 0 : i32
          %dma_wait3A_233 = arith.constant 0 : i32
          %dma_wait3A_234 = tpu.memref_slice %arg16[%dma_wait3A_232, %dma_wait3A_233] : memref<10112x128xf32, #tpu.memory_space<vmem_shared>> -> memref<10112x128xf32, #tpu.memory_space<vmem_shared>>
          tpu.wait_indirect_dma semaphore(%run_scoped3A_222 : memref<!tpu.dma_semaphore, #tpu.memory_space<semaphore_mem>>) src(%arg15 : memref<64x128xf32, #tpu.memory_space<vmem>>) dst(%dma_wait3A_234 : memref<10112x128xf32, #tpu.memory_space<vmem_shared>>)
          tpu.yield
        }) : () -> ()
      } else {
      }
      %ge3A_125 = arith.constant 2 : i32
      %ge3A_126 = arith.cmpi sge, %add3A_102, %ge3A_125 : i32
      %convert_element_type3A_127 = arith.extui %ge3A_126 : i1 to i32
      %cond3A_128 = arith.constant 0 : i32
      %cond3A_129 = arith.cmpi ne, %convert_element_type3A_127, %cond3A_128 : i32
      scf.if %cond3A_129 {
        %sub3A = arith.constant 2 : i32
        %sub3A_213 = arith.subi %add3A_102, %sub3A : i32
        %dma_wait3A_214 = arith.constant 3 : i32
        %dma_wait3A_215 = arith.constant 0 : i32
        %dma_wait3A_216 = tpu.memref_slice %arg8[%dma_wait3A_214, %dma_wait3A_215] : memref<4x64xi32, #tpu.memory_space<vmem>> -> memref<1x64xi32, #tpu.memory_space<vmem>>
        %dma_wait3A_217 = tpu.memref_squeeze %dma_wait3A_216 : memref<1x64xi32, #tpu.memory_space<vmem>> -> memref<64xi32, #tpu.memory_space<vmem>>
        %dma_wait3A_218 = arith.constant 0 : i32
        %dma_wait3A_219 = arith.constant 0 : i32
        %dma_wait3A_220 = tpu.memref_slice %arg16[%dma_wait3A_218, %dma_wait3A_219] : memref<10112x128xf32, #tpu.memory_space<vmem_shared>> -> memref<10112x128xf32, #tpu.memory_space<vmem_shared>>
        tpu.wait_indirect_dma semaphore(%arg24 : memref<!tpu.dma_semaphore, #tpu.memory_space<semaphore_mem>>) src(%arg13 : memref<64x128xf32, #tpu.memory_space<vmem>>) dst(%dma_wait3A_220 : memref<10112x128xf32, #tpu.memory_space<vmem_shared>>)
      } else {
      }
      %add3A_130 = arith.constant 2 : i32
      %add3A_131 = arith.addi %add3A_102, %add3A_130 : i32
      %lt3A_132 = arith.constant 160 : i32
      %lt3A_133 = arith.cmpi slt, %add3A_131, %lt3A_132 : i32
      %convert_element_type3A_134 = arith.extui %lt3A_133 : i1 to i32
      %cond3A_135 = arith.constant 0 : i32
      %cond3A_136 = arith.cmpi ne, %convert_element_type3A_134, %cond3A_135 : i32
      scf.if %cond3A_136 {
        %add3A_213 = arith.constant 2 : i32
        %add3A_214 = arith.addi %add3A_102, %add3A_213 : i32
        %dma_start3A_215 = arith.constant 1 : i32
        %dma_start3A_216 = arith.constant 0 : i32
        %dma_start3A_217 = tpu.memref_slice %arg9[%dma_start3A_215, %dma_start3A_216] : memref<2x64xi32, #tpu.memory_space<vmem>> -> memref<1x64xi32, #tpu.memory_space<vmem>>
        %dma_start3A_218 = tpu.memref_squeeze %dma_start3A_217 : memref<1x64xi32, #tpu.memory_space<vmem>> -> memref<64xi32, #tpu.memory_space<vmem>>
        %dma_start3A_219 = arith.constant 0 : i32
        %dma_start3A_220 = tpu.memref_slice %arg3[%add3A, %add3A_214, %dma_start3A_219] : memref<32x160x64xi32, #tpu.memory_space<hbm>> -> memref<1x1x64xi32, #tpu.memory_space<hbm>>
        %dma_start3A_221 = tpu.memref_squeeze %dma_start3A_220 : memref<1x1x64xi32, #tpu.memory_space<hbm>> -> memref<64xi32, #tpu.memory_space<hbm>>
        %dma_start3A_222 = arith.constant 0 : i32
        %dma_start3A_223 = tpu.memref_slice %arg9[%dma_start3A_215, %dma_start3A_222] : memref<2x64xi32, #tpu.memory_space<vmem>> -> memref<1x64xi32, #tpu.memory_space<vmem>>
        %dma_start3A_224 = tpu.memref_squeeze %dma_start3A_223 : memref<1x64xi32, #tpu.memory_space<vmem>> -> memref<64xi32, #tpu.memory_space<vmem>>
        %dma_start3A_225 = arith.constant 0 : i32
        %dma_start3A_226 = tpu.memref_slice %arg3[%add3A, %add3A_214, %dma_start3A_225] : memref<32x160x64xi32, #tpu.memory_space<hbm>> -> memref<1x1x64xi32, #tpu.memory_space<hbm>>
        %dma_start3A_227 = tpu.memref_squeeze %dma_start3A_226 : memref<1x1x64xi32, #tpu.memory_space<hbm>> -> memref<64xi32, #tpu.memory_space<hbm>>
        tpu.enqueue_dma source(%dma_start3A_227 : memref<64xi32, #tpu.memory_space<hbm>>) target(%dma_start3A_224 : memref<64xi32, #tpu.memory_space<vmem>>) target_semaphore(%arg26 : memref<!tpu.dma_semaphore, #tpu.memory_space<semaphore_mem>>)
        %add3A_228 = arith.constant 2 : i32
        %add3A_229 = arith.addi %add3A_102, %add3A_228 : i32
        %dma_start3A_230 = arith.constant 3 : i32
        %dma_start3A_231 = arith.constant 0 : i32
        %dma_start3A_232 = tpu.memref_slice %arg8[%dma_start3A_230, %dma_start3A_231] : memref<4x64xi32, #tpu.memory_space<vmem>> -> memref<1x64xi32, #tpu.memory_space<vmem>>
        %dma_start3A_233 = tpu.memref_squeeze %dma_start3A_232 : memref<1x64xi32, #tpu.memory_space<vmem>> -> memref<64xi32, #tpu.memory_space<vmem>>
        %dma_start3A_234 = arith.constant 0 : i32
        %dma_start3A_235 = tpu.memref_slice %arg4[%add3A, %add3A_229, %dma_start3A_234] : memref<32x160x64xi32, #tpu.memory_space<hbm>> -> memref<1x1x64xi32, #tpu.memory_space<hbm>>
        %dma_start3A_236 = tpu.memref_squeeze %dma_start3A_235 : memref<1x1x64xi32, #tpu.memory_space<hbm>> -> memref<64xi32, #tpu.memory_space<hbm>>
        %dma_start3A_237 = arith.constant 0 : i32
        %dma_start3A_238 = tpu.memref_slice %arg8[%dma_start3A_230, %dma_start3A_237] : memref<4x64xi32, #tpu.memory_space<vmem>> -> memref<1x64xi32, #tpu.memory_space<vmem>>
        %dma_start3A_239 = tpu.memref_squeeze %dma_start3A_238 : memref<1x64xi32, #tpu.memory_space<vmem>> -> memref<64xi32, #tpu.memory_space<vmem>>
        %dma_start3A_240 = arith.constant 0 : i32
        %dma_start3A_241 = tpu.memref_slice %arg4[%add3A, %add3A_229, %dma_start3A_240] : memref<32x160x64xi32, #tpu.memory_space<hbm>> -> memref<1x1x64xi32, #tpu.memory_space<hbm>>
        %dma_start3A_242 = tpu.memref_squeeze %dma_start3A_241 : memref<1x1x64xi32, #tpu.memory_space<hbm>> -> memref<64xi32, #tpu.memory_space<hbm>>
        tpu.enqueue_dma source(%dma_start3A_242 : memref<64xi32, #tpu.memory_space<hbm>>) target(%dma_start3A_239 : memref<64xi32, #tpu.memory_space<vmem>>) target_semaphore(%arg28 : memref<!tpu.dma_semaphore, #tpu.memory_space<semaphore_mem>>)
        %add3A_243 = arith.constant 2 : i32
        %add3A_244 = arith.addi %add3A_102, %add3A_243 : i32
        %dma_wait3A_245 = arith.constant 1 : i32
        %dma_wait3A_246 = arith.constant 0 : i32
        %dma_wait3A_247 = tpu.memref_slice %arg9[%dma_wait3A_245, %dma_wait3A_246] : memref<2x64xi32, #tpu.memory_space<vmem>> -> memref<1x64xi32, #tpu.memory_space<vmem>>
        %dma_wait3A_248 = tpu.memref_squeeze %dma_wait3A_247 : memref<1x64xi32, #tpu.memory_space<vmem>> -> memref<64xi32, #tpu.memory_space<vmem>>
        %dma_wait3A_249 = arith.constant 0 : i32
        %dma_wait3A_250 = tpu.memref_slice %arg3[%add3A, %add3A_244, %dma_wait3A_249] : memref<32x160x64xi32, #tpu.memory_space<hbm>> -> memref<1x1x64xi32, #tpu.memory_space<hbm>>
        %dma_wait3A_251 = tpu.memref_squeeze %dma_wait3A_250 : memref<1x1x64xi32, #tpu.memory_space<hbm>> -> memref<64xi32, #tpu.memory_space<hbm>>
        %dma_wait3A_252 = arith.constant 0 : i32
        %dma_wait3A_253 = tpu.memref_slice %arg9[%dma_wait3A_245, %dma_wait3A_252] : memref<2x64xi32, #tpu.memory_space<vmem>> -> memref<1x64xi32, #tpu.memory_space<vmem>>
        %dma_wait3A_254 = tpu.memref_squeeze %dma_wait3A_253 : memref<1x64xi32, #tpu.memory_space<vmem>> -> memref<64xi32, #tpu.memory_space<vmem>>
        %dma_wait3A_255 = arith.constant 0 : i32
        %dma_wait3A_256 = tpu.memref_slice %arg3[%add3A, %add3A_244, %dma_wait3A_255] : memref<32x160x64xi32, #tpu.memory_space<hbm>> -> memref<1x1x64xi32, #tpu.memory_space<hbm>>
        %dma_wait3A_257 = tpu.memref_squeeze %dma_wait3A_256 : memref<1x1x64xi32, #tpu.memory_space<hbm>> -> memref<64xi32, #tpu.memory_space<hbm>>
        tpu.wait_dma2 semaphore(%arg26 : memref<!tpu.dma_semaphore, #tpu.memory_space<semaphore_mem>>) src(%dma_wait3A_257 : memref<64xi32, #tpu.memory_space<hbm>>) dst(%dma_wait3A_254 : memref<64xi32, #tpu.memory_space<vmem>>)
        %add3A_258 = arith.constant 2 : i32
        %add3A_259 = arith.addi %add3A_102, %add3A_258 : i32
        %dma_wait3A_260 = arith.constant 3 : i32
        %dma_wait3A_261 = arith.constant 0 : i32
        %dma_wait3A_262 = tpu.memref_slice %arg8[%dma_wait3A_260, %dma_wait3A_261] : memref<4x64xi32, #tpu.memory_space<vmem>> -> memref<1x64xi32, #tpu.memory_space<vmem>>
        %dma_wait3A_263 = tpu.memref_squeeze %dma_wait3A_262 : memref<1x64xi32, #tpu.memory_space<vmem>> -> memref<64xi32, #tpu.memory_space<vmem>>
        %dma_wait3A_264 = arith.constant 0 : i32
        %dma_wait3A_265 = tpu.memref_slice %arg4[%add3A, %add3A_259, %dma_wait3A_264] : memref<32x160x64xi32, #tpu.memory_space<hbm>> -> memref<1x1x64xi32, #tpu.memory_space<hbm>>
        %dma_wait3A_266 = tpu.memref_squeeze %dma_wait3A_265 : memref<1x1x64xi32, #tpu.memory_space<hbm>> -> memref<64xi32, #tpu.memory_space<hbm>>
        %dma_wait3A_267 = arith.constant 0 : i32
        %dma_wait3A_268 = tpu.memref_slice %arg8[%dma_wait3A_260, %dma_wait3A_267] : memref<4x64xi32, #tpu.memory_space<vmem>> -> memref<1x64xi32, #tpu.memory_space<vmem>>
        %dma_wait3A_269 = tpu.memref_squeeze %dma_wait3A_268 : memref<1x64xi32, #tpu.memory_space<vmem>> -> memref<64xi32, #tpu.memory_space<vmem>>
        %dma_wait3A_270 = arith.constant 0 : i32
        %dma_wait3A_271 = tpu.memref_slice %arg4[%add3A, %add3A_259, %dma_wait3A_270] : memref<32x160x64xi32, #tpu.memory_space<hbm>> -> memref<1x1x64xi32, #tpu.memory_space<hbm>>
        %dma_wait3A_272 = tpu.memref_squeeze %dma_wait3A_271 : memref<1x1x64xi32, #tpu.memory_space<hbm>> -> memref<64xi32, #tpu.memory_space<hbm>>
        tpu.wait_dma2 semaphore(%arg28 : memref<!tpu.dma_semaphore, #tpu.memory_space<semaphore_mem>>) src(%dma_wait3A_272 : memref<64xi32, #tpu.memory_space<hbm>>) dst(%dma_wait3A_269 : memref<64xi32, #tpu.memory_space<vmem>>)
        %add3A_273 = arith.constant 2 : i32
        %add3A_274 = arith.addi %add3A_102, %add3A_273 : i32
        %dma_start3A_275 = arith.constant 1 : i32
        %dma_start3A_276 = arith.constant 0 : i32
        %dma_start3A_277 = tpu.memref_slice %arg9[%dma_start3A_275, %dma_start3A_276] : memref<2x64xi32, #tpu.memory_space<vmem>> -> memref<1x64xi32, #tpu.memory_space<vmem>>
        %dma_start3A_278 = tpu.memref_squeeze %dma_start3A_277 : memref<1x64xi32, #tpu.memory_space<vmem>> -> memref<64xi32, #tpu.memory_space<vmem>>
        %dma_start3A_279 = arith.constant 0 : i32
        %dma_start3A_280 = arith.constant 0 : i32
        %dma_start3A_281 = tpu.memref_slice %arg2[%dma_start3A_279, %dma_start3A_280] : memref<10000x128xf32, #tpu.memory_space<hbm>> -> memref<10000x128xf32, #tpu.memory_space<hbm>>
        tpu.enqueue_indirect_dma source(%dma_start3A_281 : memref<10000x128xf32, #tpu.memory_space<hbm>>) target(%arg13 : memref<64x128xf32, #tpu.memory_space<vmem>>) offsets(%dma_start3A_278 : memref<64xi32, #tpu.memory_space<vmem>>) semaphore(%arg18 : memref<!tpu.dma_semaphore, #tpu.memory_space<semaphore_mem>>)
        %add3A_282 = arith.constant 2 : i32
        %add3A_283 = arith.addi %add3A_102, %add3A_282 : i32
        %mul3A_284 = arith.constant 160 : i32
        %mul3A_285 = arith.muli %add3A, %mul3A_284 : i32
        %add3A_286 = arith.addi %mul3A_285, %add3A_283 : i32
        %lt3A_287 = arith.constant 5000 : i32
        %lt3A_288 = arith.cmpi slt, %add3A_286, %lt3A_287 : i32
        %convert_element_type3A_289 = arith.extui %lt3A_288 : i1 to i32
        %cond3A_290 = arith.constant 0 : i32
        %cond3A_291 = arith.cmpi ne, %convert_element_type3A_289, %cond3A_290 : i32
        scf.if %cond3A_291 {
          %dma_start3A_292 = arith.constant 0 : i32
          %dma_start3A_293 = arith.constant 0 : i32
          %dma_start3A_294 = tpu.memref_slice %arg5[%add3A_286, %dma_start3A_292, %dma_start3A_293] : memref<5000x64x128xf32, #tpu.memory_space<hbm>> -> memref<1x64x128xf32, #tpu.memory_space<hbm>>
          %dma_start3A_295 = tpu.memref_squeeze %dma_start3A_294 : memref<1x64x128xf32, #tpu.memory_space<hbm>> -> memref<64x128xf32, #tpu.memory_space<hbm>>
          %dma_start3A_296 = arith.constant 0 : i32
          %dma_start3A_297 = arith.constant 0 : i32
          %dma_start3A_298 = tpu.memref_slice %arg5[%add3A_286, %dma_start3A_296, %dma_start3A_297] : memref<5000x64x128xf32, #tpu.memory_space<hbm>> -> memref<1x64x128xf32, #tpu.memory_space<hbm>>
          %dma_start3A_299 = tpu.memref_squeeze %dma_start3A_298 : memref<1x64x128xf32, #tpu.memory_space<hbm>> -> memref<64x128xf32, #tpu.memory_space<hbm>>
          tpu.enqueue_dma source(%dma_start3A_299 : memref<64x128xf32, #tpu.memory_space<hbm>>) target(%arg15 : memref<64x128xf32, #tpu.memory_space<vmem>>) target_semaphore(%arg30 : memref<!tpu.dma_semaphore, #tpu.memory_space<semaphore_mem>>)
        } else {
        }
      } else {
      }
      %mul3A_137 = arith.constant 4 : i32
      %mul3A_138 = arith.muli %mul3A_137, %scan3A_61 : i32
      %add3A_139 = arith.constant 2 : i32
      %add3A_140 = arith.addi %mul3A_138, %add3A_139 : i32
      %dma_wait3A_141 = arith.constant 0 : i32
      %dma_wait3A_142 = arith.constant 0 : i32
      %dma_wait3A_143 = tpu.memref_slice %arg9[%dma_wait3A_141, %dma_wait3A_142] : memref<2x64xi32, #tpu.memory_space<vmem>> -> memref<1x64xi32, #tpu.memory_space<vmem>>
      %dma_wait3A_144 = tpu.memref_squeeze %dma_wait3A_143 : memref<1x64xi32, #tpu.memory_space<vmem>> -> memref<64xi32, #tpu.memory_space<vmem>>
      %dma_wait3A_145 = arith.constant 0 : i32
      %dma_wait3A_146 = arith.constant 0 : i32
      %dma_wait3A_147 = tpu.memref_slice %arg2[%dma_wait3A_145, %dma_wait3A_146] : memref<10000x128xf32, #tpu.memory_space<hbm>> -> memref<10000x128xf32, #tpu.memory_space<hbm>>
      tpu.wait_indirect_dma semaphore(%arg17 : memref<!tpu.dma_semaphore, #tpu.memory_space<semaphore_mem>>) src(%dma_wait3A_147 : memref<10000x128xf32, #tpu.memory_space<hbm>>) dst(%arg12 : memref<64x128xf32, #tpu.memory_space<vmem>>)
      %dma_start3A_148 = arith.constant 2 : i32
      %dma_start3A_149 = arith.constant 0 : i32
      %dma_start3A_150 = tpu.memref_slice %arg8[%dma_start3A_148, %dma_start3A_149] : memref<4x64xi32, #tpu.memory_space<vmem>> -> memref<1x64xi32, #tpu.memory_space<vmem>>
      %dma_start3A_151 = tpu.memref_squeeze %dma_start3A_150 : memref<1x64xi32, #tpu.memory_space<vmem>> -> memref<64xi32, #tpu.memory_space<vmem>>
      %dma_start3A_152 = arith.constant 0 : i32
      %dma_start3A_153 = arith.constant 0 : i32
      %dma_start3A_154 = tpu.memref_slice %arg16[%dma_start3A_152, %dma_start3A_153] : memref<10112x128xf32, #tpu.memory_space<vmem_shared>> -> memref<10112x128xf32, #tpu.memory_space<vmem_shared>>
      tpu.enqueue_indirect_dma source(%arg12 : memref<64x128xf32, #tpu.memory_space<vmem>>) target(%dma_start3A_154 : memref<10112x128xf32, #tpu.memory_space<vmem_shared>>) offsets(%dma_start3A_151 : memref<64xi32, #tpu.memory_space<vmem>>) semaphore(%arg23 : memref<!tpu.dma_semaphore, #tpu.memory_space<semaphore_mem>>) {add = true}
      %mul3A_155 = arith.constant 160 : i32
      %mul3A_156 = arith.muli %add3A, %mul3A_155 : i32
      %add3A_157 = arith.addi %mul3A_156, %add3A_140 : i32
      %lt3A_158 = arith.constant 5000 : i32
      %lt3A_159 = arith.cmpi slt, %add3A_157, %lt3A_158 : i32
      %convert_element_type3A_160 = arith.extui %lt3A_159 : i1 to i32
      %cond3A_161 = arith.constant 0 : i32
      %cond3A_162 = arith.cmpi ne, %convert_element_type3A_160, %cond3A_161 : i32
      scf.if %cond3A_162 {
        %dma_wait3A_213 = arith.constant 0 : i32
        %dma_wait3A_214 = arith.constant 0 : i32
        %dma_wait3A_215 = tpu.memref_slice %arg5[%add3A_157, %dma_wait3A_213, %dma_wait3A_214] : memref<5000x64x128xf32, #tpu.memory_space<hbm>> -> memref<1x64x128xf32, #tpu.memory_space<hbm>>
        %dma_wait3A_216 = tpu.memref_squeeze %dma_wait3A_215 : memref<1x64x128xf32, #tpu.memory_space<hbm>> -> memref<64x128xf32, #tpu.memory_space<hbm>>
        %dma_wait3A_217 = arith.constant 0 : i32
        %dma_wait3A_218 = arith.constant 0 : i32
        %dma_wait3A_219 = tpu.memref_slice %arg5[%add3A_157, %dma_wait3A_217, %dma_wait3A_218] : memref<5000x64x128xf32, #tpu.memory_space<hbm>> -> memref<1x64x128xf32, #tpu.memory_space<hbm>>
        %dma_wait3A_220 = tpu.memref_squeeze %dma_wait3A_219 : memref<1x64x128xf32, #tpu.memory_space<hbm>> -> memref<64x128xf32, #tpu.memory_space<hbm>>
        tpu.wait_dma2 semaphore(%arg29 : memref<!tpu.dma_semaphore, #tpu.memory_space<semaphore_mem>>) src(%dma_wait3A_220 : memref<64x128xf32, #tpu.memory_space<hbm>>) dst(%arg14 : memref<64x128xf32, #tpu.memory_space<vmem>>)
        %run_scoped3A_221 = arith.constant 2 : i32
        "tpu.region"() ({
          %run_scoped3A_222 = tpu.sem_alloc : memref<!tpu.dma_semaphore, #tpu.memory_space<semaphore_mem>>
          %dma_start3A_223 = arith.constant 0 : i32
          %dma_start3A_224 = tpu.memref_slice %arg8[%run_scoped3A_221, %dma_start3A_223] : memref<4x64xi32, #tpu.memory_space<vmem>> -> memref<1x64xi32, #tpu.memory_space<vmem>>
          %dma_start3A_225 = tpu.memref_squeeze %dma_start3A_224 : memref<1x64xi32, #tpu.memory_space<vmem>> -> memref<64xi32, #tpu.memory_space<vmem>>
          %dma_start3A_226 = arith.constant 0 : i32
          %dma_start3A_227 = arith.constant 0 : i32
          %dma_start3A_228 = tpu.memref_slice %arg16[%dma_start3A_226, %dma_start3A_227] : memref<10112x128xf32, #tpu.memory_space<vmem_shared>> -> memref<10112x128xf32, #tpu.memory_space<vmem_shared>>
          tpu.enqueue_indirect_dma source(%arg14 : memref<64x128xf32, #tpu.memory_space<vmem>>) target(%dma_start3A_228 : memref<10112x128xf32, #tpu.memory_space<vmem_shared>>) offsets(%dma_start3A_225 : memref<64xi32, #tpu.memory_space<vmem>>) semaphore(%run_scoped3A_222 : memref<!tpu.dma_semaphore, #tpu.memory_space<semaphore_mem>>) {add = true}
          %dma_wait3A_229 = arith.constant 0 : i32
          %dma_wait3A_230 = tpu.memref_slice %arg8[%run_scoped3A_221, %dma_wait3A_229] : memref<4x64xi32, #tpu.memory_space<vmem>> -> memref<1x64xi32, #tpu.memory_space<vmem>>
          %dma_wait3A_231 = tpu.memref_squeeze %dma_wait3A_230 : memref<1x64xi32, #tpu.memory_space<vmem>> -> memref<64xi32, #tpu.memory_space<vmem>>
          %dma_wait3A_232 = arith.constant 0 : i32
          %dma_wait3A_233 = arith.constant 0 : i32
          %dma_wait3A_234 = tpu.memref_slice %arg16[%dma_wait3A_232, %dma_wait3A_233] : memref<10112x128xf32, #tpu.memory_space<vmem_shared>> -> memref<10112x128xf32, #tpu.memory_space<vmem_shared>>
          tpu.wait_indirect_dma semaphore(%run_scoped3A_222 : memref<!tpu.dma_semaphore, #tpu.memory_space<semaphore_mem>>) src(%arg14 : memref<64x128xf32, #tpu.memory_space<vmem>>) dst(%dma_wait3A_234 : memref<10112x128xf32, #tpu.memory_space<vmem_shared>>)
          tpu.yield
        }) : () -> ()
      } else {
      }
      %ge3A_163 = arith.constant 2 : i32
      %ge3A_164 = arith.cmpi sge, %add3A_140, %ge3A_163 : i32
      %convert_element_type3A_165 = arith.extui %ge3A_164 : i1 to i32
      %cond3A_166 = arith.constant 0 : i32
      %cond3A_167 = arith.cmpi ne, %convert_element_type3A_165, %cond3A_166 : i32
      scf.if %cond3A_167 {
        %sub3A = arith.constant 2 : i32
        %sub3A_213 = arith.subi %add3A_140, %sub3A : i32
        %dma_wait3A_214 = arith.constant 0 : i32
        %dma_wait3A_215 = arith.constant 0 : i32
        %dma_wait3A_216 = tpu.memref_slice %arg8[%dma_wait3A_214, %dma_wait3A_215] : memref<4x64xi32, #tpu.memory_space<vmem>> -> memref<1x64xi32, #tpu.memory_space<vmem>>
        %dma_wait3A_217 = tpu.memref_squeeze %dma_wait3A_216 : memref<1x64xi32, #tpu.memory_space<vmem>> -> memref<64xi32, #tpu.memory_space<vmem>>
        %dma_wait3A_218 = arith.constant 0 : i32
        %dma_wait3A_219 = arith.constant 0 : i32
        %dma_wait3A_220 = tpu.memref_slice %arg16[%dma_wait3A_218, %dma_wait3A_219] : memref<10112x128xf32, #tpu.memory_space<vmem_shared>> -> memref<10112x128xf32, #tpu.memory_space<vmem_shared>>
        tpu.wait_indirect_dma semaphore(%arg21 : memref<!tpu.dma_semaphore, #tpu.memory_space<semaphore_mem>>) src(%arg10 : memref<64x128xf32, #tpu.memory_space<vmem>>) dst(%dma_wait3A_220 : memref<10112x128xf32, #tpu.memory_space<vmem_shared>>)
      } else {
      }
      %add3A_168 = arith.constant 2 : i32
      %add3A_169 = arith.addi %add3A_140, %add3A_168 : i32
      %lt3A_170 = arith.constant 160 : i32
      %lt3A_171 = arith.cmpi slt, %add3A_169, %lt3A_170 : i32
      %convert_element_type3A_172 = arith.extui %lt3A_171 : i1 to i32
      %cond3A_173 = arith.constant 0 : i32
      %cond3A_174 = arith.cmpi ne, %convert_element_type3A_172, %cond3A_173 : i32
      scf.if %cond3A_174 {
        %add3A_213 = arith.constant 2 : i32
        %add3A_214 = arith.addi %add3A_140, %add3A_213 : i32
        %dma_start3A_215 = arith.constant 0 : i32
        %dma_start3A_216 = arith.constant 0 : i32
        %dma_start3A_217 = tpu.memref_slice %arg9[%dma_start3A_215, %dma_start3A_216] : memref<2x64xi32, #tpu.memory_space<vmem>> -> memref<1x64xi32, #tpu.memory_space<vmem>>
        %dma_start3A_218 = tpu.memref_squeeze %dma_start3A_217 : memref<1x64xi32, #tpu.memory_space<vmem>> -> memref<64xi32, #tpu.memory_space<vmem>>
        %dma_start3A_219 = arith.constant 0 : i32
        %dma_start3A_220 = tpu.memref_slice %arg3[%add3A, %add3A_214, %dma_start3A_219] : memref<32x160x64xi32, #tpu.memory_space<hbm>> -> memref<1x1x64xi32, #tpu.memory_space<hbm>>
        %dma_start3A_221 = tpu.memref_squeeze %dma_start3A_220 : memref<1x1x64xi32, #tpu.memory_space<hbm>> -> memref<64xi32, #tpu.memory_space<hbm>>
        %dma_start3A_222 = arith.constant 0 : i32
        %dma_start3A_223 = tpu.memref_slice %arg9[%dma_start3A_215, %dma_start3A_222] : memref<2x64xi32, #tpu.memory_space<vmem>> -> memref<1x64xi32, #tpu.memory_space<vmem>>
        %dma_start3A_224 = tpu.memref_squeeze %dma_start3A_223 : memref<1x64xi32, #tpu.memory_space<vmem>> -> memref<64xi32, #tpu.memory_space<vmem>>
        %dma_start3A_225 = arith.constant 0 : i32
        %dma_start3A_226 = tpu.memref_slice %arg3[%add3A, %add3A_214, %dma_start3A_225] : memref<32x160x64xi32, #tpu.memory_space<hbm>> -> memref<1x1x64xi32, #tpu.memory_space<hbm>>
        %dma_start3A_227 = tpu.memref_squeeze %dma_start3A_226 : memref<1x1x64xi32, #tpu.memory_space<hbm>> -> memref<64xi32, #tpu.memory_space<hbm>>
        tpu.enqueue_dma source(%dma_start3A_227 : memref<64xi32, #tpu.memory_space<hbm>>) target(%dma_start3A_224 : memref<64xi32, #tpu.memory_space<vmem>>) target_semaphore(%arg25 : memref<!tpu.dma_semaphore, #tpu.memory_space<semaphore_mem>>)
        %add3A_228 = arith.constant 2 : i32
        %add3A_229 = arith.addi %add3A_140, %add3A_228 : i32
        %dma_start3A_230 = arith.constant 0 : i32
        %dma_start3A_231 = arith.constant 0 : i32
        %dma_start3A_232 = tpu.memref_slice %arg8[%dma_start3A_230, %dma_start3A_231] : memref<4x64xi32, #tpu.memory_space<vmem>> -> memref<1x64xi32, #tpu.memory_space<vmem>>
        %dma_start3A_233 = tpu.memref_squeeze %dma_start3A_232 : memref<1x64xi32, #tpu.memory_space<vmem>> -> memref<64xi32, #tpu.memory_space<vmem>>
        %dma_start3A_234 = arith.constant 0 : i32
        %dma_start3A_235 = tpu.memref_slice %arg4[%add3A, %add3A_229, %dma_start3A_234] : memref<32x160x64xi32, #tpu.memory_space<hbm>> -> memref<1x1x64xi32, #tpu.memory_space<hbm>>
        %dma_start3A_236 = tpu.memref_squeeze %dma_start3A_235 : memref<1x1x64xi32, #tpu.memory_space<hbm>> -> memref<64xi32, #tpu.memory_space<hbm>>
        %dma_start3A_237 = arith.constant 0 : i32
        %dma_start3A_238 = tpu.memref_slice %arg8[%dma_start3A_230, %dma_start3A_237] : memref<4x64xi32, #tpu.memory_space<vmem>> -> memref<1x64xi32, #tpu.memory_space<vmem>>
        %dma_start3A_239 = tpu.memref_squeeze %dma_start3A_238 : memref<1x64xi32, #tpu.memory_space<vmem>> -> memref<64xi32, #tpu.memory_space<vmem>>
        %dma_start3A_240 = arith.constant 0 : i32
        %dma_start3A_241 = tpu.memref_slice %arg4[%add3A, %add3A_229, %dma_start3A_240] : memref<32x160x64xi32, #tpu.memory_space<hbm>> -> memref<1x1x64xi32, #tpu.memory_space<hbm>>
        %dma_start3A_242 = tpu.memref_squeeze %dma_start3A_241 : memref<1x1x64xi32, #tpu.memory_space<hbm>> -> memref<64xi32, #tpu.memory_space<hbm>>
        tpu.enqueue_dma source(%dma_start3A_242 : memref<64xi32, #tpu.memory_space<hbm>>) target(%dma_start3A_239 : memref<64xi32, #tpu.memory_space<vmem>>) target_semaphore(%arg27 : memref<!tpu.dma_semaphore, #tpu.memory_space<semaphore_mem>>)
        %add3A_243 = arith.constant 2 : i32
        %add3A_244 = arith.addi %add3A_140, %add3A_243 : i32
        %dma_wait3A_245 = arith.constant 0 : i32
        %dma_wait3A_246 = arith.constant 0 : i32
        %dma_wait3A_247 = tpu.memref_slice %arg9[%dma_wait3A_245, %dma_wait3A_246] : memref<2x64xi32, #tpu.memory_space<vmem>> -> memref<1x64xi32, #tpu.memory_space<vmem>>
        %dma_wait3A_248 = tpu.memref_squeeze %dma_wait3A_247 : memref<1x64xi32, #tpu.memory_space<vmem>> -> memref<64xi32, #tpu.memory_space<vmem>>
        %dma_wait3A_249 = arith.constant 0 : i32
        %dma_wait3A_250 = tpu.memref_slice %arg3[%add3A, %add3A_244, %dma_wait3A_249] : memref<32x160x64xi32, #tpu.memory_space<hbm>> -> memref<1x1x64xi32, #tpu.memory_space<hbm>>
        %dma_wait3A_251 = tpu.memref_squeeze %dma_wait3A_250 : memref<1x1x64xi32, #tpu.memory_space<hbm>> -> memref<64xi32, #tpu.memory_space<hbm>>
        %dma_wait3A_252 = arith.constant 0 : i32
        %dma_wait3A_253 = tpu.memref_slice %arg9[%dma_wait3A_245, %dma_wait3A_252] : memref<2x64xi32, #tpu.memory_space<vmem>> -> memref<1x64xi32, #tpu.memory_space<vmem>>
        %dma_wait3A_254 = tpu.memref_squeeze %dma_wait3A_253 : memref<1x64xi32, #tpu.memory_space<vmem>> -> memref<64xi32, #tpu.memory_space<vmem>>
        %dma_wait3A_255 = arith.constant 0 : i32
        %dma_wait3A_256 = tpu.memref_slice %arg3[%add3A, %add3A_244, %dma_wait3A_255] : memref<32x160x64xi32, #tpu.memory_space<hbm>> -> memref<1x1x64xi32, #tpu.memory_space<hbm>>
        %dma_wait3A_257 = tpu.memref_squeeze %dma_wait3A_256 : memref<1x1x64xi32, #tpu.memory_space<hbm>> -> memref<64xi32, #tpu.memory_space<hbm>>
        tpu.wait_dma2 semaphore(%arg25 : memref<!tpu.dma_semaphore, #tpu.memory_space<semaphore_mem>>) src(%dma_wait3A_257 : memref<64xi32, #tpu.memory_space<hbm>>) dst(%dma_wait3A_254 : memref<64xi32, #tpu.memory_space<vmem>>)
        %add3A_258 = arith.constant 2 : i32
        %add3A_259 = arith.addi %add3A_140, %add3A_258 : i32
        %dma_wait3A_260 = arith.constant 0 : i32
        %dma_wait3A_261 = arith.constant 0 : i32
        %dma_wait3A_262 = tpu.memref_slice %arg8[%dma_wait3A_260, %dma_wait3A_261] : memref<4x64xi32, #tpu.memory_space<vmem>> -> memref<1x64xi32, #tpu.memory_space<vmem>>
        %dma_wait3A_263 = tpu.memref_squeeze %dma_wait3A_262 : memref<1x64xi32, #tpu.memory_space<vmem>> -> memref<64xi32, #tpu.memory_space<vmem>>
        %dma_wait3A_264 = arith.constant 0 : i32
        %dma_wait3A_265 = tpu.memref_slice %arg4[%add3A, %add3A_259, %dma_wait3A_264] : memref<32x160x64xi32, #tpu.memory_space<hbm>> -> memref<1x1x64xi32, #tpu.memory_space<hbm>>
        %dma_wait3A_266 = tpu.memref_squeeze %dma_wait3A_265 : memref<1x1x64xi32, #tpu.memory_space<hbm>> -> memref<64xi32, #tpu.memory_space<hbm>>
        %dma_wait3A_267 = arith.constant 0 : i32
        %dma_wait3A_268 = tpu.memref_slice %arg8[%dma_wait3A_260, %dma_wait3A_267] : memref<4x64xi32, #tpu.memory_space<vmem>> -> memref<1x64xi32, #tpu.memory_space<vmem>>
        %dma_wait3A_269 = tpu.memref_squeeze %dma_wait3A_268 : memref<1x64xi32, #tpu.memory_space<vmem>> -> memref<64xi32, #tpu.memory_space<vmem>>
        %dma_wait3A_270 = arith.constant 0 : i32
        %dma_wait3A_271 = tpu.memref_slice %arg4[%add3A, %add3A_259, %dma_wait3A_270] : memref<32x160x64xi32, #tpu.memory_space<hbm>> -> memref<1x1x64xi32, #tpu.memory_space<hbm>>
        %dma_wait3A_272 = tpu.memref_squeeze %dma_wait3A_271 : memref<1x1x64xi32, #tpu.memory_space<hbm>> -> memref<64xi32, #tpu.memory_space<hbm>>
        tpu.wait_dma2 semaphore(%arg27 : memref<!tpu.dma_semaphore, #tpu.memory_space<semaphore_mem>>) src(%dma_wait3A_272 : memref<64xi32, #tpu.memory_space<hbm>>) dst(%dma_wait3A_269 : memref<64xi32, #tpu.memory_space<vmem>>)
        %add3A_273 = arith.constant 2 : i32
        %add3A_274 = arith.addi %add3A_140, %add3A_273 : i32
        %dma_start3A_275 = arith.constant 0 : i32
        %dma_start3A_276 = arith.constant 0 : i32
        %dma_start3A_277 = tpu.memref_slice %arg9[%dma_start3A_275, %dma_start3A_276] : memref<2x64xi32, #tpu.memory_space<vmem>> -> memref<1x64xi32, #tpu.memory_space<vmem>>
        %dma_start3A_278 = tpu.memref_squeeze %dma_start3A_277 : memref<1x64xi32, #tpu.memory_space<vmem>> -> memref<64xi32, #tpu.memory_space<vmem>>
        %dma_start3A_279 = arith.constant 0 : i32
        %dma_start3A_280 = arith.constant 0 : i32
        %dma_start3A_281 = tpu.memref_slice %arg2[%dma_start3A_279, %dma_start3A_280] : memref<10000x128xf32, #tpu.memory_space<hbm>> -> memref<10000x128xf32, #tpu.memory_space<hbm>>
        tpu.enqueue_indirect_dma source(%dma_start3A_281 : memref<10000x128xf32, #tpu.memory_space<hbm>>) target(%arg10 : memref<64x128xf32, #tpu.memory_space<vmem>>) offsets(%dma_start3A_278 : memref<64xi32, #tpu.memory_space<vmem>>) semaphore(%arg17 : memref<!tpu.dma_semaphore, #tpu.memory_space<semaphore_mem>>)
        %add3A_282 = arith.constant 2 : i32
        %add3A_283 = arith.addi %add3A_140, %add3A_282 : i32
        %mul3A_284 = arith.constant 160 : i32
        %mul3A_285 = arith.muli %add3A, %mul3A_284 : i32
        %add3A_286 = arith.addi %mul3A_285, %add3A_283 : i32
        %lt3A_287 = arith.constant 5000 : i32
        %lt3A_288 = arith.cmpi slt, %add3A_286, %lt3A_287 : i32
        %convert_element_type3A_289 = arith.extui %lt3A_288 : i1 to i32
        %cond3A_290 = arith.constant 0 : i32
        %cond3A_291 = arith.cmpi ne, %convert_element_type3A_289, %cond3A_290 : i32
        scf.if %cond3A_291 {
          %dma_start3A_292 = arith.constant 0 : i32
          %dma_start3A_293 = arith.constant 0 : i32
          %dma_start3A_294 = tpu.memref_slice %arg5[%add3A_286, %dma_start3A_292, %dma_start3A_293] : memref<5000x64x128xf32, #tpu.memory_space<hbm>> -> memref<1x64x128xf32, #tpu.memory_space<hbm>>
          %dma_start3A_295 = tpu.memref_squeeze %dma_start3A_294 : memref<1x64x128xf32, #tpu.memory_space<hbm>> -> memref<64x128xf32, #tpu.memory_space<hbm>>
          %dma_start3A_296 = arith.constant 0 : i32
          %dma_start3A_297 = arith.constant 0 : i32
          %dma_start3A_298 = tpu.memref_slice %arg5[%add3A_286, %dma_start3A_296, %dma_start3A_297] : memref<5000x64x128xf32, #tpu.memory_space<hbm>> -> memref<1x64x128xf32, #tpu.memory_space<hbm>>
          %dma_start3A_299 = tpu.memref_squeeze %dma_start3A_298 : memref<1x64x128xf32, #tpu.memory_space<hbm>> -> memref<64x128xf32, #tpu.memory_space<hbm>>
          tpu.enqueue_dma source(%dma_start3A_299 : memref<64x128xf32, #tpu.memory_space<hbm>>) target(%arg14 : memref<64x128xf32, #tpu.memory_space<vmem>>) target_semaphore(%arg29 : memref<!tpu.dma_semaphore, #tpu.memory_space<semaphore_mem>>)
        } else {
        }
      } else {
      }
      %mul3A_175 = arith.constant 4 : i32
      %mul3A_176 = arith.muli %mul3A_175, %scan3A_61 : i32
      %add3A_177 = arith.constant 3 : i32
      %add3A_178 = arith.addi %mul3A_176, %add3A_177 : i32
      %dma_wait3A_179 = arith.constant 1 : i32
      %dma_wait3A_180 = arith.constant 0 : i32
      %dma_wait3A_181 = tpu.memref_slice %arg9[%dma_wait3A_179, %dma_wait3A_180] : memref<2x64xi32, #tpu.memory_space<vmem>> -> memref<1x64xi32, #tpu.memory_space<vmem>>
      %dma_wait3A_182 = tpu.memref_squeeze %dma_wait3A_181 : memref<1x64xi32, #tpu.memory_space<vmem>> -> memref<64xi32, #tpu.memory_space<vmem>>
      %dma_wait3A_183 = arith.constant 0 : i32
      %dma_wait3A_184 = arith.constant 0 : i32
      %dma_wait3A_185 = tpu.memref_slice %arg2[%dma_wait3A_183, %dma_wait3A_184] : memref<10000x128xf32, #tpu.memory_space<hbm>> -> memref<10000x128xf32, #tpu.memory_space<hbm>>
      tpu.wait_indirect_dma semaphore(%arg18 : memref<!tpu.dma_semaphore, #tpu.memory_space<semaphore_mem>>) src(%dma_wait3A_185 : memref<10000x128xf32, #tpu.memory_space<hbm>>) dst(%arg13 : memref<64x128xf32, #tpu.memory_space<vmem>>)
      %dma_start3A_186 = arith.constant 3 : i32
      %dma_start3A_187 = arith.constant 0 : i32
      %dma_start3A_188 = tpu.memref_slice %arg8[%dma_start3A_186, %dma_start3A_187] : memref<4x64xi32, #tpu.memory_space<vmem>> -> memref<1x64xi32, #tpu.memory_space<vmem>>
      %dma_start3A_189 = tpu.memref_squeeze %dma_start3A_188 : memref<1x64xi32, #tpu.memory_space<vmem>> -> memref<64xi32, #tpu.memory_space<vmem>>
      %dma_start3A_190 = arith.constant 0 : i32
      %dma_start3A_191 = arith.constant 0 : i32
      %dma_start3A_192 = tpu.memref_slice %arg16[%dma_start3A_190, %dma_start3A_191] : memref<10112x128xf32, #tpu.memory_space<vmem_shared>> -> memref<10112x128xf32, #tpu.memory_space<vmem_shared>>
      tpu.enqueue_indirect_dma source(%arg13 : memref<64x128xf32, #tpu.memory_space<vmem>>) target(%dma_start3A_192 : memref<10112x128xf32, #tpu.memory_space<vmem_shared>>) offsets(%dma_start3A_189 : memref<64xi32, #tpu.memory_space<vmem>>) semaphore(%arg24 : memref<!tpu.dma_semaphore, #tpu.memory_space<semaphore_mem>>) {add = true}
      %mul3A_193 = arith.constant 160 : i32
      %mul3A_194 = arith.muli %add3A, %mul3A_193 : i32
      %add3A_195 = arith.addi %mul3A_194, %add3A_178 : i32
      %lt3A_196 = arith.constant 5000 : i32
      %lt3A_197 = arith.cmpi slt, %add3A_195, %lt3A_196 : i32
      %convert_element_type3A_198 = arith.extui %lt3A_197 : i1 to i32
      %cond3A_199 = arith.constant 0 : i32
      %cond3A_200 = arith.cmpi ne, %convert_element_type3A_198, %cond3A_199 : i32
      scf.if %cond3A_200 {
        %dma_wait3A_213 = arith.constant 0 : i32
        %dma_wait3A_214 = arith.constant 0 : i32
        %dma_wait3A_215 = tpu.memref_slice %arg5[%add3A_195, %dma_wait3A_213, %dma_wait3A_214] : memref<5000x64x128xf32, #tpu.memory_space<hbm>> -> memref<1x64x128xf32, #tpu.memory_space<hbm>>
        %dma_wait3A_216 = tpu.memref_squeeze %dma_wait3A_215 : memref<1x64x128xf32, #tpu.memory_space<hbm>> -> memref<64x128xf32, #tpu.memory_space<hbm>>
        %dma_wait3A_217 = arith.constant 0 : i32
        %dma_wait3A_218 = arith.constant 0 : i32
        %dma_wait3A_219 = tpu.memref_slice %arg5[%add3A_195, %dma_wait3A_217, %dma_wait3A_218] : memref<5000x64x128xf32, #tpu.memory_space<hbm>> -> memref<1x64x128xf32, #tpu.memory_space<hbm>>
        %dma_wait3A_220 = tpu.memref_squeeze %dma_wait3A_219 : memref<1x64x128xf32, #tpu.memory_space<hbm>> -> memref<64x128xf32, #tpu.memory_space<hbm>>
        tpu.wait_dma2 semaphore(%arg30 : memref<!tpu.dma_semaphore, #tpu.memory_space<semaphore_mem>>) src(%dma_wait3A_220 : memref<64x128xf32, #tpu.memory_space<hbm>>) dst(%arg15 : memref<64x128xf32, #tpu.memory_space<vmem>>)
        %run_scoped3A_221 = arith.constant 3 : i32
        "tpu.region"() ({
          %run_scoped3A_222 = tpu.sem_alloc : memref<!tpu.dma_semaphore, #tpu.memory_space<semaphore_mem>>
          %dma_start3A_223 = arith.constant 0 : i32
          %dma_start3A_224 = tpu.memref_slice %arg8[%run_scoped3A_221, %dma_start3A_223] : memref<4x64xi32, #tpu.memory_space<vmem>> -> memref<1x64xi32, #tpu.memory_space<vmem>>
          %dma_start3A_225 = tpu.memref_squeeze %dma_start3A_224 : memref<1x64xi32, #tpu.memory_space<vmem>> -> memref<64xi32, #tpu.memory_space<vmem>>
          %dma_start3A_226 = arith.constant 0 : i32
          %dma_start3A_227 = arith.constant 0 : i32
          %dma_start3A_228 = tpu.memref_slice %arg16[%dma_start3A_226, %dma_start3A_227] : memref<10112x128xf32, #tpu.memory_space<vmem_shared>> -> memref<10112x128xf32, #tpu.memory_space<vmem_shared>>
          tpu.enqueue_indirect_dma source(%arg15 : memref<64x128xf32, #tpu.memory_space<vmem>>) target(%dma_start3A_228 : memref<10112x128xf32, #tpu.memory_space<vmem_shared>>) offsets(%dma_start3A_225 : memref<64xi32, #tpu.memory_space<vmem>>) semaphore(%run_scoped3A_222 : memref<!tpu.dma_semaphore, #tpu.memory_space<semaphore_mem>>) {add = true}
          %dma_wait3A_229 = arith.constant 0 : i32
          %dma_wait3A_230 = tpu.memref_slice %arg8[%run_scoped3A_221, %dma_wait3A_229] : memref<4x64xi32, #tpu.memory_space<vmem>> -> memref<1x64xi32, #tpu.memory_space<vmem>>
          %dma_wait3A_231 = tpu.memref_squeeze %dma_wait3A_230 : memref<1x64xi32, #tpu.memory_space<vmem>> -> memref<64xi32, #tpu.memory_space<vmem>>
          %dma_wait3A_232 = arith.constant 0 : i32
          %dma_wait3A_233 = arith.constant 0 : i32
          %dma_wait3A_234 = tpu.memref_slice %arg16[%dma_wait3A_232, %dma_wait3A_233] : memref<10112x128xf32, #tpu.memory_space<vmem_shared>> -> memref<10112x128xf32, #tpu.memory_space<vmem_shared>>
          tpu.wait_indirect_dma semaphore(%run_scoped3A_222 : memref<!tpu.dma_semaphore, #tpu.memory_space<semaphore_mem>>) src(%arg15 : memref<64x128xf32, #tpu.memory_space<vmem>>) dst(%dma_wait3A_234 : memref<10112x128xf32, #tpu.memory_space<vmem_shared>>)
          tpu.yield
        }) : () -> ()
      } else {
      }
      %ge3A_201 = arith.constant 2 : i32
      %ge3A_202 = arith.cmpi sge, %add3A_178, %ge3A_201 : i32
      %convert_element_type3A_203 = arith.extui %ge3A_202 : i1 to i32
      %cond3A_204 = arith.constant 0 : i32
      %cond3A_205 = arith.cmpi ne, %convert_element_type3A_203, %cond3A_204 : i32
      scf.if %cond3A_205 {
        %sub3A = arith.constant 2 : i32
        %sub3A_213 = arith.subi %add3A_178, %sub3A : i32
        %dma_wait3A_214 = arith.constant 1 : i32
        %dma_wait3A_215 = arith.constant 0 : i32
        %dma_wait3A_216 = tpu.memref_slice %arg8[%dma_wait3A_214, %dma_wait3A_215] : memref<4x64xi32, #tpu.memory_space<vmem>> -> memref<1x64xi32, #tpu.memory_space<vmem>>
        %dma_wait3A_217 = tpu.memref_squeeze %dma_wait3A_216 : memref<1x64xi32, #tpu.memory_space<vmem>> -> memref<64xi32, #tpu.memory_space<vmem>>
        %dma_wait3A_218 = arith.constant 0 : i32
        %dma_wait3A_219 = arith.constant 0 : i32
        %dma_wait3A_220 = tpu.memref_slice %arg16[%dma_wait3A_218, %dma_wait3A_219] : memref<10112x128xf32, #tpu.memory_space<vmem_shared>> -> memref<10112x128xf32, #tpu.memory_space<vmem_shared>>
        tpu.wait_indirect_dma semaphore(%arg22 : memref<!tpu.dma_semaphore, #tpu.memory_space<semaphore_mem>>) src(%arg11 : memref<64x128xf32, #tpu.memory_space<vmem>>) dst(%dma_wait3A_220 : memref<10112x128xf32, #tpu.memory_space<vmem_shared>>)
      } else {
      }
      %add3A_206 = arith.constant 2 : i32
      %add3A_207 = arith.addi %add3A_178, %add3A_206 : i32
      %lt3A_208 = arith.constant 160 : i32
      %lt3A_209 = arith.cmpi slt, %add3A_207, %lt3A_208 : i32
      %convert_element_type3A_210 = arith.extui %lt3A_209 : i1 to i32
      %cond3A_211 = arith.constant 0 : i32
      %cond3A_212 = arith.cmpi ne, %convert_element_type3A_210, %cond3A_211 : i32
      scf.if %cond3A_212 {
        %add3A_213 = arith.constant 2 : i32
        %add3A_214 = arith.addi %add3A_178, %add3A_213 : i32
        %dma_start3A_215 = arith.constant 1 : i32
        %dma_start3A_216 = arith.constant 0 : i32
        %dma_start3A_217 = tpu.memref_slice %arg9[%dma_start3A_215, %dma_start3A_216] : memref<2x64xi32, #tpu.memory_space<vmem>> -> memref<1x64xi32, #tpu.memory_space<vmem>>
        %dma_start3A_218 = tpu.memref_squeeze %dma_start3A_217 : memref<1x64xi32, #tpu.memory_space<vmem>> -> memref<64xi32, #tpu.memory_space<vmem>>
        %dma_start3A_219 = arith.constant 0 : i32
        %dma_start3A_220 = tpu.memref_slice %arg3[%add3A, %add3A_214, %dma_start3A_219] : memref<32x160x64xi32, #tpu.memory_space<hbm>> -> memref<1x1x64xi32, #tpu.memory_space<hbm>>
        %dma_start3A_221 = tpu.memref_squeeze %dma_start3A_220 : memref<1x1x64xi32, #tpu.memory_space<hbm>> -> memref<64xi32, #tpu.memory_space<hbm>>
        %dma_start3A_222 = arith.constant 0 : i32
        %dma_start3A_223 = tpu.memref_slice %arg9[%dma_start3A_215, %dma_start3A_222] : memref<2x64xi32, #tpu.memory_space<vmem>> -> memref<1x64xi32, #tpu.memory_space<vmem>>
        %dma_start3A_224 = tpu.memref_squeeze %dma_start3A_223 : memref<1x64xi32, #tpu.memory_space<vmem>> -> memref<64xi32, #tpu.memory_space<vmem>>
        %dma_start3A_225 = arith.constant 0 : i32
        %dma_start3A_226 = tpu.memref_slice %arg3[%add3A, %add3A_214, %dma_start3A_225] : memref<32x160x64xi32, #tpu.memory_space<hbm>> -> memref<1x1x64xi32, #tpu.memory_space<hbm>>
        %dma_start3A_227 = tpu.memref_squeeze %dma_start3A_226 : memref<1x1x64xi32, #tpu.memory_space<hbm>> -> memref<64xi32, #tpu.memory_space<hbm>>
        tpu.enqueue_dma source(%dma_start3A_227 : memref<64xi32, #tpu.memory_space<hbm>>) target(%dma_start3A_224 : memref<64xi32, #tpu.memory_space<vmem>>) target_semaphore(%arg26 : memref<!tpu.dma_semaphore, #tpu.memory_space<semaphore_mem>>)
        %add3A_228 = arith.constant 2 : i32
        %add3A_229 = arith.addi %add3A_178, %add3A_228 : i32
        %dma_start3A_230 = arith.constant 1 : i32
        %dma_start3A_231 = arith.constant 0 : i32
        %dma_start3A_232 = tpu.memref_slice %arg8[%dma_start3A_230, %dma_start3A_231] : memref<4x64xi32, #tpu.memory_space<vmem>> -> memref<1x64xi32, #tpu.memory_space<vmem>>
        %dma_start3A_233 = tpu.memref_squeeze %dma_start3A_232 : memref<1x64xi32, #tpu.memory_space<vmem>> -> memref<64xi32, #tpu.memory_space<vmem>>
        %dma_start3A_234 = arith.constant 0 : i32
        %dma_start3A_235 = tpu.memref_slice %arg4[%add3A, %add3A_229, %dma_start3A_234] : memref<32x160x64xi32, #tpu.memory_space<hbm>> -> memref<1x1x64xi32, #tpu.memory_space<hbm>>
        %dma_start3A_236 = tpu.memref_squeeze %dma_start3A_235 : memref<1x1x64xi32, #tpu.memory_space<hbm>> -> memref<64xi32, #tpu.memory_space<hbm>>
        %dma_start3A_237 = arith.constant 0 : i32
        %dma_start3A_238 = tpu.memref_slice %arg8[%dma_start3A_230, %dma_start3A_237] : memref<4x64xi32, #tpu.memory_space<vmem>> -> memref<1x64xi32, #tpu.memory_space<vmem>>
        %dma_start3A_239 = tpu.memref_squeeze %dma_start3A_238 : memref<1x64xi32, #tpu.memory_space<vmem>> -> memref<64xi32, #tpu.memory_space<vmem>>
        %dma_start3A_240 = arith.constant 0 : i32
        %dma_start3A_241 = tpu.memref_slice %arg4[%add3A, %add3A_229, %dma_start3A_240] : memref<32x160x64xi32, #tpu.memory_space<hbm>> -> memref<1x1x64xi32, #tpu.memory_space<hbm>>
        %dma_start3A_242 = tpu.memref_squeeze %dma_start3A_241 : memref<1x1x64xi32, #tpu.memory_space<hbm>> -> memref<64xi32, #tpu.memory_space<hbm>>
        tpu.enqueue_dma source(%dma_start3A_242 : memref<64xi32, #tpu.memory_space<hbm>>) target(%dma_start3A_239 : memref<64xi32, #tpu.memory_space<vmem>>) target_semaphore(%arg28 : memref<!tpu.dma_semaphore, #tpu.memory_space<semaphore_mem>>)
        %add3A_243 = arith.constant 2 : i32
        %add3A_244 = arith.addi %add3A_178, %add3A_243 : i32
        %dma_wait3A_245 = arith.constant 1 : i32
        %dma_wait3A_246 = arith.constant 0 : i32
        %dma_wait3A_247 = tpu.memref_slice %arg9[%dma_wait3A_245, %dma_wait3A_246] : memref<2x64xi32, #tpu.memory_space<vmem>> -> memref<1x64xi32, #tpu.memory_space<vmem>>
        %dma_wait3A_248 = tpu.memref_squeeze %dma_wait3A_247 : memref<1x64xi32, #tpu.memory_space<vmem>> -> memref<64xi32, #tpu.memory_space<vmem>>
        %dma_wait3A_249 = arith.constant 0 : i32
        %dma_wait3A_250 = tpu.memref_slice %arg3[%add3A, %add3A_244, %dma_wait3A_249] : memref<32x160x64xi32, #tpu.memory_space<hbm>> -> memref<1x1x64xi32, #tpu.memory_space<hbm>>
        %dma_wait3A_251 = tpu.memref_squeeze %dma_wait3A_250 : memref<1x1x64xi32, #tpu.memory_space<hbm>> -> memref<64xi32, #tpu.memory_space<hbm>>
        %dma_wait3A_252 = arith.constant 0 : i32
        %dma_wait3A_253 = tpu.memref_slice %arg9[%dma_wait3A_245, %dma_wait3A_252] : memref<2x64xi32, #tpu.memory_space<vmem>> -> memref<1x64xi32, #tpu.memory_space<vmem>>
        %dma_wait3A_254 = tpu.memref_squeeze %dma_wait3A_253 : memref<1x64xi32, #tpu.memory_space<vmem>> -> memref<64xi32, #tpu.memory_space<vmem>>
        %dma_wait3A_255 = arith.constant 0 : i32
        %dma_wait3A_256 = tpu.memref_slice %arg3[%add3A, %add3A_244, %dma_wait3A_255] : memref<32x160x64xi32, #tpu.memory_space<hbm>> -> memref<1x1x64xi32, #tpu.memory_space<hbm>>
        %dma_wait3A_257 = tpu.memref_squeeze %dma_wait3A_256 : memref<1x1x64xi32, #tpu.memory_space<hbm>> -> memref<64xi32, #tpu.memory_space<hbm>>
        tpu.wait_dma2 semaphore(%arg26 : memref<!tpu.dma_semaphore, #tpu.memory_space<semaphore_mem>>) src(%dma_wait3A_257 : memref<64xi32, #tpu.memory_space<hbm>>) dst(%dma_wait3A_254 : memref<64xi32, #tpu.memory_space<vmem>>)
        %add3A_258 = arith.constant 2 : i32
        %add3A_259 = arith.addi %add3A_178, %add3A_258 : i32
        %dma_wait3A_260 = arith.constant 1 : i32
        %dma_wait3A_261 = arith.constant 0 : i32
        %dma_wait3A_262 = tpu.memref_slice %arg8[%dma_wait3A_260, %dma_wait3A_261] : memref<4x64xi32, #tpu.memory_space<vmem>> -> memref<1x64xi32, #tpu.memory_space<vmem>>
        %dma_wait3A_263 = tpu.memref_squeeze %dma_wait3A_262 : memref<1x64xi32, #tpu.memory_space<vmem>> -> memref<64xi32, #tpu.memory_space<vmem>>
        %dma_wait3A_264 = arith.constant 0 : i32
        %dma_wait3A_265 = tpu.memref_slice %arg4[%add3A, %add3A_259, %dma_wait3A_264] : memref<32x160x64xi32, #tpu.memory_space<hbm>> -> memref<1x1x64xi32, #tpu.memory_space<hbm>>
        %dma_wait3A_266 = tpu.memref_squeeze %dma_wait3A_265 : memref<1x1x64xi32, #tpu.memory_space<hbm>> -> memref<64xi32, #tpu.memory_space<hbm>>
        %dma_wait3A_267 = arith.constant 0 : i32
        %dma_wait3A_268 = tpu.memref_slice %arg8[%dma_wait3A_260, %dma_wait3A_267] : memref<4x64xi32, #tpu.memory_space<vmem>> -> memref<1x64xi32, #tpu.memory_space<vmem>>
        %dma_wait3A_269 = tpu.memref_squeeze %dma_wait3A_268 : memref<1x64xi32, #tpu.memory_space<vmem>> -> memref<64xi32, #tpu.memory_space<vmem>>
        %dma_wait3A_270 = arith.constant 0 : i32
        %dma_wait3A_271 = tpu.memref_slice %arg4[%add3A, %add3A_259, %dma_wait3A_270] : memref<32x160x64xi32, #tpu.memory_space<hbm>> -> memref<1x1x64xi32, #tpu.memory_space<hbm>>
        %dma_wait3A_272 = tpu.memref_squeeze %dma_wait3A_271 : memref<1x1x64xi32, #tpu.memory_space<hbm>> -> memref<64xi32, #tpu.memory_space<hbm>>
        tpu.wait_dma2 semaphore(%arg28 : memref<!tpu.dma_semaphore, #tpu.memory_space<semaphore_mem>>) src(%dma_wait3A_272 : memref<64xi32, #tpu.memory_space<hbm>>) dst(%dma_wait3A_269 : memref<64xi32, #tpu.memory_space<vmem>>)
        %add3A_273 = arith.constant 2 : i32
        %add3A_274 = arith.addi %add3A_178, %add3A_273 : i32
        %dma_start3A_275 = arith.constant 1 : i32
        %dma_start3A_276 = arith.constant 0 : i32
        %dma_start3A_277 = tpu.memref_slice %arg9[%dma_start3A_275, %dma_start3A_276] : memref<2x64xi32, #tpu.memory_space<vmem>> -> memref<1x64xi32, #tpu.memory_space<vmem>>
        %dma_start3A_278 = tpu.memref_squeeze %dma_start3A_277 : memref<1x64xi32, #tpu.memory_space<vmem>> -> memref<64xi32, #tpu.memory_space<vmem>>
        %dma_start3A_279 = arith.constant 0 : i32
        %dma_start3A_280 = arith.constant 0 : i32
        %dma_start3A_281 = tpu.memref_slice %arg2[%dma_start3A_279, %dma_start3A_280] : memref<10000x128xf32, #tpu.memory_space<hbm>> -> memref<10000x128xf32, #tpu.memory_space<hbm>>
        tpu.enqueue_indirect_dma source(%dma_start3A_281 : memref<10000x128xf32, #tpu.memory_space<hbm>>) target(%arg11 : memref<64x128xf32, #tpu.memory_space<vmem>>) offsets(%dma_start3A_278 : memref<64xi32, #tpu.memory_space<vmem>>) semaphore(%arg18 : memref<!tpu.dma_semaphore, #tpu.memory_space<semaphore_mem>>)
        %add3A_282 = arith.constant 2 : i32
        %add3A_283 = arith.addi %add3A_178, %add3A_282 : i32
        %mul3A_284 = arith.constant 160 : i32
        %mul3A_285 = arith.muli %add3A, %mul3A_284 : i32
        %add3A_286 = arith.addi %mul3A_285, %add3A_283 : i32
        %lt3A_287 = arith.constant 5000 : i32
        %lt3A_288 = arith.cmpi slt, %add3A_286, %lt3A_287 : i32
        %convert_element_type3A_289 = arith.extui %lt3A_288 : i1 to i32
        %cond3A_290 = arith.constant 0 : i32
        %cond3A_291 = arith.cmpi ne, %convert_element_type3A_289, %cond3A_290 : i32
        scf.if %cond3A_291 {
          %dma_start3A_292 = arith.constant 0 : i32
          %dma_start3A_293 = arith.constant 0 : i32
          %dma_start3A_294 = tpu.memref_slice %arg5[%add3A_286, %dma_start3A_292, %dma_start3A_293] : memref<5000x64x128xf32, #tpu.memory_space<hbm>> -> memref<1x64x128xf32, #tpu.memory_space<hbm>>
          %dma_start3A_295 = tpu.memref_squeeze %dma_start3A_294 : memref<1x64x128xf32, #tpu.memory_space<hbm>> -> memref<64x128xf32, #tpu.memory_space<hbm>>
          %dma_start3A_296 = arith.constant 0 : i32
          %dma_start3A_297 = arith.constant 0 : i32
          %dma_start3A_298 = tpu.memref_slice %arg5[%add3A_286, %dma_start3A_296, %dma_start3A_297] : memref<5000x64x128xf32, #tpu.memory_space<hbm>> -> memref<1x64x128xf32, #tpu.memory_space<hbm>>
          %dma_start3A_299 = tpu.memref_squeeze %dma_start3A_298 : memref<1x64x128xf32, #tpu.memory_space<hbm>> -> memref<64x128xf32, #tpu.memory_space<hbm>>
          tpu.enqueue_dma source(%dma_start3A_299 : memref<64x128xf32, #tpu.memory_space<hbm>>) target(%arg15 : memref<64x128xf32, #tpu.memory_space<vmem>>) target_semaphore(%arg30 : memref<!tpu.dma_semaphore, #tpu.memory_space<semaphore_mem>>)
        } else {
        }
      } else {
      }
    }
    %scan3A_46 = arith.constant 40 : i32
    %dma_wait3A = arith.constant 2 : i32
    %dma_wait3A_47 = arith.constant 0 : i32
    %dma_wait3A_48 = tpu.memref_slice %arg8[%dma_wait3A, %dma_wait3A_47] : memref<4x64xi32, #tpu.memory_space<vmem>> -> memref<1x64xi32, #tpu.memory_space<vmem>>
    %dma_wait3A_49 = tpu.memref_squeeze %dma_wait3A_48 : memref<1x64xi32, #tpu.memory_space<vmem>> -> memref<64xi32, #tpu.memory_space<vmem>>
    %dma_wait3A_50 = arith.constant 0 : i32
    %dma_wait3A_51 = arith.constant 0 : i32
    %dma_wait3A_52 = tpu.memref_slice %arg16[%dma_wait3A_50, %dma_wait3A_51] : memref<10112x128xf32, #tpu.memory_space<vmem_shared>> -> memref<10112x128xf32, #tpu.memory_space<vmem_shared>>
    tpu.wait_indirect_dma semaphore(%arg23 : memref<!tpu.dma_semaphore, #tpu.memory_space<semaphore_mem>>) src(%arg12 : memref<64x128xf32, #tpu.memory_space<vmem>>) dst(%dma_wait3A_52 : memref<10112x128xf32, #tpu.memory_space<vmem_shared>>)
    %dma_wait3A_53 = arith.constant 3 : i32
    %dma_wait3A_54 = arith.constant 0 : i32
    %dma_wait3A_55 = tpu.memref_slice %arg8[%dma_wait3A_53, %dma_wait3A_54] : memref<4x64xi32, #tpu.memory_space<vmem>> -> memref<1x64xi32, #tpu.memory_space<vmem>>
    %dma_wait3A_56 = tpu.memref_squeeze %dma_wait3A_55 : memref<1x64xi32, #tpu.memory_space<vmem>> -> memref<64xi32, #tpu.memory_space<vmem>>
    %dma_wait3A_57 = arith.constant 0 : i32
    %dma_wait3A_58 = arith.constant 0 : i32
    %dma_wait3A_59 = tpu.memref_slice %arg16[%dma_wait3A_57, %dma_wait3A_58] : memref<10112x128xf32, #tpu.memory_space<vmem_shared>> -> memref<10112x128xf32, #tpu.memory_space<vmem_shared>>
    tpu.wait_indirect_dma semaphore(%arg24 : memref<!tpu.dma_semaphore, #tpu.memory_space<semaphore_mem>>) src(%arg13 : memref<64x128xf32, #tpu.memory_space<vmem>>) dst(%dma_wait3A_59 : memref<10112x128xf32, #tpu.memory_space<vmem_shared>>)
    %barrier3A_60 = arith.constant 0 : index
    tpu.barrier barrier_id(%barrier3A_60)
    "tpu.region"() ({
      %run_scoped3A_61 = tpu.sem_alloc : memref<!tpu.dma_semaphore, #tpu.memory_space<semaphore_mem>>
      %dma_start3A_62 = arith.constant 0 : i32
      %dma_start3A_63 = tpu.memref_slice %arg7[%arg0, %mul3A_2, %dma_start3A_62] : memref<2x10112x128xf32, #tpu.memory_space<hbm>> -> memref<1x632x128xf32, #tpu.memory_space<hbm>>
      %dma_start3A_64 = tpu.memref_squeeze %dma_start3A_63 : memref<1x632x128xf32, #tpu.memory_space<hbm>> -> memref<632x128xf32, #tpu.memory_space<hbm>>
      %dma_start3A_65 = arith.constant 0 : i32
      %dma_start3A_66 = tpu.memref_slice %arg16[%mul3A_2, %dma_start3A_65] : memref<10112x128xf32, #tpu.memory_space<vmem_shared>> -> memref<632x128xf32, #tpu.memory_space<vmem_shared>>
      tpu.enqueue_dma source(%dma_start3A_66 : memref<632x128xf32, #tpu.memory_space<vmem_shared>>) target(%dma_start3A_64 : memref<632x128xf32, #tpu.memory_space<hbm>>) target_semaphore(%run_scoped3A_61 : memref<!tpu.dma_semaphore, #tpu.memory_space<semaphore_mem>>)
      %dma_wait3A_67 = arith.constant 0 : i32
      %dma_wait3A_68 = tpu.memref_slice %arg7[%arg0, %mul3A_2, %dma_wait3A_67] : memref<2x10112x128xf32, #tpu.memory_space<hbm>> -> memref<1x632x128xf32, #tpu.memory_space<hbm>>
      %dma_wait3A_69 = tpu.memref_squeeze %dma_wait3A_68 : memref<1x632x128xf32, #tpu.memory_space<hbm>> -> memref<632x128xf32, #tpu.memory_space<hbm>>
      %dma_wait3A_70 = arith.constant 0 : i32
      %dma_wait3A_71 = tpu.memref_slice %arg16[%mul3A_2, %dma_wait3A_70] : memref<10112x128xf32, #tpu.memory_space<vmem_shared>> -> memref<632x128xf32, #tpu.memory_space<vmem_shared>>
      tpu.wait_dma2 semaphore(%run_scoped3A_61 : memref<!tpu.dma_semaphore, #tpu.memory_space<semaphore_mem>>) src(%dma_wait3A_71 : memref<632x128xf32, #tpu.memory_space<vmem_shared>>) dst(%dma_wait3A_69 : memref<632x128xf32, #tpu.memory_space<hbm>>)
      tpu.yield
    }) : () -> ()
    return
  }
}

#map = affine_map<(d0, d1) -> (0, 0)>
#map1 = affine_map<(d0, d1) -> (0, 0, 0)>
module attributes {stable_mosaic.version = 14 : i64} {
  func.func @_sc_edge_pass_a(%arg0: i32, %arg1: i32, %arg2: memref<10000x128xf32, #tpu.memory_space<hbm>>, %arg3: memref<32x160x64xi32, #tpu.memory_space<hbm>>, %arg4: memref<32x160x64xi32, #tpu.memory_space<hbm>>, %arg5: memref<632x128xf32, #tpu.memory_space<hbm>>, %arg6: memref<2x10112x128xf32, #tpu.memory_space<hbm>>, %arg7: memref<4x64xi32, #tpu.memory_space<vmem>>, %arg8: memref<2x64xi32, #tpu.memory_space<vmem>>, %arg9: memref<64x128xf32, #tpu.memory_space<vmem>>, %arg10: memref<64x128xf32, #tpu.memory_space<vmem>>, %arg11: memref<64x128xf32, #tpu.memory_space<vmem>>, %arg12: memref<64x128xf32, #tpu.memory_space<vmem>>, %arg13: memref<10112x128xf32, #tpu.memory_space<vmem_shared>>, %arg14: memref<!tpu.dma_semaphore, #tpu.memory_space<semaphore_mem>>, %arg15: memref<!tpu.dma_semaphore, #tpu.memory_space<semaphore_mem>>, %arg16: memref<!tpu.dma_semaphore, #tpu.memory_space<semaphore_mem>>, %arg17: memref<!tpu.dma_semaphore, #tpu.memory_space<semaphore_mem>>, %arg18: memref<!tpu.dma_semaphore, #tpu.memory_space<semaphore_mem>>, %arg19: memref<!tpu.dma_semaphore, #tpu.memory_space<semaphore_mem>>, %arg20: memref<!tpu.dma_semaphore, #tpu.memory_space<semaphore_mem>>, %arg21: memref<!tpu.dma_semaphore, #tpu.memory_space<semaphore_mem>>, %arg22: memref<!tpu.dma_semaphore, #tpu.memory_space<semaphore_mem>>, %arg23: memref<!tpu.dma_semaphore, #tpu.memory_space<semaphore_mem>>, %arg24: memref<!tpu.dma_semaphore, #tpu.memory_space<semaphore_mem>>, %arg25: memref<!tpu.dma_semaphore, #tpu.memory_space<semaphore_mem>>) attributes {dimension_semantics = [#tpu.dimension_semantics<core_parallel>, #tpu.dimension_semantics<subcore_parallel>], iteration_bounds = array<i64: 2, 16>, scalar_prefetch = 0 : i64, scratch_operands = 19 : i64, tpu.core_type = #tpu.core_type<sc_vector_subcore>, window_params = [{transform_indices = #map}, {transform_indices = #map1}, {transform_indices = #map1}, {transform_indices = #map}, {transform_indices = #map1}]} {
    %mul3A = arith.constant 16 : i32
    %mul3A_0 = arith.muli %arg0, %mul3A : i32
    %add3A = arith.addi %mul3A_0, %arg1 : i32
    %mul3A_1 = arith.constant 632 : i32
    %mul3A_2 = arith.muli %arg1, %mul3A_1 : i32
    "tpu.region"() ({
      %run_scoped3A_46 = tpu.sem_alloc : memref<!tpu.dma_semaphore, #tpu.memory_space<semaphore_mem>>
      %dma_start3A_47 = arith.constant 0 : i32
      %dma_start3A_48 = tpu.memref_slice %arg13[%mul3A_2, %dma_start3A_47] : memref<10112x128xf32, #tpu.memory_space<vmem_shared>> -> memref<632x128xf32, #tpu.memory_space<vmem_shared>>
      tpu.enqueue_dma source(%arg5 : memref<632x128xf32, #tpu.memory_space<hbm>>) target(%dma_start3A_48 : memref<632x128xf32, #tpu.memory_space<vmem_shared>>) target_semaphore(%run_scoped3A_46 : memref<!tpu.dma_semaphore, #tpu.memory_space<semaphore_mem>>)
      %dma_wait3A_49 = arith.constant 0 : i32
      %dma_wait3A_50 = tpu.memref_slice %arg13[%mul3A_2, %dma_wait3A_49] : memref<10112x128xf32, #tpu.memory_space<vmem_shared>> -> memref<632x128xf32, #tpu.memory_space<vmem_shared>>
      tpu.wait_dma2 semaphore(%run_scoped3A_46 : memref<!tpu.dma_semaphore, #tpu.memory_space<semaphore_mem>>) src(%arg5 : memref<632x128xf32, #tpu.memory_space<hbm>>) dst(%dma_wait3A_50 : memref<632x128xf32, #tpu.memory_space<vmem_shared>>)
      tpu.yield
    }) : () -> ()
    %barrier3A = arith.constant 0 : index
    tpu.barrier barrier_id(%barrier3A)
    %run_scoped3A = arith.constant 0 : i32
    %run_scoped3A_3 = arith.constant 0 : i32
    "tpu.region"() ({
      %run_scoped3A_46 = tpu.sem_alloc : memref<!tpu.dma_semaphore, #tpu.memory_space<semaphore_mem>>
      %dma_start3A_47 = arith.constant 0 : i32
      %dma_start3A_48 = tpu.memref_slice %arg7[%run_scoped3A_3, %dma_start3A_47] : memref<4x64xi32, #tpu.memory_space<vmem>> -> memref<1x64xi32, #tpu.memory_space<vmem>>
      %dma_start3A_49 = tpu.memref_squeeze %dma_start3A_48 : memref<1x64xi32, #tpu.memory_space<vmem>> -> memref<64xi32, #tpu.memory_space<vmem>>
      %dma_start3A_50 = arith.constant 0 : i32
      %dma_start3A_51 = tpu.memref_slice %arg4[%add3A, %run_scoped3A, %dma_start3A_50] : memref<32x160x64xi32, #tpu.memory_space<hbm>> -> memref<1x1x64xi32, #tpu.memory_space<hbm>>
      %dma_start3A_52 = tpu.memref_squeeze %dma_start3A_51 : memref<1x1x64xi32, #tpu.memory_space<hbm>> -> memref<64xi32, #tpu.memory_space<hbm>>
      %dma_start3A_53 = arith.constant 0 : i32
      %dma_start3A_54 = tpu.memref_slice %arg7[%run_scoped3A_3, %dma_start3A_53] : memref<4x64xi32, #tpu.memory_space<vmem>> -> memref<1x64xi32, #tpu.memory_space<vmem>>
      %dma_start3A_55 = tpu.memref_squeeze %dma_start3A_54 : memref<1x64xi32, #tpu.memory_space<vmem>> -> memref<64xi32, #tpu.memory_space<vmem>>
      %dma_start3A_56 = arith.constant 0 : i32
      %dma_start3A_57 = tpu.memref_slice %arg4[%add3A, %run_scoped3A, %dma_start3A_56] : memref<32x160x64xi32, #tpu.memory_space<hbm>> -> memref<1x1x64xi32, #tpu.memory_space<hbm>>
      %dma_start3A_58 = tpu.memref_squeeze %dma_start3A_57 : memref<1x1x64xi32, #tpu.memory_space<hbm>> -> memref<64xi32, #tpu.memory_space<hbm>>
      tpu.enqueue_dma source(%dma_start3A_58 : memref<64xi32, #tpu.memory_space<hbm>>) target(%dma_start3A_55 : memref<64xi32, #tpu.memory_space<vmem>>) target_semaphore(%run_scoped3A_46 : memref<!tpu.dma_semaphore, #tpu.memory_space<semaphore_mem>>)
      %dma_wait3A_59 = arith.constant 0 : i32
      %dma_wait3A_60 = tpu.memref_slice %arg7[%run_scoped3A_3, %dma_wait3A_59] : memref<4x64xi32, #tpu.memory_space<vmem>> -> memref<1x64xi32, #tpu.memory_space<vmem>>
      %dma_wait3A_61 = tpu.memref_squeeze %dma_wait3A_60 : memref<1x64xi32, #tpu.memory_space<vmem>> -> memref<64xi32, #tpu.memory_space<vmem>>
      %dma_wait3A_62 = arith.constant 0 : i32
      %dma_wait3A_63 = tpu.memref_slice %arg4[%add3A, %run_scoped3A, %dma_wait3A_62] : memref<32x160x64xi32, #tpu.memory_space<hbm>> -> memref<1x1x64xi32, #tpu.memory_space<hbm>>
      %dma_wait3A_64 = tpu.memref_squeeze %dma_wait3A_63 : memref<1x1x64xi32, #tpu.memory_space<hbm>> -> memref<64xi32, #tpu.memory_space<hbm>>
      %dma_wait3A_65 = arith.constant 0 : i32
      %dma_wait3A_66 = tpu.memref_slice %arg7[%run_scoped3A_3, %dma_wait3A_65] : memref<4x64xi32, #tpu.memory_space<vmem>> -> memref<1x64xi32, #tpu.memory_space<vmem>>
      %dma_wait3A_67 = tpu.memref_squeeze %dma_wait3A_66 : memref<1x64xi32, #tpu.memory_space<vmem>> -> memref<64xi32, #tpu.memory_space<vmem>>
      %dma_wait3A_68 = arith.constant 0 : i32
      %dma_wait3A_69 = tpu.memref_slice %arg4[%add3A, %run_scoped3A, %dma_wait3A_68] : memref<32x160x64xi32, #tpu.memory_space<hbm>> -> memref<1x1x64xi32, #tpu.memory_space<hbm>>
      %dma_wait3A_70 = tpu.memref_squeeze %dma_wait3A_69 : memref<1x1x64xi32, #tpu.memory_space<hbm>> -> memref<64xi32, #tpu.memory_space<hbm>>
      tpu.wait_dma2 semaphore(%run_scoped3A_46 : memref<!tpu.dma_semaphore, #tpu.memory_space<semaphore_mem>>) src(%dma_wait3A_70 : memref<64xi32, #tpu.memory_space<hbm>>) dst(%dma_wait3A_67 : memref<64xi32, #tpu.memory_space<vmem>>)
      tpu.yield
    }) : () -> ()
    %run_scoped3A_4 = arith.constant 1 : i32
    %run_scoped3A_5 = arith.constant 1 : i32
    "tpu.region"() ({
      %run_scoped3A_46 = tpu.sem_alloc : memref<!tpu.dma_semaphore, #tpu.memory_space<semaphore_mem>>
      %dma_start3A_47 = arith.constant 0 : i32
      %dma_start3A_48 = tpu.memref_slice %arg7[%run_scoped3A_5, %dma_start3A_47] : memref<4x64xi32, #tpu.memory_space<vmem>> -> memref<1x64xi32, #tpu.memory_space<vmem>>
      %dma_start3A_49 = tpu.memref_squeeze %dma_start3A_48 : memref<1x64xi32, #tpu.memory_space<vmem>> -> memref<64xi32, #tpu.memory_space<vmem>>
      %dma_start3A_50 = arith.constant 0 : i32
      %dma_start3A_51 = tpu.memref_slice %arg4[%add3A, %run_scoped3A_4, %dma_start3A_50] : memref<32x160x64xi32, #tpu.memory_space<hbm>> -> memref<1x1x64xi32, #tpu.memory_space<hbm>>
      %dma_start3A_52 = tpu.memref_squeeze %dma_start3A_51 : memref<1x1x64xi32, #tpu.memory_space<hbm>> -> memref<64xi32, #tpu.memory_space<hbm>>
      %dma_start3A_53 = arith.constant 0 : i32
      %dma_start3A_54 = tpu.memref_slice %arg7[%run_scoped3A_5, %dma_start3A_53] : memref<4x64xi32, #tpu.memory_space<vmem>> -> memref<1x64xi32, #tpu.memory_space<vmem>>
      %dma_start3A_55 = tpu.memref_squeeze %dma_start3A_54 : memref<1x64xi32, #tpu.memory_space<vmem>> -> memref<64xi32, #tpu.memory_space<vmem>>
      %dma_start3A_56 = arith.constant 0 : i32
      %dma_start3A_57 = tpu.memref_slice %arg4[%add3A, %run_scoped3A_4, %dma_start3A_56] : memref<32x160x64xi32, #tpu.memory_space<hbm>> -> memref<1x1x64xi32, #tpu.memory_space<hbm>>
      %dma_start3A_58 = tpu.memref_squeeze %dma_start3A_57 : memref<1x1x64xi32, #tpu.memory_space<hbm>> -> memref<64xi32, #tpu.memory_space<hbm>>
      tpu.enqueue_dma source(%dma_start3A_58 : memref<64xi32, #tpu.memory_space<hbm>>) target(%dma_start3A_55 : memref<64xi32, #tpu.memory_space<vmem>>) target_semaphore(%run_scoped3A_46 : memref<!tpu.dma_semaphore, #tpu.memory_space<semaphore_mem>>)
      %dma_wait3A_59 = arith.constant 0 : i32
      %dma_wait3A_60 = tpu.memref_slice %arg7[%run_scoped3A_5, %dma_wait3A_59] : memref<4x64xi32, #tpu.memory_space<vmem>> -> memref<1x64xi32, #tpu.memory_space<vmem>>
      %dma_wait3A_61 = tpu.memref_squeeze %dma_wait3A_60 : memref<1x64xi32, #tpu.memory_space<vmem>> -> memref<64xi32, #tpu.memory_space<vmem>>
      %dma_wait3A_62 = arith.constant 0 : i32
      %dma_wait3A_63 = tpu.memref_slice %arg4[%add3A, %run_scoped3A_4, %dma_wait3A_62] : memref<32x160x64xi32, #tpu.memory_space<hbm>> -> memref<1x1x64xi32, #tpu.memory_space<hbm>>
      %dma_wait3A_64 = tpu.memref_squeeze %dma_wait3A_63 : memref<1x1x64xi32, #tpu.memory_space<hbm>> -> memref<64xi32, #tpu.memory_space<hbm>>
      %dma_wait3A_65 = arith.constant 0 : i32
      %dma_wait3A_66 = tpu.memref_slice %arg7[%run_scoped3A_5, %dma_wait3A_65] : memref<4x64xi32, #tpu.memory_space<vmem>> -> memref<1x64xi32, #tpu.memory_space<vmem>>
      %dma_wait3A_67 = tpu.memref_squeeze %dma_wait3A_66 : memref<1x64xi32, #tpu.memory_space<vmem>> -> memref<64xi32, #tpu.memory_space<vmem>>
      %dma_wait3A_68 = arith.constant 0 : i32
      %dma_wait3A_69 = tpu.memref_slice %arg4[%add3A, %run_scoped3A_4, %dma_wait3A_68] : memref<32x160x64xi32, #tpu.memory_space<hbm>> -> memref<1x1x64xi32, #tpu.memory_space<hbm>>
      %dma_wait3A_70 = tpu.memref_squeeze %dma_wait3A_69 : memref<1x1x64xi32, #tpu.memory_space<hbm>> -> memref<64xi32, #tpu.memory_space<hbm>>
      tpu.wait_dma2 semaphore(%run_scoped3A_46 : memref<!tpu.dma_semaphore, #tpu.memory_space<semaphore_mem>>) src(%dma_wait3A_70 : memref<64xi32, #tpu.memory_space<hbm>>) dst(%dma_wait3A_67 : memref<64xi32, #tpu.memory_space<vmem>>)
      tpu.yield
    }) : () -> ()
    %run_scoped3A_6 = arith.constant 2 : i32
    %run_scoped3A_7 = arith.constant 2 : i32
    "tpu.region"() ({
      %run_scoped3A_46 = tpu.sem_alloc : memref<!tpu.dma_semaphore, #tpu.memory_space<semaphore_mem>>
      %dma_start3A_47 = arith.constant 0 : i32
      %dma_start3A_48 = tpu.memref_slice %arg7[%run_scoped3A_7, %dma_start3A_47] : memref<4x64xi32, #tpu.memory_space<vmem>> -> memref<1x64xi32, #tpu.memory_space<vmem>>
      %dma_start3A_49 = tpu.memref_squeeze %dma_start3A_48 : memref<1x64xi32, #tpu.memory_space<vmem>> -> memref<64xi32, #tpu.memory_space<vmem>>
      %dma_start3A_50 = arith.constant 0 : i32
      %dma_start3A_51 = tpu.memref_slice %arg4[%add3A, %run_scoped3A_6, %dma_start3A_50] : memref<32x160x64xi32, #tpu.memory_space<hbm>> -> memref<1x1x64xi32, #tpu.memory_space<hbm>>
      %dma_start3A_52 = tpu.memref_squeeze %dma_start3A_51 : memref<1x1x64xi32, #tpu.memory_space<hbm>> -> memref<64xi32, #tpu.memory_space<hbm>>
      %dma_start3A_53 = arith.constant 0 : i32
      %dma_start3A_54 = tpu.memref_slice %arg7[%run_scoped3A_7, %dma_start3A_53] : memref<4x64xi32, #tpu.memory_space<vmem>> -> memref<1x64xi32, #tpu.memory_space<vmem>>
      %dma_start3A_55 = tpu.memref_squeeze %dma_start3A_54 : memref<1x64xi32, #tpu.memory_space<vmem>> -> memref<64xi32, #tpu.memory_space<vmem>>
      %dma_start3A_56 = arith.constant 0 : i32
      %dma_start3A_57 = tpu.memref_slice %arg4[%add3A, %run_scoped3A_6, %dma_start3A_56] : memref<32x160x64xi32, #tpu.memory_space<hbm>> -> memref<1x1x64xi32, #tpu.memory_space<hbm>>
      %dma_start3A_58 = tpu.memref_squeeze %dma_start3A_57 : memref<1x1x64xi32, #tpu.memory_space<hbm>> -> memref<64xi32, #tpu.memory_space<hbm>>
      tpu.enqueue_dma source(%dma_start3A_58 : memref<64xi32, #tpu.memory_space<hbm>>) target(%dma_start3A_55 : memref<64xi32, #tpu.memory_space<vmem>>) target_semaphore(%run_scoped3A_46 : memref<!tpu.dma_semaphore, #tpu.memory_space<semaphore_mem>>)
      %dma_wait3A_59 = arith.constant 0 : i32
      %dma_wait3A_60 = tpu.memref_slice %arg7[%run_scoped3A_7, %dma_wait3A_59] : memref<4x64xi32, #tpu.memory_space<vmem>> -> memref<1x64xi32, #tpu.memory_space<vmem>>
      %dma_wait3A_61 = tpu.memref_squeeze %dma_wait3A_60 : memref<1x64xi32, #tpu.memory_space<vmem>> -> memref<64xi32, #tpu.memory_space<vmem>>
      %dma_wait3A_62 = arith.constant 0 : i32
      %dma_wait3A_63 = tpu.memref_slice %arg4[%add3A, %run_scoped3A_6, %dma_wait3A_62] : memref<32x160x64xi32, #tpu.memory_space<hbm>> -> memref<1x1x64xi32, #tpu.memory_space<hbm>>
      %dma_wait3A_64 = tpu.memref_squeeze %dma_wait3A_63 : memref<1x1x64xi32, #tpu.memory_space<hbm>> -> memref<64xi32, #tpu.memory_space<hbm>>
      %dma_wait3A_65 = arith.constant 0 : i32
      %dma_wait3A_66 = tpu.memref_slice %arg7[%run_scoped3A_7, %dma_wait3A_65] : memref<4x64xi32, #tpu.memory_space<vmem>> -> memref<1x64xi32, #tpu.memory_space<vmem>>
      %dma_wait3A_67 = tpu.memref_squeeze %dma_wait3A_66 : memref<1x64xi32, #tpu.memory_space<vmem>> -> memref<64xi32, #tpu.memory_space<vmem>>
      %dma_wait3A_68 = arith.constant 0 : i32
      %dma_wait3A_69 = tpu.memref_slice %arg4[%add3A, %run_scoped3A_6, %dma_wait3A_68] : memref<32x160x64xi32, #tpu.memory_space<hbm>> -> memref<1x1x64xi32, #tpu.memory_space<hbm>>
      %dma_wait3A_70 = tpu.memref_squeeze %dma_wait3A_69 : memref<1x1x64xi32, #tpu.memory_space<hbm>> -> memref<64xi32, #tpu.memory_space<hbm>>
      tpu.wait_dma2 semaphore(%run_scoped3A_46 : memref<!tpu.dma_semaphore, #tpu.memory_space<semaphore_mem>>) src(%dma_wait3A_70 : memref<64xi32, #tpu.memory_space<hbm>>) dst(%dma_wait3A_67 : memref<64xi32, #tpu.memory_space<vmem>>)
      tpu.yield
    }) : () -> ()
    %run_scoped3A_8 = arith.constant 3 : i32
    %run_scoped3A_9 = arith.constant 3 : i32
    "tpu.region"() ({
      %run_scoped3A_46 = tpu.sem_alloc : memref<!tpu.dma_semaphore, #tpu.memory_space<semaphore_mem>>
      %dma_start3A_47 = arith.constant 0 : i32
      %dma_start3A_48 = tpu.memref_slice %arg7[%run_scoped3A_9, %dma_start3A_47] : memref<4x64xi32, #tpu.memory_space<vmem>> -> memref<1x64xi32, #tpu.memory_space<vmem>>
      %dma_start3A_49 = tpu.memref_squeeze %dma_start3A_48 : memref<1x64xi32, #tpu.memory_space<vmem>> -> memref<64xi32, #tpu.memory_space<vmem>>
      %dma_start3A_50 = arith.constant 0 : i32
      %dma_start3A_51 = tpu.memref_slice %arg4[%add3A, %run_scoped3A_8, %dma_start3A_50] : memref<32x160x64xi32, #tpu.memory_space<hbm>> -> memref<1x1x64xi32, #tpu.memory_space<hbm>>
      %dma_start3A_52 = tpu.memref_squeeze %dma_start3A_51 : memref<1x1x64xi32, #tpu.memory_space<hbm>> -> memref<64xi32, #tpu.memory_space<hbm>>
      %dma_start3A_53 = arith.constant 0 : i32
      %dma_start3A_54 = tpu.memref_slice %arg7[%run_scoped3A_9, %dma_start3A_53] : memref<4x64xi32, #tpu.memory_space<vmem>> -> memref<1x64xi32, #tpu.memory_space<vmem>>
      %dma_start3A_55 = tpu.memref_squeeze %dma_start3A_54 : memref<1x64xi32, #tpu.memory_space<vmem>> -> memref<64xi32, #tpu.memory_space<vmem>>
      %dma_start3A_56 = arith.constant 0 : i32
      %dma_start3A_57 = tpu.memref_slice %arg4[%add3A, %run_scoped3A_8, %dma_start3A_56] : memref<32x160x64xi32, #tpu.memory_space<hbm>> -> memref<1x1x64xi32, #tpu.memory_space<hbm>>
      %dma_start3A_58 = tpu.memref_squeeze %dma_start3A_57 : memref<1x1x64xi32, #tpu.memory_space<hbm>> -> memref<64xi32, #tpu.memory_space<hbm>>
      tpu.enqueue_dma source(%dma_start3A_58 : memref<64xi32, #tpu.memory_space<hbm>>) target(%dma_start3A_55 : memref<64xi32, #tpu.memory_space<vmem>>) target_semaphore(%run_scoped3A_46 : memref<!tpu.dma_semaphore, #tpu.memory_space<semaphore_mem>>)
      %dma_wait3A_59 = arith.constant 0 : i32
      %dma_wait3A_60 = tpu.memref_slice %arg7[%run_scoped3A_9, %dma_wait3A_59] : memref<4x64xi32, #tpu.memory_space<vmem>> -> memref<1x64xi32, #tpu.memory_space<vmem>>
      %dma_wait3A_61 = tpu.memref_squeeze %dma_wait3A_60 : memref<1x64xi32, #tpu.memory_space<vmem>> -> memref<64xi32, #tpu.memory_space<vmem>>
      %dma_wait3A_62 = arith.constant 0 : i32
      %dma_wait3A_63 = tpu.memref_slice %arg4[%add3A, %run_scoped3A_8, %dma_wait3A_62] : memref<32x160x64xi32, #tpu.memory_space<hbm>> -> memref<1x1x64xi32, #tpu.memory_space<hbm>>
      %dma_wait3A_64 = tpu.memref_squeeze %dma_wait3A_63 : memref<1x1x64xi32, #tpu.memory_space<hbm>> -> memref<64xi32, #tpu.memory_space<hbm>>
      %dma_wait3A_65 = arith.constant 0 : i32
      %dma_wait3A_66 = tpu.memref_slice %arg7[%run_scoped3A_9, %dma_wait3A_65] : memref<4x64xi32, #tpu.memory_space<vmem>> -> memref<1x64xi32, #tpu.memory_space<vmem>>
      %dma_wait3A_67 = tpu.memref_squeeze %dma_wait3A_66 : memref<1x64xi32, #tpu.memory_space<vmem>> -> memref<64xi32, #tpu.memory_space<vmem>>
      %dma_wait3A_68 = arith.constant 0 : i32
      %dma_wait3A_69 = tpu.memref_slice %arg4[%add3A, %run_scoped3A_8, %dma_wait3A_68] : memref<32x160x64xi32, #tpu.memory_space<hbm>> -> memref<1x1x64xi32, #tpu.memory_space<hbm>>
      %dma_wait3A_70 = tpu.memref_squeeze %dma_wait3A_69 : memref<1x1x64xi32, #tpu.memory_space<hbm>> -> memref<64xi32, #tpu.memory_space<hbm>>
      tpu.wait_dma2 semaphore(%run_scoped3A_46 : memref<!tpu.dma_semaphore, #tpu.memory_space<semaphore_mem>>) src(%dma_wait3A_70 : memref<64xi32, #tpu.memory_space<hbm>>) dst(%dma_wait3A_67 : memref<64xi32, #tpu.memory_space<vmem>>)
      tpu.yield
    }) : () -> ()
    %run_scoped3A_10 = arith.constant 0 : i32
    %run_scoped3A_11 = arith.constant 0 : i32
    "tpu.region"() ({
      %run_scoped3A_46 = tpu.sem_alloc : memref<!tpu.dma_semaphore, #tpu.memory_space<semaphore_mem>>
      %dma_start3A_47 = arith.constant 0 : i32
      %dma_start3A_48 = tpu.memref_slice %arg8[%run_scoped3A_11, %dma_start3A_47] : memref<2x64xi32, #tpu.memory_space<vmem>> -> memref<1x64xi32, #tpu.memory_space<vmem>>
      %dma_start3A_49 = tpu.memref_squeeze %dma_start3A_48 : memref<1x64xi32, #tpu.memory_space<vmem>> -> memref<64xi32, #tpu.memory_space<vmem>>
      %dma_start3A_50 = arith.constant 0 : i32
      %dma_start3A_51 = tpu.memref_slice %arg3[%add3A, %run_scoped3A_10, %dma_start3A_50] : memref<32x160x64xi32, #tpu.memory_space<hbm>> -> memref<1x1x64xi32, #tpu.memory_space<hbm>>
      %dma_start3A_52 = tpu.memref_squeeze %dma_start3A_51 : memref<1x1x64xi32, #tpu.memory_space<hbm>> -> memref<64xi32, #tpu.memory_space<hbm>>
      %dma_start3A_53 = arith.constant 0 : i32
      %dma_start3A_54 = tpu.memref_slice %arg8[%run_scoped3A_11, %dma_start3A_53] : memref<2x64xi32, #tpu.memory_space<vmem>> -> memref<1x64xi32, #tpu.memory_space<vmem>>
      %dma_start3A_55 = tpu.memref_squeeze %dma_start3A_54 : memref<1x64xi32, #tpu.memory_space<vmem>> -> memref<64xi32, #tpu.memory_space<vmem>>
      %dma_start3A_56 = arith.constant 0 : i32
      %dma_start3A_57 = tpu.memref_slice %arg3[%add3A, %run_scoped3A_10, %dma_start3A_56] : memref<32x160x64xi32, #tpu.memory_space<hbm>> -> memref<1x1x64xi32, #tpu.memory_space<hbm>>
      %dma_start3A_58 = tpu.memref_squeeze %dma_start3A_57 : memref<1x1x64xi32, #tpu.memory_space<hbm>> -> memref<64xi32, #tpu.memory_space<hbm>>
      tpu.enqueue_dma source(%dma_start3A_58 : memref<64xi32, #tpu.memory_space<hbm>>) target(%dma_start3A_55 : memref<64xi32, #tpu.memory_space<vmem>>) target_semaphore(%run_scoped3A_46 : memref<!tpu.dma_semaphore, #tpu.memory_space<semaphore_mem>>)
      %dma_wait3A_59 = arith.constant 0 : i32
      %dma_wait3A_60 = tpu.memref_slice %arg8[%run_scoped3A_11, %dma_wait3A_59] : memref<2x64xi32, #tpu.memory_space<vmem>> -> memref<1x64xi32, #tpu.memory_space<vmem>>
      %dma_wait3A_61 = tpu.memref_squeeze %dma_wait3A_60 : memref<1x64xi32, #tpu.memory_space<vmem>> -> memref<64xi32, #tpu.memory_space<vmem>>
      %dma_wait3A_62 = arith.constant 0 : i32
      %dma_wait3A_63 = tpu.memref_slice %arg3[%add3A, %run_scoped3A_10, %dma_wait3A_62] : memref<32x160x64xi32, #tpu.memory_space<hbm>> -> memref<1x1x64xi32, #tpu.memory_space<hbm>>
      %dma_wait3A_64 = tpu.memref_squeeze %dma_wait3A_63 : memref<1x1x64xi32, #tpu.memory_space<hbm>> -> memref<64xi32, #tpu.memory_space<hbm>>
      %dma_wait3A_65 = arith.constant 0 : i32
      %dma_wait3A_66 = tpu.memref_slice %arg8[%run_scoped3A_11, %dma_wait3A_65] : memref<2x64xi32, #tpu.memory_space<vmem>> -> memref<1x64xi32, #tpu.memory_space<vmem>>
      %dma_wait3A_67 = tpu.memref_squeeze %dma_wait3A_66 : memref<1x64xi32, #tpu.memory_space<vmem>> -> memref<64xi32, #tpu.memory_space<vmem>>
      %dma_wait3A_68 = arith.constant 0 : i32
      %dma_wait3A_69 = tpu.memref_slice %arg3[%add3A, %run_scoped3A_10, %dma_wait3A_68] : memref<32x160x64xi32, #tpu.memory_space<hbm>> -> memref<1x1x64xi32, #tpu.memory_space<hbm>>
      %dma_wait3A_70 = tpu.memref_squeeze %dma_wait3A_69 : memref<1x1x64xi32, #tpu.memory_space<hbm>> -> memref<64xi32, #tpu.memory_space<hbm>>
      tpu.wait_dma2 semaphore(%run_scoped3A_46 : memref<!tpu.dma_semaphore, #tpu.memory_space<semaphore_mem>>) src(%dma_wait3A_70 : memref<64xi32, #tpu.memory_space<hbm>>) dst(%dma_wait3A_67 : memref<64xi32, #tpu.memory_space<vmem>>)
      tpu.yield
    }) : () -> ()
    %dma_start3A = arith.constant 0 : i32
    %dma_start3A_12 = arith.constant 0 : i32
    %dma_start3A_13 = tpu.memref_slice %arg8[%dma_start3A, %dma_start3A_12] : memref<2x64xi32, #tpu.memory_space<vmem>> -> memref<1x64xi32, #tpu.memory_space<vmem>>
    %dma_start3A_14 = tpu.memref_squeeze %dma_start3A_13 : memref<1x64xi32, #tpu.memory_space<vmem>> -> memref<64xi32, #tpu.memory_space<vmem>>
    %dma_start3A_15 = arith.constant 0 : i32
    %dma_start3A_16 = arith.constant 0 : i32
    %dma_start3A_17 = tpu.memref_slice %arg2[%dma_start3A_15, %dma_start3A_16] : memref<10000x128xf32, #tpu.memory_space<hbm>> -> memref<10000x128xf32, #tpu.memory_space<hbm>>
    tpu.enqueue_indirect_dma source(%dma_start3A_17 : memref<10000x128xf32, #tpu.memory_space<hbm>>) target(%arg9 : memref<64x128xf32, #tpu.memory_space<vmem>>) offsets(%dma_start3A_14 : memref<64xi32, #tpu.memory_space<vmem>>) semaphore(%arg14 : memref<!tpu.dma_semaphore, #tpu.memory_space<semaphore_mem>>)
    %run_scoped3A_18 = arith.constant 1 : i32
    %run_scoped3A_19 = arith.constant 1 : i32
    "tpu.region"() ({
      %run_scoped3A_46 = tpu.sem_alloc : memref<!tpu.dma_semaphore, #tpu.memory_space<semaphore_mem>>
      %dma_start3A_47 = arith.constant 0 : i32
      %dma_start3A_48 = tpu.memref_slice %arg8[%run_scoped3A_19, %dma_start3A_47] : memref<2x64xi32, #tpu.memory_space<vmem>> -> memref<1x64xi32, #tpu.memory_space<vmem>>
      %dma_start3A_49 = tpu.memref_squeeze %dma_start3A_48 : memref<1x64xi32, #tpu.memory_space<vmem>> -> memref<64xi32, #tpu.memory_space<vmem>>
      %dma_start3A_50 = arith.constant 0 : i32
      %dma_start3A_51 = tpu.memref_slice %arg3[%add3A, %run_scoped3A_18, %dma_start3A_50] : memref<32x160x64xi32, #tpu.memory_space<hbm>> -> memref<1x1x64xi32, #tpu.memory_space<hbm>>
      %dma_start3A_52 = tpu.memref_squeeze %dma_start3A_51 : memref<1x1x64xi32, #tpu.memory_space<hbm>> -> memref<64xi32, #tpu.memory_space<hbm>>
      %dma_start3A_53 = arith.constant 0 : i32
      %dma_start3A_54 = tpu.memref_slice %arg8[%run_scoped3A_19, %dma_start3A_53] : memref<2x64xi32, #tpu.memory_space<vmem>> -> memref<1x64xi32, #tpu.memory_space<vmem>>
      %dma_start3A_55 = tpu.memref_squeeze %dma_start3A_54 : memref<1x64xi32, #tpu.memory_space<vmem>> -> memref<64xi32, #tpu.memory_space<vmem>>
      %dma_start3A_56 = arith.constant 0 : i32
      %dma_start3A_57 = tpu.memref_slice %arg3[%add3A, %run_scoped3A_18, %dma_start3A_56] : memref<32x160x64xi32, #tpu.memory_space<hbm>> -> memref<1x1x64xi32, #tpu.memory_space<hbm>>
      %dma_start3A_58 = tpu.memref_squeeze %dma_start3A_57 : memref<1x1x64xi32, #tpu.memory_space<hbm>> -> memref<64xi32, #tpu.memory_space<hbm>>
      tpu.enqueue_dma source(%dma_start3A_58 : memref<64xi32, #tpu.memory_space<hbm>>) target(%dma_start3A_55 : memref<64xi32, #tpu.memory_space<vmem>>) target_semaphore(%run_scoped3A_46 : memref<!tpu.dma_semaphore, #tpu.memory_space<semaphore_mem>>)
      %dma_wait3A_59 = arith.constant 0 : i32
      %dma_wait3A_60 = tpu.memref_slice %arg8[%run_scoped3A_19, %dma_wait3A_59] : memref<2x64xi32, #tpu.memory_space<vmem>> -> memref<1x64xi32, #tpu.memory_space<vmem>>
      %dma_wait3A_61 = tpu.memref_squeeze %dma_wait3A_60 : memref<1x64xi32, #tpu.memory_space<vmem>> -> memref<64xi32, #tpu.memory_space<vmem>>
      %dma_wait3A_62 = arith.constant 0 : i32
      %dma_wait3A_63 = tpu.memref_slice %arg3[%add3A, %run_scoped3A_18, %dma_wait3A_62] : memref<32x160x64xi32, #tpu.memory_space<hbm>> -> memref<1x1x64xi32, #tpu.memory_space<hbm>>
      %dma_wait3A_64 = tpu.memref_squeeze %dma_wait3A_63 : memref<1x1x64xi32, #tpu.memory_space<hbm>> -> memref<64xi32, #tpu.memory_space<hbm>>
      %dma_wait3A_65 = arith.constant 0 : i32
      %dma_wait3A_66 = tpu.memref_slice %arg8[%run_scoped3A_19, %dma_wait3A_65] : memref<2x64xi32, #tpu.memory_space<vmem>> -> memref<1x64xi32, #tpu.memory_space<vmem>>
      %dma_wait3A_67 = tpu.memref_squeeze %dma_wait3A_66 : memref<1x64xi32, #tpu.memory_space<vmem>> -> memref<64xi32, #tpu.memory_space<vmem>>
      %dma_wait3A_68 = arith.constant 0 : i32
      %dma_wait3A_69 = tpu.memref_slice %arg3[%add3A, %run_scoped3A_18, %dma_wait3A_68] : memref<32x160x64xi32, #tpu.memory_space<hbm>> -> memref<1x1x64xi32, #tpu.memory_space<hbm>>
      %dma_wait3A_70 = tpu.memref_squeeze %dma_wait3A_69 : memref<1x1x64xi32, #tpu.memory_space<hbm>> -> memref<64xi32, #tpu.memory_space<hbm>>
      tpu.wait_dma2 semaphore(%run_scoped3A_46 : memref<!tpu.dma_semaphore, #tpu.memory_space<semaphore_mem>>) src(%dma_wait3A_70 : memref<64xi32, #tpu.memory_space<hbm>>) dst(%dma_wait3A_67 : memref<64xi32, #tpu.memory_space<vmem>>)
      tpu.yield
    }) : () -> ()
    %dma_start3A_20 = arith.constant 1 : i32
    %dma_start3A_21 = arith.constant 0 : i32
    %dma_start3A_22 = tpu.memref_slice %arg8[%dma_start3A_20, %dma_start3A_21] : memref<2x64xi32, #tpu.memory_space<vmem>> -> memref<1x64xi32, #tpu.memory_space<vmem>>
    %dma_start3A_23 = tpu.memref_squeeze %dma_start3A_22 : memref<1x64xi32, #tpu.memory_space<vmem>> -> memref<64xi32, #tpu.memory_space<vmem>>
    %dma_start3A_24 = arith.constant 0 : i32
    %dma_start3A_25 = arith.constant 0 : i32
    %dma_start3A_26 = tpu.memref_slice %arg2[%dma_start3A_24, %dma_start3A_25] : memref<10000x128xf32, #tpu.memory_space<hbm>> -> memref<10000x128xf32, #tpu.memory_space<hbm>>
    tpu.enqueue_indirect_dma source(%dma_start3A_26 : memref<10000x128xf32, #tpu.memory_space<hbm>>) target(%arg10 : memref<64x128xf32, #tpu.memory_space<vmem>>) offsets(%dma_start3A_23 : memref<64xi32, #tpu.memory_space<vmem>>) semaphore(%arg15 : memref<!tpu.dma_semaphore, #tpu.memory_space<semaphore_mem>>)
    %scan3A = arith.constant 0 : i32
    %scan3A_27 = arith.constant 0 : i32
    %scan3A_28 = arith.constant 40 : i32
    %scan3A_29 = arith.addi %scan3A_27, %scan3A_28 : i32
    %scan3A_30 = arith.constant 1 : i32
    scf.for %scan3A_46 = %scan3A_27 to %scan3A_29 step %scan3A_30  : i32 {
      %mul3A_47 = arith.constant 4 : i32
      %mul3A_48 = arith.muli %mul3A_47, %scan3A_46 : i32
      %add3A_49 = arith.constant 0 : i32
      %add3A_50 = arith.addi %mul3A_48, %add3A_49 : i32
      %dma_wait3A_51 = arith.constant 0 : i32
      %dma_wait3A_52 = arith.constant 0 : i32
      %dma_wait3A_53 = tpu.memref_slice %arg8[%dma_wait3A_51, %dma_wait3A_52] : memref<2x64xi32, #tpu.memory_space<vmem>> -> memref<1x64xi32, #tpu.memory_space<vmem>>
      %dma_wait3A_54 = tpu.memref_squeeze %dma_wait3A_53 : memref<1x64xi32, #tpu.memory_space<vmem>> -> memref<64xi32, #tpu.memory_space<vmem>>
      %dma_wait3A_55 = arith.constant 0 : i32
      %dma_wait3A_56 = arith.constant 0 : i32
      %dma_wait3A_57 = tpu.memref_slice %arg2[%dma_wait3A_55, %dma_wait3A_56] : memref<10000x128xf32, #tpu.memory_space<hbm>> -> memref<10000x128xf32, #tpu.memory_space<hbm>>
      tpu.wait_indirect_dma semaphore(%arg14 : memref<!tpu.dma_semaphore, #tpu.memory_space<semaphore_mem>>) src(%dma_wait3A_57 : memref<10000x128xf32, #tpu.memory_space<hbm>>) dst(%arg9 : memref<64x128xf32, #tpu.memory_space<vmem>>)
      %dma_start3A_58 = arith.constant 0 : i32
      %dma_start3A_59 = arith.constant 0 : i32
      %dma_start3A_60 = tpu.memref_slice %arg7[%dma_start3A_58, %dma_start3A_59] : memref<4x64xi32, #tpu.memory_space<vmem>> -> memref<1x64xi32, #tpu.memory_space<vmem>>
      %dma_start3A_61 = tpu.memref_squeeze %dma_start3A_60 : memref<1x64xi32, #tpu.memory_space<vmem>> -> memref<64xi32, #tpu.memory_space<vmem>>
      %dma_start3A_62 = arith.constant 0 : i32
      %dma_start3A_63 = arith.constant 0 : i32
      %dma_start3A_64 = tpu.memref_slice %arg13[%dma_start3A_62, %dma_start3A_63] : memref<10112x128xf32, #tpu.memory_space<vmem_shared>> -> memref<10112x128xf32, #tpu.memory_space<vmem_shared>>
      tpu.enqueue_indirect_dma source(%arg9 : memref<64x128xf32, #tpu.memory_space<vmem>>) target(%dma_start3A_64 : memref<10112x128xf32, #tpu.memory_space<vmem_shared>>) offsets(%dma_start3A_61 : memref<64xi32, #tpu.memory_space<vmem>>) semaphore(%arg18 : memref<!tpu.dma_semaphore, #tpu.memory_space<semaphore_mem>>) {add = true}
      %ge3A = arith.constant 2 : i32
      %ge3A_65 = arith.cmpi sge, %add3A_50, %ge3A : i32
      %convert_element_type3A = arith.extui %ge3A_65 : i1 to i32
      %cond3A = arith.constant 0 : i32
      %cond3A_66 = arith.cmpi ne, %convert_element_type3A, %cond3A : i32
      scf.if %cond3A_66 {
        %sub3A = arith.constant 2 : i32
        %sub3A_163 = arith.subi %add3A_50, %sub3A : i32
        %dma_wait3A_164 = arith.constant 2 : i32
        %dma_wait3A_165 = arith.constant 0 : i32
        %dma_wait3A_166 = tpu.memref_slice %arg7[%dma_wait3A_164, %dma_wait3A_165] : memref<4x64xi32, #tpu.memory_space<vmem>> -> memref<1x64xi32, #tpu.memory_space<vmem>>
        %dma_wait3A_167 = tpu.memref_squeeze %dma_wait3A_166 : memref<1x64xi32, #tpu.memory_space<vmem>> -> memref<64xi32, #tpu.memory_space<vmem>>
        %dma_wait3A_168 = arith.constant 0 : i32
        %dma_wait3A_169 = arith.constant 0 : i32
        %dma_wait3A_170 = tpu.memref_slice %arg13[%dma_wait3A_168, %dma_wait3A_169] : memref<10112x128xf32, #tpu.memory_space<vmem_shared>> -> memref<10112x128xf32, #tpu.memory_space<vmem_shared>>
        tpu.wait_indirect_dma semaphore(%arg20 : memref<!tpu.dma_semaphore, #tpu.memory_space<semaphore_mem>>) src(%arg11 : memref<64x128xf32, #tpu.memory_space<vmem>>) dst(%dma_wait3A_170 : memref<10112x128xf32, #tpu.memory_space<vmem_shared>>)
      } else {
      }
      %add3A_67 = arith.constant 2 : i32
      %add3A_68 = arith.addi %add3A_50, %add3A_67 : i32
      %lt3A = arith.constant 160 : i32
      %lt3A_69 = arith.cmpi slt, %add3A_68, %lt3A : i32
      %convert_element_type3A_70 = arith.extui %lt3A_69 : i1 to i32
      %cond3A_71 = arith.constant 0 : i32
      %cond3A_72 = arith.cmpi ne, %convert_element_type3A_70, %cond3A_71 : i32
      scf.if %cond3A_72 {
        %add3A_163 = arith.constant 2 : i32
        %add3A_164 = arith.addi %add3A_50, %add3A_163 : i32
        %dma_start3A_165 = arith.constant 0 : i32
        %dma_start3A_166 = arith.constant 0 : i32
        %dma_start3A_167 = tpu.memref_slice %arg8[%dma_start3A_165, %dma_start3A_166] : memref<2x64xi32, #tpu.memory_space<vmem>> -> memref<1x64xi32, #tpu.memory_space<vmem>>
        %dma_start3A_168 = tpu.memref_squeeze %dma_start3A_167 : memref<1x64xi32, #tpu.memory_space<vmem>> -> memref<64xi32, #tpu.memory_space<vmem>>
        %dma_start3A_169 = arith.constant 0 : i32
        %dma_start3A_170 = tpu.memref_slice %arg3[%add3A, %add3A_164, %dma_start3A_169] : memref<32x160x64xi32, #tpu.memory_space<hbm>> -> memref<1x1x64xi32, #tpu.memory_space<hbm>>
        %dma_start3A_171 = tpu.memref_squeeze %dma_start3A_170 : memref<1x1x64xi32, #tpu.memory_space<hbm>> -> memref<64xi32, #tpu.memory_space<hbm>>
        %dma_start3A_172 = arith.constant 0 : i32
        %dma_start3A_173 = tpu.memref_slice %arg8[%dma_start3A_165, %dma_start3A_172] : memref<2x64xi32, #tpu.memory_space<vmem>> -> memref<1x64xi32, #tpu.memory_space<vmem>>
        %dma_start3A_174 = tpu.memref_squeeze %dma_start3A_173 : memref<1x64xi32, #tpu.memory_space<vmem>> -> memref<64xi32, #tpu.memory_space<vmem>>
        %dma_start3A_175 = arith.constant 0 : i32
        %dma_start3A_176 = tpu.memref_slice %arg3[%add3A, %add3A_164, %dma_start3A_175] : memref<32x160x64xi32, #tpu.memory_space<hbm>> -> memref<1x1x64xi32, #tpu.memory_space<hbm>>
        %dma_start3A_177 = tpu.memref_squeeze %dma_start3A_176 : memref<1x1x64xi32, #tpu.memory_space<hbm>> -> memref<64xi32, #tpu.memory_space<hbm>>
        tpu.enqueue_dma source(%dma_start3A_177 : memref<64xi32, #tpu.memory_space<hbm>>) target(%dma_start3A_174 : memref<64xi32, #tpu.memory_space<vmem>>) target_semaphore(%arg22 : memref<!tpu.dma_semaphore, #tpu.memory_space<semaphore_mem>>)
        %add3A_178 = arith.constant 2 : i32
        %add3A_179 = arith.addi %add3A_50, %add3A_178 : i32
        %dma_start3A_180 = arith.constant 2 : i32
        %dma_start3A_181 = arith.constant 0 : i32
        %dma_start3A_182 = tpu.memref_slice %arg7[%dma_start3A_180, %dma_start3A_181] : memref<4x64xi32, #tpu.memory_space<vmem>> -> memref<1x64xi32, #tpu.memory_space<vmem>>
        %dma_start3A_183 = tpu.memref_squeeze %dma_start3A_182 : memref<1x64xi32, #tpu.memory_space<vmem>> -> memref<64xi32, #tpu.memory_space<vmem>>
        %dma_start3A_184 = arith.constant 0 : i32
        %dma_start3A_185 = tpu.memref_slice %arg4[%add3A, %add3A_179, %dma_start3A_184] : memref<32x160x64xi32, #tpu.memory_space<hbm>> -> memref<1x1x64xi32, #tpu.memory_space<hbm>>
        %dma_start3A_186 = tpu.memref_squeeze %dma_start3A_185 : memref<1x1x64xi32, #tpu.memory_space<hbm>> -> memref<64xi32, #tpu.memory_space<hbm>>
        %dma_start3A_187 = arith.constant 0 : i32
        %dma_start3A_188 = tpu.memref_slice %arg7[%dma_start3A_180, %dma_start3A_187] : memref<4x64xi32, #tpu.memory_space<vmem>> -> memref<1x64xi32, #tpu.memory_space<vmem>>
        %dma_start3A_189 = tpu.memref_squeeze %dma_start3A_188 : memref<1x64xi32, #tpu.memory_space<vmem>> -> memref<64xi32, #tpu.memory_space<vmem>>
        %dma_start3A_190 = arith.constant 0 : i32
        %dma_start3A_191 = tpu.memref_slice %arg4[%add3A, %add3A_179, %dma_start3A_190] : memref<32x160x64xi32, #tpu.memory_space<hbm>> -> memref<1x1x64xi32, #tpu.memory_space<hbm>>
        %dma_start3A_192 = tpu.memref_squeeze %dma_start3A_191 : memref<1x1x64xi32, #tpu.memory_space<hbm>> -> memref<64xi32, #tpu.memory_space<hbm>>
        tpu.enqueue_dma source(%dma_start3A_192 : memref<64xi32, #tpu.memory_space<hbm>>) target(%dma_start3A_189 : memref<64xi32, #tpu.memory_space<vmem>>) target_semaphore(%arg24 : memref<!tpu.dma_semaphore, #tpu.memory_space<semaphore_mem>>)
        %add3A_193 = arith.constant 2 : i32
        %add3A_194 = arith.addi %add3A_50, %add3A_193 : i32
        %dma_wait3A_195 = arith.constant 0 : i32
        %dma_wait3A_196 = arith.constant 0 : i32
        %dma_wait3A_197 = tpu.memref_slice %arg8[%dma_wait3A_195, %dma_wait3A_196] : memref<2x64xi32, #tpu.memory_space<vmem>> -> memref<1x64xi32, #tpu.memory_space<vmem>>
        %dma_wait3A_198 = tpu.memref_squeeze %dma_wait3A_197 : memref<1x64xi32, #tpu.memory_space<vmem>> -> memref<64xi32, #tpu.memory_space<vmem>>
        %dma_wait3A_199 = arith.constant 0 : i32
        %dma_wait3A_200 = tpu.memref_slice %arg3[%add3A, %add3A_194, %dma_wait3A_199] : memref<32x160x64xi32, #tpu.memory_space<hbm>> -> memref<1x1x64xi32, #tpu.memory_space<hbm>>
        %dma_wait3A_201 = tpu.memref_squeeze %dma_wait3A_200 : memref<1x1x64xi32, #tpu.memory_space<hbm>> -> memref<64xi32, #tpu.memory_space<hbm>>
        %dma_wait3A_202 = arith.constant 0 : i32
        %dma_wait3A_203 = tpu.memref_slice %arg8[%dma_wait3A_195, %dma_wait3A_202] : memref<2x64xi32, #tpu.memory_space<vmem>> -> memref<1x64xi32, #tpu.memory_space<vmem>>
        %dma_wait3A_204 = tpu.memref_squeeze %dma_wait3A_203 : memref<1x64xi32, #tpu.memory_space<vmem>> -> memref<64xi32, #tpu.memory_space<vmem>>
        %dma_wait3A_205 = arith.constant 0 : i32
        %dma_wait3A_206 = tpu.memref_slice %arg3[%add3A, %add3A_194, %dma_wait3A_205] : memref<32x160x64xi32, #tpu.memory_space<hbm>> -> memref<1x1x64xi32, #tpu.memory_space<hbm>>
        %dma_wait3A_207 = tpu.memref_squeeze %dma_wait3A_206 : memref<1x1x64xi32, #tpu.memory_space<hbm>> -> memref<64xi32, #tpu.memory_space<hbm>>
        tpu.wait_dma2 semaphore(%arg22 : memref<!tpu.dma_semaphore, #tpu.memory_space<semaphore_mem>>) src(%dma_wait3A_207 : memref<64xi32, #tpu.memory_space<hbm>>) dst(%dma_wait3A_204 : memref<64xi32, #tpu.memory_space<vmem>>)
        %add3A_208 = arith.constant 2 : i32
        %add3A_209 = arith.addi %add3A_50, %add3A_208 : i32
        %dma_wait3A_210 = arith.constant 2 : i32
        %dma_wait3A_211 = arith.constant 0 : i32
        %dma_wait3A_212 = tpu.memref_slice %arg7[%dma_wait3A_210, %dma_wait3A_211] : memref<4x64xi32, #tpu.memory_space<vmem>> -> memref<1x64xi32, #tpu.memory_space<vmem>>
        %dma_wait3A_213 = tpu.memref_squeeze %dma_wait3A_212 : memref<1x64xi32, #tpu.memory_space<vmem>> -> memref<64xi32, #tpu.memory_space<vmem>>
        %dma_wait3A_214 = arith.constant 0 : i32
        %dma_wait3A_215 = tpu.memref_slice %arg4[%add3A, %add3A_209, %dma_wait3A_214] : memref<32x160x64xi32, #tpu.memory_space<hbm>> -> memref<1x1x64xi32, #tpu.memory_space<hbm>>
        %dma_wait3A_216 = tpu.memref_squeeze %dma_wait3A_215 : memref<1x1x64xi32, #tpu.memory_space<hbm>> -> memref<64xi32, #tpu.memory_space<hbm>>
        %dma_wait3A_217 = arith.constant 0 : i32
        %dma_wait3A_218 = tpu.memref_slice %arg7[%dma_wait3A_210, %dma_wait3A_217] : memref<4x64xi32, #tpu.memory_space<vmem>> -> memref<1x64xi32, #tpu.memory_space<vmem>>
        %dma_wait3A_219 = tpu.memref_squeeze %dma_wait3A_218 : memref<1x64xi32, #tpu.memory_space<vmem>> -> memref<64xi32, #tpu.memory_space<vmem>>
        %dma_wait3A_220 = arith.constant 0 : i32
        %dma_wait3A_221 = tpu.memref_slice %arg4[%add3A, %add3A_209, %dma_wait3A_220] : memref<32x160x64xi32, #tpu.memory_space<hbm>> -> memref<1x1x64xi32, #tpu.memory_space<hbm>>
        %dma_wait3A_222 = tpu.memref_squeeze %dma_wait3A_221 : memref<1x1x64xi32, #tpu.memory_space<hbm>> -> memref<64xi32, #tpu.memory_space<hbm>>
        tpu.wait_dma2 semaphore(%arg24 : memref<!tpu.dma_semaphore, #tpu.memory_space<semaphore_mem>>) src(%dma_wait3A_222 : memref<64xi32, #tpu.memory_space<hbm>>) dst(%dma_wait3A_219 : memref<64xi32, #tpu.memory_space<vmem>>)
        %add3A_223 = arith.constant 2 : i32
        %add3A_224 = arith.addi %add3A_50, %add3A_223 : i32
        %dma_start3A_225 = arith.constant 0 : i32
        %dma_start3A_226 = arith.constant 0 : i32
        %dma_start3A_227 = tpu.memref_slice %arg8[%dma_start3A_225, %dma_start3A_226] : memref<2x64xi32, #tpu.memory_space<vmem>> -> memref<1x64xi32, #tpu.memory_space<vmem>>
        %dma_start3A_228 = tpu.memref_squeeze %dma_start3A_227 : memref<1x64xi32, #tpu.memory_space<vmem>> -> memref<64xi32, #tpu.memory_space<vmem>>
        %dma_start3A_229 = arith.constant 0 : i32
        %dma_start3A_230 = arith.constant 0 : i32
        %dma_start3A_231 = tpu.memref_slice %arg2[%dma_start3A_229, %dma_start3A_230] : memref<10000x128xf32, #tpu.memory_space<hbm>> -> memref<10000x128xf32, #tpu.memory_space<hbm>>
        tpu.enqueue_indirect_dma source(%dma_start3A_231 : memref<10000x128xf32, #tpu.memory_space<hbm>>) target(%arg11 : memref<64x128xf32, #tpu.memory_space<vmem>>) offsets(%dma_start3A_228 : memref<64xi32, #tpu.memory_space<vmem>>) semaphore(%arg14 : memref<!tpu.dma_semaphore, #tpu.memory_space<semaphore_mem>>)
        %add3A_232 = arith.constant 2 : i32
        %add3A_233 = arith.addi %add3A_50, %add3A_232 : i32
      } else {
      }
      %mul3A_73 = arith.constant 4 : i32
      %mul3A_74 = arith.muli %mul3A_73, %scan3A_46 : i32
      %add3A_75 = arith.constant 1 : i32
      %add3A_76 = arith.addi %mul3A_74, %add3A_75 : i32
      %dma_wait3A_77 = arith.constant 1 : i32
      %dma_wait3A_78 = arith.constant 0 : i32
      %dma_wait3A_79 = tpu.memref_slice %arg8[%dma_wait3A_77, %dma_wait3A_78] : memref<2x64xi32, #tpu.memory_space<vmem>> -> memref<1x64xi32, #tpu.memory_space<vmem>>
      %dma_wait3A_80 = tpu.memref_squeeze %dma_wait3A_79 : memref<1x64xi32, #tpu.memory_space<vmem>> -> memref<64xi32, #tpu.memory_space<vmem>>
      %dma_wait3A_81 = arith.constant 0 : i32
      %dma_wait3A_82 = arith.constant 0 : i32
      %dma_wait3A_83 = tpu.memref_slice %arg2[%dma_wait3A_81, %dma_wait3A_82] : memref<10000x128xf32, #tpu.memory_space<hbm>> -> memref<10000x128xf32, #tpu.memory_space<hbm>>
      tpu.wait_indirect_dma semaphore(%arg15 : memref<!tpu.dma_semaphore, #tpu.memory_space<semaphore_mem>>) src(%dma_wait3A_83 : memref<10000x128xf32, #tpu.memory_space<hbm>>) dst(%arg10 : memref<64x128xf32, #tpu.memory_space<vmem>>)
      %dma_start3A_84 = arith.constant 1 : i32
      %dma_start3A_85 = arith.constant 0 : i32
      %dma_start3A_86 = tpu.memref_slice %arg7[%dma_start3A_84, %dma_start3A_85] : memref<4x64xi32, #tpu.memory_space<vmem>> -> memref<1x64xi32, #tpu.memory_space<vmem>>
      %dma_start3A_87 = tpu.memref_squeeze %dma_start3A_86 : memref<1x64xi32, #tpu.memory_space<vmem>> -> memref<64xi32, #tpu.memory_space<vmem>>
      %dma_start3A_88 = arith.constant 0 : i32
      %dma_start3A_89 = arith.constant 0 : i32
      %dma_start3A_90 = tpu.memref_slice %arg13[%dma_start3A_88, %dma_start3A_89] : memref<10112x128xf32, #tpu.memory_space<vmem_shared>> -> memref<10112x128xf32, #tpu.memory_space<vmem_shared>>
      tpu.enqueue_indirect_dma source(%arg10 : memref<64x128xf32, #tpu.memory_space<vmem>>) target(%dma_start3A_90 : memref<10112x128xf32, #tpu.memory_space<vmem_shared>>) offsets(%dma_start3A_87 : memref<64xi32, #tpu.memory_space<vmem>>) semaphore(%arg19 : memref<!tpu.dma_semaphore, #tpu.memory_space<semaphore_mem>>) {add = true}
      %ge3A_91 = arith.constant 2 : i32
      %ge3A_92 = arith.cmpi sge, %add3A_76, %ge3A_91 : i32
      %convert_element_type3A_93 = arith.extui %ge3A_92 : i1 to i32
      %cond3A_94 = arith.constant 0 : i32
      %cond3A_95 = arith.cmpi ne, %convert_element_type3A_93, %cond3A_94 : i32
      scf.if %cond3A_95 {
        %sub3A = arith.constant 2 : i32
        %sub3A_163 = arith.subi %add3A_76, %sub3A : i32
        %dma_wait3A_164 = arith.constant 3 : i32
        %dma_wait3A_165 = arith.constant 0 : i32
        %dma_wait3A_166 = tpu.memref_slice %arg7[%dma_wait3A_164, %dma_wait3A_165] : memref<4x64xi32, #tpu.memory_space<vmem>> -> memref<1x64xi32, #tpu.memory_space<vmem>>
        %dma_wait3A_167 = tpu.memref_squeeze %dma_wait3A_166 : memref<1x64xi32, #tpu.memory_space<vmem>> -> memref<64xi32, #tpu.memory_space<vmem>>
        %dma_wait3A_168 = arith.constant 0 : i32
        %dma_wait3A_169 = arith.constant 0 : i32
        %dma_wait3A_170 = tpu.memref_slice %arg13[%dma_wait3A_168, %dma_wait3A_169] : memref<10112x128xf32, #tpu.memory_space<vmem_shared>> -> memref<10112x128xf32, #tpu.memory_space<vmem_shared>>
        tpu.wait_indirect_dma semaphore(%arg21 : memref<!tpu.dma_semaphore, #tpu.memory_space<semaphore_mem>>) src(%arg12 : memref<64x128xf32, #tpu.memory_space<vmem>>) dst(%dma_wait3A_170 : memref<10112x128xf32, #tpu.memory_space<vmem_shared>>)
      } else {
      }
      %add3A_96 = arith.constant 2 : i32
      %add3A_97 = arith.addi %add3A_76, %add3A_96 : i32
      %lt3A_98 = arith.constant 160 : i32
      %lt3A_99 = arith.cmpi slt, %add3A_97, %lt3A_98 : i32
      %convert_element_type3A_100 = arith.extui %lt3A_99 : i1 to i32
      %cond3A_101 = arith.constant 0 : i32
      %cond3A_102 = arith.cmpi ne, %convert_element_type3A_100, %cond3A_101 : i32
      scf.if %cond3A_102 {
        %add3A_163 = arith.constant 2 : i32
        %add3A_164 = arith.addi %add3A_76, %add3A_163 : i32
        %dma_start3A_165 = arith.constant 1 : i32
        %dma_start3A_166 = arith.constant 0 : i32
        %dma_start3A_167 = tpu.memref_slice %arg8[%dma_start3A_165, %dma_start3A_166] : memref<2x64xi32, #tpu.memory_space<vmem>> -> memref<1x64xi32, #tpu.memory_space<vmem>>
        %dma_start3A_168 = tpu.memref_squeeze %dma_start3A_167 : memref<1x64xi32, #tpu.memory_space<vmem>> -> memref<64xi32, #tpu.memory_space<vmem>>
        %dma_start3A_169 = arith.constant 0 : i32
        %dma_start3A_170 = tpu.memref_slice %arg3[%add3A, %add3A_164, %dma_start3A_169] : memref<32x160x64xi32, #tpu.memory_space<hbm>> -> memref<1x1x64xi32, #tpu.memory_space<hbm>>
        %dma_start3A_171 = tpu.memref_squeeze %dma_start3A_170 : memref<1x1x64xi32, #tpu.memory_space<hbm>> -> memref<64xi32, #tpu.memory_space<hbm>>
        %dma_start3A_172 = arith.constant 0 : i32
        %dma_start3A_173 = tpu.memref_slice %arg8[%dma_start3A_165, %dma_start3A_172] : memref<2x64xi32, #tpu.memory_space<vmem>> -> memref<1x64xi32, #tpu.memory_space<vmem>>
        %dma_start3A_174 = tpu.memref_squeeze %dma_start3A_173 : memref<1x64xi32, #tpu.memory_space<vmem>> -> memref<64xi32, #tpu.memory_space<vmem>>
        %dma_start3A_175 = arith.constant 0 : i32
        %dma_start3A_176 = tpu.memref_slice %arg3[%add3A, %add3A_164, %dma_start3A_175] : memref<32x160x64xi32, #tpu.memory_space<hbm>> -> memref<1x1x64xi32, #tpu.memory_space<hbm>>
        %dma_start3A_177 = tpu.memref_squeeze %dma_start3A_176 : memref<1x1x64xi32, #tpu.memory_space<hbm>> -> memref<64xi32, #tpu.memory_space<hbm>>
        tpu.enqueue_dma source(%dma_start3A_177 : memref<64xi32, #tpu.memory_space<hbm>>) target(%dma_start3A_174 : memref<64xi32, #tpu.memory_space<vmem>>) target_semaphore(%arg23 : memref<!tpu.dma_semaphore, #tpu.memory_space<semaphore_mem>>)
        %add3A_178 = arith.constant 2 : i32
        %add3A_179 = arith.addi %add3A_76, %add3A_178 : i32
        %dma_start3A_180 = arith.constant 3 : i32
        %dma_start3A_181 = arith.constant 0 : i32
        %dma_start3A_182 = tpu.memref_slice %arg7[%dma_start3A_180, %dma_start3A_181] : memref<4x64xi32, #tpu.memory_space<vmem>> -> memref<1x64xi32, #tpu.memory_space<vmem>>
        %dma_start3A_183 = tpu.memref_squeeze %dma_start3A_182 : memref<1x64xi32, #tpu.memory_space<vmem>> -> memref<64xi32, #tpu.memory_space<vmem>>
        %dma_start3A_184 = arith.constant 0 : i32
        %dma_start3A_185 = tpu.memref_slice %arg4[%add3A, %add3A_179, %dma_start3A_184] : memref<32x160x64xi32, #tpu.memory_space<hbm>> -> memref<1x1x64xi32, #tpu.memory_space<hbm>>
        %dma_start3A_186 = tpu.memref_squeeze %dma_start3A_185 : memref<1x1x64xi32, #tpu.memory_space<hbm>> -> memref<64xi32, #tpu.memory_space<hbm>>
        %dma_start3A_187 = arith.constant 0 : i32
        %dma_start3A_188 = tpu.memref_slice %arg7[%dma_start3A_180, %dma_start3A_187] : memref<4x64xi32, #tpu.memory_space<vmem>> -> memref<1x64xi32, #tpu.memory_space<vmem>>
        %dma_start3A_189 = tpu.memref_squeeze %dma_start3A_188 : memref<1x64xi32, #tpu.memory_space<vmem>> -> memref<64xi32, #tpu.memory_space<vmem>>
        %dma_start3A_190 = arith.constant 0 : i32
        %dma_start3A_191 = tpu.memref_slice %arg4[%add3A, %add3A_179, %dma_start3A_190] : memref<32x160x64xi32, #tpu.memory_space<hbm>> -> memref<1x1x64xi32, #tpu.memory_space<hbm>>
        %dma_start3A_192 = tpu.memref_squeeze %dma_start3A_191 : memref<1x1x64xi32, #tpu.memory_space<hbm>> -> memref<64xi32, #tpu.memory_space<hbm>>
        tpu.enqueue_dma source(%dma_start3A_192 : memref<64xi32, #tpu.memory_space<hbm>>) target(%dma_start3A_189 : memref<64xi32, #tpu.memory_space<vmem>>) target_semaphore(%arg25 : memref<!tpu.dma_semaphore, #tpu.memory_space<semaphore_mem>>)
        %add3A_193 = arith.constant 2 : i32
        %add3A_194 = arith.addi %add3A_76, %add3A_193 : i32
        %dma_wait3A_195 = arith.constant 1 : i32
        %dma_wait3A_196 = arith.constant 0 : i32
        %dma_wait3A_197 = tpu.memref_slice %arg8[%dma_wait3A_195, %dma_wait3A_196] : memref<2x64xi32, #tpu.memory_space<vmem>> -> memref<1x64xi32, #tpu.memory_space<vmem>>
        %dma_wait3A_198 = tpu.memref_squeeze %dma_wait3A_197 : memref<1x64xi32, #tpu.memory_space<vmem>> -> memref<64xi32, #tpu.memory_space<vmem>>
        %dma_wait3A_199 = arith.constant 0 : i32
        %dma_wait3A_200 = tpu.memref_slice %arg3[%add3A, %add3A_194, %dma_wait3A_199] : memref<32x160x64xi32, #tpu.memory_space<hbm>> -> memref<1x1x64xi32, #tpu.memory_space<hbm>>
        %dma_wait3A_201 = tpu.memref_squeeze %dma_wait3A_200 : memref<1x1x64xi32, #tpu.memory_space<hbm>> -> memref<64xi32, #tpu.memory_space<hbm>>
        %dma_wait3A_202 = arith.constant 0 : i32
        %dma_wait3A_203 = tpu.memref_slice %arg8[%dma_wait3A_195, %dma_wait3A_202] : memref<2x64xi32, #tpu.memory_space<vmem>> -> memref<1x64xi32, #tpu.memory_space<vmem>>
        %dma_wait3A_204 = tpu.memref_squeeze %dma_wait3A_203 : memref<1x64xi32, #tpu.memory_space<vmem>> -> memref<64xi32, #tpu.memory_space<vmem>>
        %dma_wait3A_205 = arith.constant 0 : i32
        %dma_wait3A_206 = tpu.memref_slice %arg3[%add3A, %add3A_194, %dma_wait3A_205] : memref<32x160x64xi32, #tpu.memory_space<hbm>> -> memref<1x1x64xi32, #tpu.memory_space<hbm>>
        %dma_wait3A_207 = tpu.memref_squeeze %dma_wait3A_206 : memref<1x1x64xi32, #tpu.memory_space<hbm>> -> memref<64xi32, #tpu.memory_space<hbm>>
        tpu.wait_dma2 semaphore(%arg23 : memref<!tpu.dma_semaphore, #tpu.memory_space<semaphore_mem>>) src(%dma_wait3A_207 : memref<64xi32, #tpu.memory_space<hbm>>) dst(%dma_wait3A_204 : memref<64xi32, #tpu.memory_space<vmem>>)
        %add3A_208 = arith.constant 2 : i32
        %add3A_209 = arith.addi %add3A_76, %add3A_208 : i32
        %dma_wait3A_210 = arith.constant 3 : i32
        %dma_wait3A_211 = arith.constant 0 : i32
        %dma_wait3A_212 = tpu.memref_slice %arg7[%dma_wait3A_210, %dma_wait3A_211] : memref<4x64xi32, #tpu.memory_space<vmem>> -> memref<1x64xi32, #tpu.memory_space<vmem>>
        %dma_wait3A_213 = tpu.memref_squeeze %dma_wait3A_212 : memref<1x64xi32, #tpu.memory_space<vmem>> -> memref<64xi32, #tpu.memory_space<vmem>>
        %dma_wait3A_214 = arith.constant 0 : i32
        %dma_wait3A_215 = tpu.memref_slice %arg4[%add3A, %add3A_209, %dma_wait3A_214] : memref<32x160x64xi32, #tpu.memory_space<hbm>> -> memref<1x1x64xi32, #tpu.memory_space<hbm>>
        %dma_wait3A_216 = tpu.memref_squeeze %dma_wait3A_215 : memref<1x1x64xi32, #tpu.memory_space<hbm>> -> memref<64xi32, #tpu.memory_space<hbm>>
        %dma_wait3A_217 = arith.constant 0 : i32
        %dma_wait3A_218 = tpu.memref_slice %arg7[%dma_wait3A_210, %dma_wait3A_217] : memref<4x64xi32, #tpu.memory_space<vmem>> -> memref<1x64xi32, #tpu.memory_space<vmem>>
        %dma_wait3A_219 = tpu.memref_squeeze %dma_wait3A_218 : memref<1x64xi32, #tpu.memory_space<vmem>> -> memref<64xi32, #tpu.memory_space<vmem>>
        %dma_wait3A_220 = arith.constant 0 : i32
        %dma_wait3A_221 = tpu.memref_slice %arg4[%add3A, %add3A_209, %dma_wait3A_220] : memref<32x160x64xi32, #tpu.memory_space<hbm>> -> memref<1x1x64xi32, #tpu.memory_space<hbm>>
        %dma_wait3A_222 = tpu.memref_squeeze %dma_wait3A_221 : memref<1x1x64xi32, #tpu.memory_space<hbm>> -> memref<64xi32, #tpu.memory_space<hbm>>
        tpu.wait_dma2 semaphore(%arg25 : memref<!tpu.dma_semaphore, #tpu.memory_space<semaphore_mem>>) src(%dma_wait3A_222 : memref<64xi32, #tpu.memory_space<hbm>>) dst(%dma_wait3A_219 : memref<64xi32, #tpu.memory_space<vmem>>)
        %add3A_223 = arith.constant 2 : i32
        %add3A_224 = arith.addi %add3A_76, %add3A_223 : i32
        %dma_start3A_225 = arith.constant 1 : i32
        %dma_start3A_226 = arith.constant 0 : i32
        %dma_start3A_227 = tpu.memref_slice %arg8[%dma_start3A_225, %dma_start3A_226] : memref<2x64xi32, #tpu.memory_space<vmem>> -> memref<1x64xi32, #tpu.memory_space<vmem>>
        %dma_start3A_228 = tpu.memref_squeeze %dma_start3A_227 : memref<1x64xi32, #tpu.memory_space<vmem>> -> memref<64xi32, #tpu.memory_space<vmem>>
        %dma_start3A_229 = arith.constant 0 : i32
        %dma_start3A_230 = arith.constant 0 : i32
        %dma_start3A_231 = tpu.memref_slice %arg2[%dma_start3A_229, %dma_start3A_230] : memref<10000x128xf32, #tpu.memory_space<hbm>> -> memref<10000x128xf32, #tpu.memory_space<hbm>>
        tpu.enqueue_indirect_dma source(%dma_start3A_231 : memref<10000x128xf32, #tpu.memory_space<hbm>>) target(%arg12 : memref<64x128xf32, #tpu.memory_space<vmem>>) offsets(%dma_start3A_228 : memref<64xi32, #tpu.memory_space<vmem>>) semaphore(%arg15 : memref<!tpu.dma_semaphore, #tpu.memory_space<semaphore_mem>>)
        %add3A_232 = arith.constant 2 : i32
        %add3A_233 = arith.addi %add3A_76, %add3A_232 : i32
      } else {
      }
      %mul3A_103 = arith.constant 4 : i32
      %mul3A_104 = arith.muli %mul3A_103, %scan3A_46 : i32
      %add3A_105 = arith.constant 2 : i32
      %add3A_106 = arith.addi %mul3A_104, %add3A_105 : i32
      %dma_wait3A_107 = arith.constant 0 : i32
      %dma_wait3A_108 = arith.constant 0 : i32
      %dma_wait3A_109 = tpu.memref_slice %arg8[%dma_wait3A_107, %dma_wait3A_108] : memref<2x64xi32, #tpu.memory_space<vmem>> -> memref<1x64xi32, #tpu.memory_space<vmem>>
      %dma_wait3A_110 = tpu.memref_squeeze %dma_wait3A_109 : memref<1x64xi32, #tpu.memory_space<vmem>> -> memref<64xi32, #tpu.memory_space<vmem>>
      %dma_wait3A_111 = arith.constant 0 : i32
      %dma_wait3A_112 = arith.constant 0 : i32
      %dma_wait3A_113 = tpu.memref_slice %arg2[%dma_wait3A_111, %dma_wait3A_112] : memref<10000x128xf32, #tpu.memory_space<hbm>> -> memref<10000x128xf32, #tpu.memory_space<hbm>>
      tpu.wait_indirect_dma semaphore(%arg14 : memref<!tpu.dma_semaphore, #tpu.memory_space<semaphore_mem>>) src(%dma_wait3A_113 : memref<10000x128xf32, #tpu.memory_space<hbm>>) dst(%arg11 : memref<64x128xf32, #tpu.memory_space<vmem>>)
      %dma_start3A_114 = arith.constant 2 : i32
      %dma_start3A_115 = arith.constant 0 : i32
      %dma_start3A_116 = tpu.memref_slice %arg7[%dma_start3A_114, %dma_start3A_115] : memref<4x64xi32, #tpu.memory_space<vmem>> -> memref<1x64xi32, #tpu.memory_space<vmem>>
      %dma_start3A_117 = tpu.memref_squeeze %dma_start3A_116 : memref<1x64xi32, #tpu.memory_space<vmem>> -> memref<64xi32, #tpu.memory_space<vmem>>
      %dma_start3A_118 = arith.constant 0 : i32
      %dma_start3A_119 = arith.constant 0 : i32
      %dma_start3A_120 = tpu.memref_slice %arg13[%dma_start3A_118, %dma_start3A_119] : memref<10112x128xf32, #tpu.memory_space<vmem_shared>> -> memref<10112x128xf32, #tpu.memory_space<vmem_shared>>
      tpu.enqueue_indirect_dma source(%arg11 : memref<64x128xf32, #tpu.memory_space<vmem>>) target(%dma_start3A_120 : memref<10112x128xf32, #tpu.memory_space<vmem_shared>>) offsets(%dma_start3A_117 : memref<64xi32, #tpu.memory_space<vmem>>) semaphore(%arg20 : memref<!tpu.dma_semaphore, #tpu.memory_space<semaphore_mem>>) {add = true}
      %ge3A_121 = arith.constant 2 : i32
      %ge3A_122 = arith.cmpi sge, %add3A_106, %ge3A_121 : i32
      %convert_element_type3A_123 = arith.extui %ge3A_122 : i1 to i32
      %cond3A_124 = arith.constant 0 : i32
      %cond3A_125 = arith.cmpi ne, %convert_element_type3A_123, %cond3A_124 : i32
      scf.if %cond3A_125 {
        %sub3A = arith.constant 2 : i32
        %sub3A_163 = arith.subi %add3A_106, %sub3A : i32
        %dma_wait3A_164 = arith.constant 0 : i32
        %dma_wait3A_165 = arith.constant 0 : i32
        %dma_wait3A_166 = tpu.memref_slice %arg7[%dma_wait3A_164, %dma_wait3A_165] : memref<4x64xi32, #tpu.memory_space<vmem>> -> memref<1x64xi32, #tpu.memory_space<vmem>>
        %dma_wait3A_167 = tpu.memref_squeeze %dma_wait3A_166 : memref<1x64xi32, #tpu.memory_space<vmem>> -> memref<64xi32, #tpu.memory_space<vmem>>
        %dma_wait3A_168 = arith.constant 0 : i32
        %dma_wait3A_169 = arith.constant 0 : i32
        %dma_wait3A_170 = tpu.memref_slice %arg13[%dma_wait3A_168, %dma_wait3A_169] : memref<10112x128xf32, #tpu.memory_space<vmem_shared>> -> memref<10112x128xf32, #tpu.memory_space<vmem_shared>>
        tpu.wait_indirect_dma semaphore(%arg18 : memref<!tpu.dma_semaphore, #tpu.memory_space<semaphore_mem>>) src(%arg9 : memref<64x128xf32, #tpu.memory_space<vmem>>) dst(%dma_wait3A_170 : memref<10112x128xf32, #tpu.memory_space<vmem_shared>>)
      } else {
      }
      %add3A_126 = arith.constant 2 : i32
      %add3A_127 = arith.addi %add3A_106, %add3A_126 : i32
      %lt3A_128 = arith.constant 160 : i32
      %lt3A_129 = arith.cmpi slt, %add3A_127, %lt3A_128 : i32
      %convert_element_type3A_130 = arith.extui %lt3A_129 : i1 to i32
      %cond3A_131 = arith.constant 0 : i32
      %cond3A_132 = arith.cmpi ne, %convert_element_type3A_130, %cond3A_131 : i32
      scf.if %cond3A_132 {
        %add3A_163 = arith.constant 2 : i32
        %add3A_164 = arith.addi %add3A_106, %add3A_163 : i32
        %dma_start3A_165 = arith.constant 0 : i32
        %dma_start3A_166 = arith.constant 0 : i32
        %dma_start3A_167 = tpu.memref_slice %arg8[%dma_start3A_165, %dma_start3A_166] : memref<2x64xi32, #tpu.memory_space<vmem>> -> memref<1x64xi32, #tpu.memory_space<vmem>>
        %dma_start3A_168 = tpu.memref_squeeze %dma_start3A_167 : memref<1x64xi32, #tpu.memory_space<vmem>> -> memref<64xi32, #tpu.memory_space<vmem>>
        %dma_start3A_169 = arith.constant 0 : i32
        %dma_start3A_170 = tpu.memref_slice %arg3[%add3A, %add3A_164, %dma_start3A_169] : memref<32x160x64xi32, #tpu.memory_space<hbm>> -> memref<1x1x64xi32, #tpu.memory_space<hbm>>
        %dma_start3A_171 = tpu.memref_squeeze %dma_start3A_170 : memref<1x1x64xi32, #tpu.memory_space<hbm>> -> memref<64xi32, #tpu.memory_space<hbm>>
        %dma_start3A_172 = arith.constant 0 : i32
        %dma_start3A_173 = tpu.memref_slice %arg8[%dma_start3A_165, %dma_start3A_172] : memref<2x64xi32, #tpu.memory_space<vmem>> -> memref<1x64xi32, #tpu.memory_space<vmem>>
        %dma_start3A_174 = tpu.memref_squeeze %dma_start3A_173 : memref<1x64xi32, #tpu.memory_space<vmem>> -> memref<64xi32, #tpu.memory_space<vmem>>
        %dma_start3A_175 = arith.constant 0 : i32
        %dma_start3A_176 = tpu.memref_slice %arg3[%add3A, %add3A_164, %dma_start3A_175] : memref<32x160x64xi32, #tpu.memory_space<hbm>> -> memref<1x1x64xi32, #tpu.memory_space<hbm>>
        %dma_start3A_177 = tpu.memref_squeeze %dma_start3A_176 : memref<1x1x64xi32, #tpu.memory_space<hbm>> -> memref<64xi32, #tpu.memory_space<hbm>>
        tpu.enqueue_dma source(%dma_start3A_177 : memref<64xi32, #tpu.memory_space<hbm>>) target(%dma_start3A_174 : memref<64xi32, #tpu.memory_space<vmem>>) target_semaphore(%arg22 : memref<!tpu.dma_semaphore, #tpu.memory_space<semaphore_mem>>)
        %add3A_178 = arith.constant 2 : i32
        %add3A_179 = arith.addi %add3A_106, %add3A_178 : i32
        %dma_start3A_180 = arith.constant 0 : i32
        %dma_start3A_181 = arith.constant 0 : i32
        %dma_start3A_182 = tpu.memref_slice %arg7[%dma_start3A_180, %dma_start3A_181] : memref<4x64xi32, #tpu.memory_space<vmem>> -> memref<1x64xi32, #tpu.memory_space<vmem>>
        %dma_start3A_183 = tpu.memref_squeeze %dma_start3A_182 : memref<1x64xi32, #tpu.memory_space<vmem>> -> memref<64xi32, #tpu.memory_space<vmem>>
        %dma_start3A_184 = arith.constant 0 : i32
        %dma_start3A_185 = tpu.memref_slice %arg4[%add3A, %add3A_179, %dma_start3A_184] : memref<32x160x64xi32, #tpu.memory_space<hbm>> -> memref<1x1x64xi32, #tpu.memory_space<hbm>>
        %dma_start3A_186 = tpu.memref_squeeze %dma_start3A_185 : memref<1x1x64xi32, #tpu.memory_space<hbm>> -> memref<64xi32, #tpu.memory_space<hbm>>
        %dma_start3A_187 = arith.constant 0 : i32
        %dma_start3A_188 = tpu.memref_slice %arg7[%dma_start3A_180, %dma_start3A_187] : memref<4x64xi32, #tpu.memory_space<vmem>> -> memref<1x64xi32, #tpu.memory_space<vmem>>
        %dma_start3A_189 = tpu.memref_squeeze %dma_start3A_188 : memref<1x64xi32, #tpu.memory_space<vmem>> -> memref<64xi32, #tpu.memory_space<vmem>>
        %dma_start3A_190 = arith.constant 0 : i32
        %dma_start3A_191 = tpu.memref_slice %arg4[%add3A, %add3A_179, %dma_start3A_190] : memref<32x160x64xi32, #tpu.memory_space<hbm>> -> memref<1x1x64xi32, #tpu.memory_space<hbm>>
        %dma_start3A_192 = tpu.memref_squeeze %dma_start3A_191 : memref<1x1x64xi32, #tpu.memory_space<hbm>> -> memref<64xi32, #tpu.memory_space<hbm>>
        tpu.enqueue_dma source(%dma_start3A_192 : memref<64xi32, #tpu.memory_space<hbm>>) target(%dma_start3A_189 : memref<64xi32, #tpu.memory_space<vmem>>) target_semaphore(%arg24 : memref<!tpu.dma_semaphore, #tpu.memory_space<semaphore_mem>>)
        %add3A_193 = arith.constant 2 : i32
        %add3A_194 = arith.addi %add3A_106, %add3A_193 : i32
        %dma_wait3A_195 = arith.constant 0 : i32
        %dma_wait3A_196 = arith.constant 0 : i32
        %dma_wait3A_197 = tpu.memref_slice %arg8[%dma_wait3A_195, %dma_wait3A_196] : memref<2x64xi32, #tpu.memory_space<vmem>> -> memref<1x64xi32, #tpu.memory_space<vmem>>
        %dma_wait3A_198 = tpu.memref_squeeze %dma_wait3A_197 : memref<1x64xi32, #tpu.memory_space<vmem>> -> memref<64xi32, #tpu.memory_space<vmem>>
        %dma_wait3A_199 = arith.constant 0 : i32
        %dma_wait3A_200 = tpu.memref_slice %arg3[%add3A, %add3A_194, %dma_wait3A_199] : memref<32x160x64xi32, #tpu.memory_space<hbm>> -> memref<1x1x64xi32, #tpu.memory_space<hbm>>
        %dma_wait3A_201 = tpu.memref_squeeze %dma_wait3A_200 : memref<1x1x64xi32, #tpu.memory_space<hbm>> -> memref<64xi32, #tpu.memory_space<hbm>>
        %dma_wait3A_202 = arith.constant 0 : i32
        %dma_wait3A_203 = tpu.memref_slice %arg8[%dma_wait3A_195, %dma_wait3A_202] : memref<2x64xi32, #tpu.memory_space<vmem>> -> memref<1x64xi32, #tpu.memory_space<vmem>>
        %dma_wait3A_204 = tpu.memref_squeeze %dma_wait3A_203 : memref<1x64xi32, #tpu.memory_space<vmem>> -> memref<64xi32, #tpu.memory_space<vmem>>
        %dma_wait3A_205 = arith.constant 0 : i32
        %dma_wait3A_206 = tpu.memref_slice %arg3[%add3A, %add3A_194, %dma_wait3A_205] : memref<32x160x64xi32, #tpu.memory_space<hbm>> -> memref<1x1x64xi32, #tpu.memory_space<hbm>>
        %dma_wait3A_207 = tpu.memref_squeeze %dma_wait3A_206 : memref<1x1x64xi32, #tpu.memory_space<hbm>> -> memref<64xi32, #tpu.memory_space<hbm>>
        tpu.wait_dma2 semaphore(%arg22 : memref<!tpu.dma_semaphore, #tpu.memory_space<semaphore_mem>>) src(%dma_wait3A_207 : memref<64xi32, #tpu.memory_space<hbm>>) dst(%dma_wait3A_204 : memref<64xi32, #tpu.memory_space<vmem>>)
        %add3A_208 = arith.constant 2 : i32
        %add3A_209 = arith.addi %add3A_106, %add3A_208 : i32
        %dma_wait3A_210 = arith.constant 0 : i32
        %dma_wait3A_211 = arith.constant 0 : i32
        %dma_wait3A_212 = tpu.memref_slice %arg7[%dma_wait3A_210, %dma_wait3A_211] : memref<4x64xi32, #tpu.memory_space<vmem>> -> memref<1x64xi32, #tpu.memory_space<vmem>>
        %dma_wait3A_213 = tpu.memref_squeeze %dma_wait3A_212 : memref<1x64xi32, #tpu.memory_space<vmem>> -> memref<64xi32, #tpu.memory_space<vmem>>
        %dma_wait3A_214 = arith.constant 0 : i32
        %dma_wait3A_215 = tpu.memref_slice %arg4[%add3A, %add3A_209, %dma_wait3A_214] : memref<32x160x64xi32, #tpu.memory_space<hbm>> -> memref<1x1x64xi32, #tpu.memory_space<hbm>>
        %dma_wait3A_216 = tpu.memref_squeeze %dma_wait3A_215 : memref<1x1x64xi32, #tpu.memory_space<hbm>> -> memref<64xi32, #tpu.memory_space<hbm>>
        %dma_wait3A_217 = arith.constant 0 : i32
        %dma_wait3A_218 = tpu.memref_slice %arg7[%dma_wait3A_210, %dma_wait3A_217] : memref<4x64xi32, #tpu.memory_space<vmem>> -> memref<1x64xi32, #tpu.memory_space<vmem>>
        %dma_wait3A_219 = tpu.memref_squeeze %dma_wait3A_218 : memref<1x64xi32, #tpu.memory_space<vmem>> -> memref<64xi32, #tpu.memory_space<vmem>>
        %dma_wait3A_220 = arith.constant 0 : i32
        %dma_wait3A_221 = tpu.memref_slice %arg4[%add3A, %add3A_209, %dma_wait3A_220] : memref<32x160x64xi32, #tpu.memory_space<hbm>> -> memref<1x1x64xi32, #tpu.memory_space<hbm>>
        %dma_wait3A_222 = tpu.memref_squeeze %dma_wait3A_221 : memref<1x1x64xi32, #tpu.memory_space<hbm>> -> memref<64xi32, #tpu.memory_space<hbm>>
        tpu.wait_dma2 semaphore(%arg24 : memref<!tpu.dma_semaphore, #tpu.memory_space<semaphore_mem>>) src(%dma_wait3A_222 : memref<64xi32, #tpu.memory_space<hbm>>) dst(%dma_wait3A_219 : memref<64xi32, #tpu.memory_space<vmem>>)
        %add3A_223 = arith.constant 2 : i32
        %add3A_224 = arith.addi %add3A_106, %add3A_223 : i32
        %dma_start3A_225 = arith.constant 0 : i32
        %dma_start3A_226 = arith.constant 0 : i32
        %dma_start3A_227 = tpu.memref_slice %arg8[%dma_start3A_225, %dma_start3A_226] : memref<2x64xi32, #tpu.memory_space<vmem>> -> memref<1x64xi32, #tpu.memory_space<vmem>>
        %dma_start3A_228 = tpu.memref_squeeze %dma_start3A_227 : memref<1x64xi32, #tpu.memory_space<vmem>> -> memref<64xi32, #tpu.memory_space<vmem>>
        %dma_start3A_229 = arith.constant 0 : i32
        %dma_start3A_230 = arith.constant 0 : i32
        %dma_start3A_231 = tpu.memref_slice %arg2[%dma_start3A_229, %dma_start3A_230] : memref<10000x128xf32, #tpu.memory_space<hbm>> -> memref<10000x128xf32, #tpu.memory_space<hbm>>
        tpu.enqueue_indirect_dma source(%dma_start3A_231 : memref<10000x128xf32, #tpu.memory_space<hbm>>) target(%arg9 : memref<64x128xf32, #tpu.memory_space<vmem>>) offsets(%dma_start3A_228 : memref<64xi32, #tpu.memory_space<vmem>>) semaphore(%arg14 : memref<!tpu.dma_semaphore, #tpu.memory_space<semaphore_mem>>)
        %add3A_232 = arith.constant 2 : i32
        %add3A_233 = arith.addi %add3A_106, %add3A_232 : i32
      } else {
      }
      %mul3A_133 = arith.constant 4 : i32
      %mul3A_134 = arith.muli %mul3A_133, %scan3A_46 : i32
      %add3A_135 = arith.constant 3 : i32
      %add3A_136 = arith.addi %mul3A_134, %add3A_135 : i32
      %dma_wait3A_137 = arith.constant 1 : i32
      %dma_wait3A_138 = arith.constant 0 : i32
      %dma_wait3A_139 = tpu.memref_slice %arg8[%dma_wait3A_137, %dma_wait3A_138] : memref<2x64xi32, #tpu.memory_space<vmem>> -> memref<1x64xi32, #tpu.memory_space<vmem>>
      %dma_wait3A_140 = tpu.memref_squeeze %dma_wait3A_139 : memref<1x64xi32, #tpu.memory_space<vmem>> -> memref<64xi32, #tpu.memory_space<vmem>>
      %dma_wait3A_141 = arith.constant 0 : i32
      %dma_wait3A_142 = arith.constant 0 : i32
      %dma_wait3A_143 = tpu.memref_slice %arg2[%dma_wait3A_141, %dma_wait3A_142] : memref<10000x128xf32, #tpu.memory_space<hbm>> -> memref<10000x128xf32, #tpu.memory_space<hbm>>
      tpu.wait_indirect_dma semaphore(%arg15 : memref<!tpu.dma_semaphore, #tpu.memory_space<semaphore_mem>>) src(%dma_wait3A_143 : memref<10000x128xf32, #tpu.memory_space<hbm>>) dst(%arg12 : memref<64x128xf32, #tpu.memory_space<vmem>>)
      %dma_start3A_144 = arith.constant 3 : i32
      %dma_start3A_145 = arith.constant 0 : i32
      %dma_start3A_146 = tpu.memref_slice %arg7[%dma_start3A_144, %dma_start3A_145] : memref<4x64xi32, #tpu.memory_space<vmem>> -> memref<1x64xi32, #tpu.memory_space<vmem>>
      %dma_start3A_147 = tpu.memref_squeeze %dma_start3A_146 : memref<1x64xi32, #tpu.memory_space<vmem>> -> memref<64xi32, #tpu.memory_space<vmem>>
      %dma_start3A_148 = arith.constant 0 : i32
      %dma_start3A_149 = arith.constant 0 : i32
      %dma_start3A_150 = tpu.memref_slice %arg13[%dma_start3A_148, %dma_start3A_149] : memref<10112x128xf32, #tpu.memory_space<vmem_shared>> -> memref<10112x128xf32, #tpu.memory_space<vmem_shared>>
      tpu.enqueue_indirect_dma source(%arg12 : memref<64x128xf32, #tpu.memory_space<vmem>>) target(%dma_start3A_150 : memref<10112x128xf32, #tpu.memory_space<vmem_shared>>) offsets(%dma_start3A_147 : memref<64xi32, #tpu.memory_space<vmem>>) semaphore(%arg21 : memref<!tpu.dma_semaphore, #tpu.memory_space<semaphore_mem>>) {add = true}
      %ge3A_151 = arith.constant 2 : i32
      %ge3A_152 = arith.cmpi sge, %add3A_136, %ge3A_151 : i32
      %convert_element_type3A_153 = arith.extui %ge3A_152 : i1 to i32
      %cond3A_154 = arith.constant 0 : i32
      %cond3A_155 = arith.cmpi ne, %convert_element_type3A_153, %cond3A_154 : i32
      scf.if %cond3A_155 {
        %sub3A = arith.constant 2 : i32
        %sub3A_163 = arith.subi %add3A_136, %sub3A : i32
        %dma_wait3A_164 = arith.constant 1 : i32
        %dma_wait3A_165 = arith.constant 0 : i32
        %dma_wait3A_166 = tpu.memref_slice %arg7[%dma_wait3A_164, %dma_wait3A_165] : memref<4x64xi32, #tpu.memory_space<vmem>> -> memref<1x64xi32, #tpu.memory_space<vmem>>
        %dma_wait3A_167 = tpu.memref_squeeze %dma_wait3A_166 : memref<1x64xi32, #tpu.memory_space<vmem>> -> memref<64xi32, #tpu.memory_space<vmem>>
        %dma_wait3A_168 = arith.constant 0 : i32
        %dma_wait3A_169 = arith.constant 0 : i32
        %dma_wait3A_170 = tpu.memref_slice %arg13[%dma_wait3A_168, %dma_wait3A_169] : memref<10112x128xf32, #tpu.memory_space<vmem_shared>> -> memref<10112x128xf32, #tpu.memory_space<vmem_shared>>
        tpu.wait_indirect_dma semaphore(%arg19 : memref<!tpu.dma_semaphore, #tpu.memory_space<semaphore_mem>>) src(%arg10 : memref<64x128xf32, #tpu.memory_space<vmem>>) dst(%dma_wait3A_170 : memref<10112x128xf32, #tpu.memory_space<vmem_shared>>)
      } else {
      }
      %add3A_156 = arith.constant 2 : i32
      %add3A_157 = arith.addi %add3A_136, %add3A_156 : i32
      %lt3A_158 = arith.constant 160 : i32
      %lt3A_159 = arith.cmpi slt, %add3A_157, %lt3A_158 : i32
      %convert_element_type3A_160 = arith.extui %lt3A_159 : i1 to i32
      %cond3A_161 = arith.constant 0 : i32
      %cond3A_162 = arith.cmpi ne, %convert_element_type3A_160, %cond3A_161 : i32
      scf.if %cond3A_162 {
        %add3A_163 = arith.constant 2 : i32
        %add3A_164 = arith.addi %add3A_136, %add3A_163 : i32
        %dma_start3A_165 = arith.constant 1 : i32
        %dma_start3A_166 = arith.constant 0 : i32
        %dma_start3A_167 = tpu.memref_slice %arg8[%dma_start3A_165, %dma_start3A_166] : memref<2x64xi32, #tpu.memory_space<vmem>> -> memref<1x64xi32, #tpu.memory_space<vmem>>
        %dma_start3A_168 = tpu.memref_squeeze %dma_start3A_167 : memref<1x64xi32, #tpu.memory_space<vmem>> -> memref<64xi32, #tpu.memory_space<vmem>>
        %dma_start3A_169 = arith.constant 0 : i32
        %dma_start3A_170 = tpu.memref_slice %arg3[%add3A, %add3A_164, %dma_start3A_169] : memref<32x160x64xi32, #tpu.memory_space<hbm>> -> memref<1x1x64xi32, #tpu.memory_space<hbm>>
        %dma_start3A_171 = tpu.memref_squeeze %dma_start3A_170 : memref<1x1x64xi32, #tpu.memory_space<hbm>> -> memref<64xi32, #tpu.memory_space<hbm>>
        %dma_start3A_172 = arith.constant 0 : i32
        %dma_start3A_173 = tpu.memref_slice %arg8[%dma_start3A_165, %dma_start3A_172] : memref<2x64xi32, #tpu.memory_space<vmem>> -> memref<1x64xi32, #tpu.memory_space<vmem>>
        %dma_start3A_174 = tpu.memref_squeeze %dma_start3A_173 : memref<1x64xi32, #tpu.memory_space<vmem>> -> memref<64xi32, #tpu.memory_space<vmem>>
        %dma_start3A_175 = arith.constant 0 : i32
        %dma_start3A_176 = tpu.memref_slice %arg3[%add3A, %add3A_164, %dma_start3A_175] : memref<32x160x64xi32, #tpu.memory_space<hbm>> -> memref<1x1x64xi32, #tpu.memory_space<hbm>>
        %dma_start3A_177 = tpu.memref_squeeze %dma_start3A_176 : memref<1x1x64xi32, #tpu.memory_space<hbm>> -> memref<64xi32, #tpu.memory_space<hbm>>
        tpu.enqueue_dma source(%dma_start3A_177 : memref<64xi32, #tpu.memory_space<hbm>>) target(%dma_start3A_174 : memref<64xi32, #tpu.memory_space<vmem>>) target_semaphore(%arg23 : memref<!tpu.dma_semaphore, #tpu.memory_space<semaphore_mem>>)
        %add3A_178 = arith.constant 2 : i32
        %add3A_179 = arith.addi %add3A_136, %add3A_178 : i32
        %dma_start3A_180 = arith.constant 1 : i32
        %dma_start3A_181 = arith.constant 0 : i32
        %dma_start3A_182 = tpu.memref_slice %arg7[%dma_start3A_180, %dma_start3A_181] : memref<4x64xi32, #tpu.memory_space<vmem>> -> memref<1x64xi32, #tpu.memory_space<vmem>>
        %dma_start3A_183 = tpu.memref_squeeze %dma_start3A_182 : memref<1x64xi32, #tpu.memory_space<vmem>> -> memref<64xi32, #tpu.memory_space<vmem>>
        %dma_start3A_184 = arith.constant 0 : i32
        %dma_start3A_185 = tpu.memref_slice %arg4[%add3A, %add3A_179, %dma_start3A_184] : memref<32x160x64xi32, #tpu.memory_space<hbm>> -> memref<1x1x64xi32, #tpu.memory_space<hbm>>
        %dma_start3A_186 = tpu.memref_squeeze %dma_start3A_185 : memref<1x1x64xi32, #tpu.memory_space<hbm>> -> memref<64xi32, #tpu.memory_space<hbm>>
        %dma_start3A_187 = arith.constant 0 : i32
        %dma_start3A_188 = tpu.memref_slice %arg7[%dma_start3A_180, %dma_start3A_187] : memref<4x64xi32, #tpu.memory_space<vmem>> -> memref<1x64xi32, #tpu.memory_space<vmem>>
        %dma_start3A_189 = tpu.memref_squeeze %dma_start3A_188 : memref<1x64xi32, #tpu.memory_space<vmem>> -> memref<64xi32, #tpu.memory_space<vmem>>
        %dma_start3A_190 = arith.constant 0 : i32
        %dma_start3A_191 = tpu.memref_slice %arg4[%add3A, %add3A_179, %dma_start3A_190] : memref<32x160x64xi32, #tpu.memory_space<hbm>> -> memref<1x1x64xi32, #tpu.memory_space<hbm>>
        %dma_start3A_192 = tpu.memref_squeeze %dma_start3A_191 : memref<1x1x64xi32, #tpu.memory_space<hbm>> -> memref<64xi32, #tpu.memory_space<hbm>>
        tpu.enqueue_dma source(%dma_start3A_192 : memref<64xi32, #tpu.memory_space<hbm>>) target(%dma_start3A_189 : memref<64xi32, #tpu.memory_space<vmem>>) target_semaphore(%arg25 : memref<!tpu.dma_semaphore, #tpu.memory_space<semaphore_mem>>)
        %add3A_193 = arith.constant 2 : i32
        %add3A_194 = arith.addi %add3A_136, %add3A_193 : i32
        %dma_wait3A_195 = arith.constant 1 : i32
        %dma_wait3A_196 = arith.constant 0 : i32
        %dma_wait3A_197 = tpu.memref_slice %arg8[%dma_wait3A_195, %dma_wait3A_196] : memref<2x64xi32, #tpu.memory_space<vmem>> -> memref<1x64xi32, #tpu.memory_space<vmem>>
        %dma_wait3A_198 = tpu.memref_squeeze %dma_wait3A_197 : memref<1x64xi32, #tpu.memory_space<vmem>> -> memref<64xi32, #tpu.memory_space<vmem>>
        %dma_wait3A_199 = arith.constant 0 : i32
        %dma_wait3A_200 = tpu.memref_slice %arg3[%add3A, %add3A_194, %dma_wait3A_199] : memref<32x160x64xi32, #tpu.memory_space<hbm>> -> memref<1x1x64xi32, #tpu.memory_space<hbm>>
        %dma_wait3A_201 = tpu.memref_squeeze %dma_wait3A_200 : memref<1x1x64xi32, #tpu.memory_space<hbm>> -> memref<64xi32, #tpu.memory_space<hbm>>
        %dma_wait3A_202 = arith.constant 0 : i32
        %dma_wait3A_203 = tpu.memref_slice %arg8[%dma_wait3A_195, %dma_wait3A_202] : memref<2x64xi32, #tpu.memory_space<vmem>> -> memref<1x64xi32, #tpu.memory_space<vmem>>
        %dma_wait3A_204 = tpu.memref_squeeze %dma_wait3A_203 : memref<1x64xi32, #tpu.memory_space<vmem>> -> memref<64xi32, #tpu.memory_space<vmem>>
        %dma_wait3A_205 = arith.constant 0 : i32
        %dma_wait3A_206 = tpu.memref_slice %arg3[%add3A, %add3A_194, %dma_wait3A_205] : memref<32x160x64xi32, #tpu.memory_space<hbm>> -> memref<1x1x64xi32, #tpu.memory_space<hbm>>
        %dma_wait3A_207 = tpu.memref_squeeze %dma_wait3A_206 : memref<1x1x64xi32, #tpu.memory_space<hbm>> -> memref<64xi32, #tpu.memory_space<hbm>>
        tpu.wait_dma2 semaphore(%arg23 : memref<!tpu.dma_semaphore, #tpu.memory_space<semaphore_mem>>) src(%dma_wait3A_207 : memref<64xi32, #tpu.memory_space<hbm>>) dst(%dma_wait3A_204 : memref<64xi32, #tpu.memory_space<vmem>>)
        %add3A_208 = arith.constant 2 : i32
        %add3A_209 = arith.addi %add3A_136, %add3A_208 : i32
        %dma_wait3A_210 = arith.constant 1 : i32
        %dma_wait3A_211 = arith.constant 0 : i32
        %dma_wait3A_212 = tpu.memref_slice %arg7[%dma_wait3A_210, %dma_wait3A_211] : memref<4x64xi32, #tpu.memory_space<vmem>> -> memref<1x64xi32, #tpu.memory_space<vmem>>
        %dma_wait3A_213 = tpu.memref_squeeze %dma_wait3A_212 : memref<1x64xi32, #tpu.memory_space<vmem>> -> memref<64xi32, #tpu.memory_space<vmem>>
        %dma_wait3A_214 = arith.constant 0 : i32
        %dma_wait3A_215 = tpu.memref_slice %arg4[%add3A, %add3A_209, %dma_wait3A_214] : memref<32x160x64xi32, #tpu.memory_space<hbm>> -> memref<1x1x64xi32, #tpu.memory_space<hbm>>
        %dma_wait3A_216 = tpu.memref_squeeze %dma_wait3A_215 : memref<1x1x64xi32, #tpu.memory_space<hbm>> -> memref<64xi32, #tpu.memory_space<hbm>>
        %dma_wait3A_217 = arith.constant 0 : i32
        %dma_wait3A_218 = tpu.memref_slice %arg7[%dma_wait3A_210, %dma_wait3A_217] : memref<4x64xi32, #tpu.memory_space<vmem>> -> memref<1x64xi32, #tpu.memory_space<vmem>>
        %dma_wait3A_219 = tpu.memref_squeeze %dma_wait3A_218 : memref<1x64xi32, #tpu.memory_space<vmem>> -> memref<64xi32, #tpu.memory_space<vmem>>
        %dma_wait3A_220 = arith.constant 0 : i32
        %dma_wait3A_221 = tpu.memref_slice %arg4[%add3A, %add3A_209, %dma_wait3A_220] : memref<32x160x64xi32, #tpu.memory_space<hbm>> -> memref<1x1x64xi32, #tpu.memory_space<hbm>>
        %dma_wait3A_222 = tpu.memref_squeeze %dma_wait3A_221 : memref<1x1x64xi32, #tpu.memory_space<hbm>> -> memref<64xi32, #tpu.memory_space<hbm>>
        tpu.wait_dma2 semaphore(%arg25 : memref<!tpu.dma_semaphore, #tpu.memory_space<semaphore_mem>>) src(%dma_wait3A_222 : memref<64xi32, #tpu.memory_space<hbm>>) dst(%dma_wait3A_219 : memref<64xi32, #tpu.memory_space<vmem>>)
        %add3A_223 = arith.constant 2 : i32
        %add3A_224 = arith.addi %add3A_136, %add3A_223 : i32
        %dma_start3A_225 = arith.constant 1 : i32
        %dma_start3A_226 = arith.constant 0 : i32
        %dma_start3A_227 = tpu.memref_slice %arg8[%dma_start3A_225, %dma_start3A_226] : memref<2x64xi32, #tpu.memory_space<vmem>> -> memref<1x64xi32, #tpu.memory_space<vmem>>
        %dma_start3A_228 = tpu.memref_squeeze %dma_start3A_227 : memref<1x64xi32, #tpu.memory_space<vmem>> -> memref<64xi32, #tpu.memory_space<vmem>>
        %dma_start3A_229 = arith.constant 0 : i32
        %dma_start3A_230 = arith.constant 0 : i32
        %dma_start3A_231 = tpu.memref_slice %arg2[%dma_start3A_229, %dma_start3A_230] : memref<10000x128xf32, #tpu.memory_space<hbm>> -> memref<10000x128xf32, #tpu.memory_space<hbm>>
        tpu.enqueue_indirect_dma source(%dma_start3A_231 : memref<10000x128xf32, #tpu.memory_space<hbm>>) target(%arg10 : memref<64x128xf32, #tpu.memory_space<vmem>>) offsets(%dma_start3A_228 : memref<64xi32, #tpu.memory_space<vmem>>) semaphore(%arg15 : memref<!tpu.dma_semaphore, #tpu.memory_space<semaphore_mem>>)
        %add3A_232 = arith.constant 2 : i32
        %add3A_233 = arith.addi %add3A_136, %add3A_232 : i32
      } else {
      }
    }
    %scan3A_31 = arith.constant 40 : i32
    %dma_wait3A = arith.constant 2 : i32
    %dma_wait3A_32 = arith.constant 0 : i32
    %dma_wait3A_33 = tpu.memref_slice %arg7[%dma_wait3A, %dma_wait3A_32] : memref<4x64xi32, #tpu.memory_space<vmem>> -> memref<1x64xi32, #tpu.memory_space<vmem>>
    %dma_wait3A_34 = tpu.memref_squeeze %dma_wait3A_33 : memref<1x64xi32, #tpu.memory_space<vmem>> -> memref<64xi32, #tpu.memory_space<vmem>>
    %dma_wait3A_35 = arith.constant 0 : i32
    %dma_wait3A_36 = arith.constant 0 : i32
    %dma_wait3A_37 = tpu.memref_slice %arg13[%dma_wait3A_35, %dma_wait3A_36] : memref<10112x128xf32, #tpu.memory_space<vmem_shared>> -> memref<10112x128xf32, #tpu.memory_space<vmem_shared>>
    tpu.wait_indirect_dma semaphore(%arg20 : memref<!tpu.dma_semaphore, #tpu.memory_space<semaphore_mem>>) src(%arg11 : memref<64x128xf32, #tpu.memory_space<vmem>>) dst(%dma_wait3A_37 : memref<10112x128xf32, #tpu.memory_space<vmem_shared>>)
    %dma_wait3A_38 = arith.constant 3 : i32
    %dma_wait3A_39 = arith.constant 0 : i32
    %dma_wait3A_40 = tpu.memref_slice %arg7[%dma_wait3A_38, %dma_wait3A_39] : memref<4x64xi32, #tpu.memory_space<vmem>> -> memref<1x64xi32, #tpu.memory_space<vmem>>
    %dma_wait3A_41 = tpu.memref_squeeze %dma_wait3A_40 : memref<1x64xi32, #tpu.memory_space<vmem>> -> memref<64xi32, #tpu.memory_space<vmem>>
    %dma_wait3A_42 = arith.constant 0 : i32
    %dma_wait3A_43 = arith.constant 0 : i32
    %dma_wait3A_44 = tpu.memref_slice %arg13[%dma_wait3A_42, %dma_wait3A_43] : memref<10112x128xf32, #tpu.memory_space<vmem_shared>> -> memref<10112x128xf32, #tpu.memory_space<vmem_shared>>
    tpu.wait_indirect_dma semaphore(%arg21 : memref<!tpu.dma_semaphore, #tpu.memory_space<semaphore_mem>>) src(%arg12 : memref<64x128xf32, #tpu.memory_space<vmem>>) dst(%dma_wait3A_44 : memref<10112x128xf32, #tpu.memory_space<vmem_shared>>)
    %barrier3A_45 = arith.constant 0 : index
    tpu.barrier barrier_id(%barrier3A_45)
    "tpu.region"() ({
      %run_scoped3A_46 = tpu.sem_alloc : memref<!tpu.dma_semaphore, #tpu.memory_space<semaphore_mem>>
      %dma_start3A_47 = arith.constant 0 : i32
      %dma_start3A_48 = tpu.memref_slice %arg6[%arg0, %mul3A_2, %dma_start3A_47] : memref<2x10112x128xf32, #tpu.memory_space<hbm>> -> memref<1x632x128xf32, #tpu.memory_space<hbm>>
      %dma_start3A_49 = tpu.memref_squeeze %dma_start3A_48 : memref<1x632x128xf32, #tpu.memory_space<hbm>> -> memref<632x128xf32, #tpu.memory_space<hbm>>
      %dma_start3A_50 = arith.constant 0 : i32
      %dma_start3A_51 = tpu.memref_slice %arg13[%mul3A_2, %dma_start3A_50] : memref<10112x128xf32, #tpu.memory_space<vmem_shared>> -> memref<632x128xf32, #tpu.memory_space<vmem_shared>>
      tpu.enqueue_dma source(%dma_start3A_51 : memref<632x128xf32, #tpu.memory_space<vmem_shared>>) target(%dma_start3A_49 : memref<632x128xf32, #tpu.memory_space<hbm>>) target_semaphore(%run_scoped3A_46 : memref<!tpu.dma_semaphore, #tpu.memory_space<semaphore_mem>>)
      %dma_wait3A_52 = arith.constant 0 : i32
      %dma_wait3A_53 = tpu.memref_slice %arg6[%arg0, %mul3A_2, %dma_wait3A_52] : memref<2x10112x128xf32, #tpu.memory_space<hbm>> -> memref<1x632x128xf32, #tpu.memory_space<hbm>>
      %dma_wait3A_54 = tpu.memref_squeeze %dma_wait3A_53 : memref<1x632x128xf32, #tpu.memory_space<hbm>> -> memref<632x128xf32, #tpu.memory_space<hbm>>
      %dma_wait3A_55 = arith.constant 0 : i32
      %dma_wait3A_56 = tpu.memref_slice %arg13[%mul3A_2, %dma_wait3A_55] : memref<10112x128xf32, #tpu.memory_space<vmem_shared>> -> memref<632x128xf32, #tpu.memory_space<vmem_shared>>
      tpu.wait_dma2 semaphore(%run_scoped3A_46 : memref<!tpu.dma_semaphore, #tpu.memory_space<semaphore_mem>>) src(%dma_wait3A_56 : memref<632x128xf32, #tpu.memory_space<vmem_shared>>) dst(%dma_wait3A_54 : memref<632x128xf32, #tpu.memory_space<hbm>>)
      tpu.yield
    }) : () -> ()
    return
  }
}

module attributes {stable_mosaic.version = 14 : i64} {
  func.func @_tc_em_body(%arg0: i32, %arg1: memref<16x12800xf32, #tpu.memory_space<vmem>>, %arg2: memref<16x128xf32, #tpu.memory_space<vmem>>, %arg3: memref<1x128xf32, #tpu.memory_space<vmem>>, %arg4: memref<12800x128xf32, #tpu.memory_space<vmem>>) attributes {dimension_semantics = [#tpu.dimension_semantics<arbitrary>], iteration_bounds = array<i64: 25>, scalar_prefetch = 0 : i64, scratch_operands = 0 : i64, tpu.core_type = #tpu.core_type<tc>, window_params = [{transform_indices = @transform_0, window_bounds = array<i64: 16, 12800>}, {pipeline_mode = #tpu.pipeline_mode<synchronous>, transform_indices = @transform_1, window_bounds = array<i64: 16, 128>}, {pipeline_mode = #tpu.pipeline_mode<synchronous>, transform_indices = @transform_2, window_bounds = array<i64: 1, 128>}, {transform_indices = @transform_3, window_bounds = array<i64: 12800, 128>}]} {
    %get3A = arith.constant 0 : index
    %get3A_0 = arith.constant 0 : index
    %get3A_1 = vector.load %arg1[%get3A, %get3A_0] : memref<16x12800xf32, #tpu.memory_space<vmem>>, vector<16x12800xf32>
    %get3A_2 = arith.constant 0 : index
    %get3A_3 = arith.constant 0 : index
    %get3A_4 = vector.load %arg2[%get3A_2, %get3A_3] : memref<16x128xf32, #tpu.memory_space<vmem>>, vector<16x128xf32>
    %dot_general3A = arith.constant dense<0.000000e+00> : vector<12800x128xf32>
    %dot_general3A_5 = tpu.matmul %get3A_1, %get3A_4, %dot_general3A {dimension_numbers = #tpu.dot_dimension_numbers<[0], [0], [1], [1], [0, 1, 1, 1], [], []>, transpose_lhs_hint = false} : vector<16x12800xf32>, vector<16x128xf32>, vector<12800x128xf32> -> vector<12800x128xf32>
    %get3A_6 = arith.constant 0 : index
    %get3A_7 = arith.constant 0 : index
    %get3A_8 = vector.load %arg3[%get3A_6, %get3A_7] : memref<1x128xf32, #tpu.memory_space<vmem>>, vector<1x128xf32>
    %add3A = vector.broadcast %get3A_8 : vector<1x128xf32> to vector<12800x128xf32>
    %add3A_9 = arith.addf %dot_general3A_5, %add3A : vector<12800x128xf32>
    %swap3A = arith.constant 0 : index
    %swap3A_10 = arith.constant 0 : index
    %swap3A_11 = vector.load %arg4[%swap3A, %swap3A_10] : memref<12800x128xf32, #tpu.memory_space<vmem>>, vector<12800x128xf32>
    tpu.vector_store %arg4[%swap3A, %swap3A_10], %add3A_9 {strides = array<i32>} : memref<12800x128xf32, #tpu.memory_space<vmem>>, vector<12800x128xf32>,
    return
  }
  func.func @transform_0(%arg0: i32) -> (i32, i32) {
    %c0_i32 = arith.constant 0 : i32
    %c0_i32_0 = arith.constant 0 : i32
    return %c0_i32, %arg0 : i32, i32
  }
  func.func @transform_1(%arg0: i32) -> (i32, i32) {
    %c0_i32 = arith.constant 0 : i32
    %c0_i32_0 = arith.constant 0 : i32
    %c0_i32_1 = arith.constant 0 : i32
    return %c0_i32, %c0_i32_0 : i32, i32
  }
  func.func @transform_2(%arg0: i32) -> (i32, i32) {
    %c0_i32 = arith.constant 0 : i32
    %c0_i32_0 = arith.constant 0 : i32
    %c0_i32_1 = arith.constant 0 : i32
    return %c0_i32, %c0_i32_0 : i32, i32
  }
  func.func @transform_3(%arg0: i32) -> (i32, i32) {
    %c0_i32 = arith.constant 0 : i32
    %c0_i32_0 = arith.constant 0 : i32
    return %arg0, %c0_i32 : i32, i32
  }
}

module attributes {stable_mosaic.version = 14 : i64} {
  func.func @_tc_pool_stats_body(%arg0: i32, %arg1: memref<2x1000x128xf32, #tpu.memory_space<vmem>>, %arg2: memref<1000x128xf32, #tpu.memory_space<vmem>>, %arg3: memref<1x1x1000xi32, #tpu.memory_space<vmem>>, %arg4: memref<64x128xf32, #tpu.memory_space<vmem>>, %arg5: memref<64x1xf32, #tpu.memory_space<vmem>>, %arg6: memref<64x128xf32, #tpu.memory_space<vmem>>, %arg7: memref<64x1xf32, #tpu.memory_space<vmem>>) attributes {dimension_semantics = [#tpu.dimension_semantics<arbitrary>], iteration_bounds = array<i64: 10>, scalar_prefetch = 0 : i64, scratch_operands = 2 : i64, tpu.core_type = #tpu.core_type<tc>, window_params = [{transform_indices = @transform_0, window_bounds = array<i64: 2, 1000, 128>}, {transform_indices = @transform_1, window_bounds = array<i64: 1000, 128>}, {transform_indices = @transform_2, window_bounds = array<i64: 1, 1, 1000>}, {pipeline_mode = #tpu.pipeline_mode<synchronous>, transform_indices = @transform_3, window_bounds = array<i64: 64, 128>}, {pipeline_mode = #tpu.pipeline_mode<synchronous>, transform_indices = @transform_4, window_bounds = array<i64: 64, 1>}]} {
    %eq3A = arith.constant 0 : i32
    %eq3A_0 = arith.cmpi eq, %arg0, %eq3A : i32
    %convert_element_type3A = arith.extui %eq3A_0 : i1 to i32
    %cond3A = arith.constant 0 : i32
    %cond3A_1 = arith.cmpi ne, %convert_element_type3A, %cond3A : i32
    scf.if %cond3A_1 {
      %broadcast_in_dim3A_45 = arith.constant 0.000000e+00 : f32
      %broadcast_in_dim3A_46 = vector.broadcast %broadcast_in_dim3A_45 : f32 to vector<64x128xf32>
      %swap3A_47 = arith.constant 0 : index
      %swap3A_48 = arith.constant 0 : index
      %swap3A_49 = vector.load %arg6[%swap3A_47, %swap3A_48] : memref<64x128xf32, #tpu.memory_space<vmem>>, vector<64x128xf32>
      tpu.vector_store %arg6[%swap3A_47, %swap3A_48], %broadcast_in_dim3A_46 {strides = array<i32>} : memref<64x128xf32, #tpu.memory_space<vmem>>, vector<64x128xf32>,
      %broadcast_in_dim3A_50 = arith.constant 0.000000e+00 : f32
      %broadcast_in_dim3A_51 = vector.broadcast %broadcast_in_dim3A_50 : f32 to vector<64x1xf32>
      %swap3A_52 = arith.constant 0 : index
      %swap3A_53 = arith.constant 0 : index
      %swap3A_54 = vector.load %arg7[%swap3A_52, %swap3A_53] : memref<64x1xf32, #tpu.memory_space<vmem>>, vector<64x1xf32>
      tpu.vector_store %arg7[%swap3A_52, %swap3A_53], %broadcast_in_dim3A_51 {strides = array<i32>} : memref<64x1xf32, #tpu.memory_space<vmem>>, vector<64x1xf32>,
    } else {
    }
    %get3A = arith.constant 0 : index
    %get3A_2 = arith.constant 0 : index
    %get3A_3 = arith.constant 0 : index
    %get3A_4 = vector.load %arg3[%get3A, %get3A_2, %get3A_3] : memref<1x1x1000xi32, #tpu.memory_space<vmem>>, vector<1x1x1000xi32>
    %get3A_5 = vector.shape_cast %get3A_4 : vector<1x1x1000xi32> to vector<1000xi32>
    %iota3A = tpu.iota {dimensions = array<i32: 0>} : vector<64x1000xi32>
    %broadcast_in_dim3A = vector.shape_cast %get3A_5 : vector<1000xi32> to vector<1x1000xi32>
    %eq3A_6 = vector.broadcast %broadcast_in_dim3A : vector<1x1000xi32> to vector<64x1000xi32>
    %eq3A_7 = arith.cmpi eq, %iota3A, %eq3A_6 : vector<64x1000xi32>
    %convert_element_type3A_8 = arith.extui %eq3A_7 : vector<64x1000xi1> to vector<64x1000xi32>
    %convert_element_type3A_9 = arith.sitofp %convert_element_type3A_8 : vector<64x1000xi32> to vector<64x1000xf32>
    %get3A_10 = arith.constant 0 : index
    %get3A_11 = arith.constant 0 : index
    %get3A_12 = arith.constant 0 : index
    %get3A_13 = vector.load %arg1[%get3A_10, %get3A_11, %get3A_12] : memref<2x1000x128xf32, #tpu.memory_space<vmem>>, vector<1x1000x128xf32>
    %get3A_14 = vector.shape_cast %get3A_13 : vector<1x1000x128xf32> to vector<1000x128xf32>
    %get3A_15 = arith.constant 1 : index
    %get3A_16 = arith.constant 0 : index
    %get3A_17 = arith.constant 0 : index
    %get3A_18 = vector.load %arg1[%get3A_15, %get3A_16, %get3A_17] : memref<2x1000x128xf32, #tpu.memory_space<vmem>>, vector<1x1000x128xf32>
    %get3A_19 = vector.shape_cast %get3A_18 : vector<1x1000x128xf32> to vector<1000x128xf32>
    %add3A = arith.addf %get3A_14, %get3A_19 : vector<1000x128xf32>
    %get3A_20 = arith.constant 0 : index
    %get3A_21 = arith.constant 0 : index
    %get3A_22 = vector.load %arg2[%get3A_20, %get3A_21] : memref<1000x128xf32, #tpu.memory_space<vmem>>, vector<1000x128xf32>
    %add3A_23 = arith.addf %add3A, %get3A_22 : vector<1000x128xf32>
    %get3A_24 = arith.constant 0 : index
    %get3A_25 = arith.constant 0 : index
    %get3A_26 = vector.load %arg6[%get3A_24, %get3A_25] : memref<64x128xf32, #tpu.memory_space<vmem>>, vector<64x128xf32>
    %dot_general3A = arith.constant dense<0.000000e+00> : vector<64x128xf32>
    %dot_general3A_27 = tpu.matmul %convert_element_type3A_9, %add3A_23, %dot_general3A {dimension_numbers = #tpu.dot_dimension_numbers<[1], [0], [0], [1], [0, 0, 1, 1], [], []>, transpose_lhs_hint = false} : vector<64x1000xf32>, vector<1000x128xf32>, vector<64x128xf32> -> vector<64x128xf32>
    %add3A_28 = arith.addf %get3A_26, %dot_general3A_27 : vector<64x128xf32>
    %swap3A = arith.constant 0 : index
    %swap3A_29 = arith.constant 0 : index
    %swap3A_30 = vector.load %arg6[%swap3A, %swap3A_29] : memref<64x128xf32, #tpu.memory_space<vmem>>, vector<64x128xf32>
    tpu.vector_store %arg6[%swap3A, %swap3A_29], %add3A_28 {strides = array<i32>} : memref<64x128xf32, #tpu.memory_space<vmem>>, vector<64x128xf32>,
    %get3A_31 = arith.constant 0 : index
    %get3A_32 = arith.constant 0 : index
    %get3A_33 = vector.load %arg7[%get3A_31, %get3A_32] : memref<64x1xf32, #tpu.memory_space<vmem>>, vector<64x1xf32>
    %reduce_sum3A = arith.constant dense<0.000000e+00> : vector<64xf32>
    %reduce_sum3A_34 = vector.multi_reduction <add>, %convert_element_type3A_9, %reduce_sum3A [1] : vector<64x1000xf32> to vector<64xf32>
    %broadcast_in_dim3A_35 = vector.shape_cast %reduce_sum3A_34 : vector<64xf32> to vector<64x1xf32>
    %add3A_36 = arith.addf %get3A_33, %broadcast_in_dim3A_35 : vector<64x1xf32>
    %swap3A_37 = arith.constant 0 : index
    %swap3A_38 = arith.constant 0 : index
    %swap3A_39 = vector.load %arg7[%swap3A_37, %swap3A_38] : memref<64x1xf32, #tpu.memory_space<vmem>>, vector<64x1xf32>
    tpu.vector_store %arg7[%swap3A_37, %swap3A_38], %add3A_36 {strides = array<i32>} : memref<64x1xf32, #tpu.memory_space<vmem>>, vector<64x1xf32>,
    %eq3A_40 = arith.constant 9 : i32
    %eq3A_41 = arith.cmpi eq, %arg0, %eq3A_40 : i32
    %convert_element_type3A_42 = arith.extui %eq3A_41 : i1 to i32
    %cond3A_43 = arith.constant 0 : i32
    %cond3A_44 = arith.cmpi ne, %convert_element_type3A_42, %cond3A_43 : i32
    scf.if %cond3A_44 {
      %get3A_45 = arith.constant 0 : index
      %get3A_46 = arith.constant 0 : index
      %get3A_47 = vector.load %arg7[%get3A_45, %get3A_46] : memref<64x1xf32, #tpu.memory_space<vmem>>, vector<64x1xf32>
      %max3A = arith.constant 1.000000e+00 : f32
      %max3A_48 = vector.broadcast %max3A : f32 to vector<64x1xf32>
      %max3A_49 = arith.maximumf %get3A_47, %max3A_48 : vector<64x1xf32>
      %swap3A_50 = arith.constant 0 : index
      %swap3A_51 = arith.constant 0 : index
      %swap3A_52 = vector.load %arg5[%swap3A_50, %swap3A_51] : memref<64x1xf32, #tpu.memory_space<vmem>>, vector<64x1xf32>
      tpu.vector_store %arg5[%swap3A_50, %swap3A_51], %max3A_49 {strides = array<i32>} : memref<64x1xf32, #tpu.memory_space<vmem>>, vector<64x1xf32>,
      %get3A_53 = arith.constant 0 : index
      %get3A_54 = arith.constant 0 : index
      %get3A_55 = vector.load %arg6[%get3A_53, %get3A_54] : memref<64x128xf32, #tpu.memory_space<vmem>>, vector<64x128xf32>
      %div3A = vector.broadcast %max3A_49 : vector<64x1xf32> to vector<64x128xf32>
      %div3A_56 = arith.divf %get3A_55, %div3A : vector<64x128xf32>
      %swap3A_57 = arith.constant 0 : index
      %swap3A_58 = arith.constant 0 : index
      %swap3A_59 = vector.load %arg4[%swap3A_57, %swap3A_58] : memref<64x128xf32, #tpu.memory_space<vmem>>, vector<64x128xf32>
      tpu.vector_store %arg4[%swap3A_57, %swap3A_58], %div3A_56 {strides = array<i32>} : memref<64x128xf32, #tpu.memory_space<vmem>>, vector<64x128xf32>,
    } else {
    }
    return
  }
  func.func @transform_0(%arg0: i32) -> (i32, i32, i32) {
    %c0_i32 = arith.constant 0 : i32
    %c0_i32_0 = arith.constant 0 : i32
    %c0_i32_1 = arith.constant 0 : i32
    return %c0_i32, %arg0, %c0_i32_0 : i32, i32, i32
  }
  func.func @transform_1(%arg0: i32) -> (i32, i32) {
    %c0_i32 = arith.constant 0 : i32
    %c0_i32_0 = arith.constant 0 : i32
    return %arg0, %c0_i32 : i32, i32
  }
  func.func @transform_2(%arg0: i32) -> (i32, i32, i32) {
    %c0_i32 = arith.constant 0 : i32
    %c0_i32_0 = arith.constant 0 : i32
    %c0_i32_1 = arith.constant 0 : i32
    return %arg0, %c0_i32, %c0_i32_0 : i32, i32, i32
  }
  func.func @transform_3(%arg0: i32) -> (i32, i32) {
    %c0_i32 = arith.constant 0 : i32
    %c0_i32_0 = arith.constant 0 : i32
    %c0_i32_1 = arith.constant 0 : i32
    return %c0_i32, %c0_i32_0 : i32, i32
  }
  func.func @transform_4(%arg0: i32) -> (i32, i32) {
    %c0_i32 = arith.constant 0 : i32
    %c0_i32_0 = arith.constant 0 : i32
    %c0_i32_1 = arith.constant 0 : i32
    return %c0_i32, %c0_i32_0 : i32, i32
  }
}

module attributes {stable_mosaic.version = 14 : i64} {
  func.func @_tc_layer1_body(%arg0: i32, %arg1: memref<2x1000x128xf32, #tpu.memory_space<vmem>>, %arg2: memref<1000x128xf32, #tpu.memory_space<vmem>>, %arg3: memref<1x1x1000xi32, #tpu.memory_space<vmem>>, %arg4: memref<64x128xf32, #tpu.memory_space<vmem>>, %arg5: memref<128x128xf32, #tpu.memory_space<vmem>>, %arg6: memref<1000x128xf32, #tpu.memory_space<vmem>>) attributes {dimension_semantics = [#tpu.dimension_semantics<arbitrary>], iteration_bounds = array<i64: 10>, scalar_prefetch = 0 : i64, scratch_operands = 0 : i64, tpu.core_type = #tpu.core_type<tc>, window_params = [{transform_indices = @transform_0, window_bounds = array<i64: 2, 1000, 128>}, {transform_indices = @transform_1, window_bounds = array<i64: 1000, 128>}, {transform_indices = @transform_2, window_bounds = array<i64: 1, 1, 1000>}, {pipeline_mode = #tpu.pipeline_mode<synchronous>, transform_indices = @transform_3, window_bounds = array<i64: 64, 128>}, {pipeline_mode = #tpu.pipeline_mode<synchronous>, transform_indices = @transform_4, window_bounds = array<i64: 128, 128>}, {transform_indices = @transform_5, window_bounds = array<i64: 1000, 128>}]} {
    %get3A = arith.constant 0 : index
    %get3A_0 = arith.constant 0 : index
    %get3A_1 = arith.constant 0 : index
    %get3A_2 = vector.load %arg3[%get3A, %get3A_0, %get3A_1] : memref<1x1x1000xi32, #tpu.memory_space<vmem>>, vector<1x1x1000xi32>
    %get3A_3 = vector.shape_cast %get3A_2 : vector<1x1x1000xi32> to vector<1000xi32>
    %broadcast_in_dim3A = vector.shape_cast %get3A_3 : vector<1000xi32> to vector<1000x1xi32>
    %iota3A = tpu.iota {dimensions = array<i32: 1>} : vector<1000x64xi32>
    %eq3A = vector.broadcast %broadcast_in_dim3A : vector<1000x1xi32> to vector<1000x64xi32>
    %eq3A_4 = arith.cmpi eq, %eq3A, %iota3A : vector<1000x64xi32>
    %convert_element_type3A = arith.extui %eq3A_4 : vector<1000x64xi1> to vector<1000x64xi32>
    %convert_element_type3A_5 = arith.sitofp %convert_element_type3A : vector<1000x64xi32> to vector<1000x64xf32>
    %get3A_6 = arith.constant 0 : index
    %get3A_7 = arith.constant 0 : index
    %get3A_8 = vector.load %arg4[%get3A_6, %get3A_7] : memref<64x128xf32, #tpu.memory_space<vmem>>, vector<64x128xf32>
    %dot_general3A = arith.constant dense<0.000000e+00> : vector<1000x128xf32>
    %dot_general3A_9 = tpu.matmul %convert_element_type3A_5, %get3A_8, %dot_general3A {dimension_numbers = #tpu.dot_dimension_numbers<[1], [0], [0], [1], [0, 0, 1, 1], [], []>, transpose_lhs_hint = false} : vector<1000x64xf32>, vector<64x128xf32>, vector<1000x128xf32> -> vector<1000x128xf32>
    %get3A_10 = arith.constant 0 : index
    %get3A_11 = arith.constant 0 : index
    %get3A_12 = arith.constant 0 : index
    %get3A_13 = vector.load %arg1[%get3A_10, %get3A_11, %get3A_12] : memref<2x1000x128xf32, #tpu.memory_space<vmem>>, vector<1x1000x128xf32>
    %get3A_14 = vector.shape_cast %get3A_13 : vector<1x1000x128xf32> to vector<1000x128xf32>
    %get3A_15 = arith.constant 1 : index
    %get3A_16 = arith.constant 0 : index
    %get3A_17 = arith.constant 0 : index
    %get3A_18 = vector.load %arg1[%get3A_15, %get3A_16, %get3A_17] : memref<2x1000x128xf32, #tpu.memory_space<vmem>>, vector<1x1000x128xf32>
    %get3A_19 = vector.shape_cast %get3A_18 : vector<1x1000x128xf32> to vector<1000x128xf32>
    %add3A = arith.addf %get3A_14, %get3A_19 : vector<1000x128xf32>
    %get3A_20 = arith.constant 0 : index
    %get3A_21 = arith.constant 0 : index
    %get3A_22 = vector.load %arg2[%get3A_20, %get3A_21] : memref<1000x128xf32, #tpu.memory_space<vmem>>, vector<1000x128xf32>
    %add3A_23 = arith.addf %add3A, %get3A_22 : vector<1000x128xf32>
    %add3A_24 = arith.addf %add3A_23, %dot_general3A_9 : vector<1000x128xf32>
    %get3A_25 = arith.constant 0 : index
    %get3A_26 = arith.constant 0 : index
    %get3A_27 = vector.load %arg5[%get3A_25, %get3A_26] : memref<128x128xf32, #tpu.memory_space<vmem>>, vector<128x128xf32>
    %dot_general3A_28 = arith.constant dense<0.000000e+00> : vector<1000x128xf32>
    %dot_general3A_29 = tpu.matmul %add3A_24, %get3A_27, %dot_general3A_28 {dimension_numbers = #tpu.dot_dimension_numbers<[1], [0], [0], [1], [0, 0, 1, 1], [], []>, transpose_lhs_hint = false} : vector<1000x128xf32>, vector<128x128xf32>, vector<1000x128xf32> -> vector<1000x128xf32>
    %max3A = arith.constant 0.000000e+00 : f32
    %max3A_30 = vector.broadcast %max3A : f32 to vector<1000x128xf32>
    %max3A_31 = arith.maximumf %dot_general3A_29, %max3A_30 : vector<1000x128xf32>
    %get3A_32 = arith.constant 0 : index
    %get3A_33 = arith.constant 0 : index
    %get3A_34 = vector.load %arg2[%get3A_32, %get3A_33] : memref<1000x128xf32, #tpu.memory_space<vmem>>, vector<1000x128xf32>
    %add3A_35 = arith.addf %max3A_31, %get3A_34 : vector<1000x128xf32>
    %swap3A = arith.constant 0 : index
    %swap3A_36 = arith.constant 0 : index
    %swap3A_37 = vector.load %arg6[%swap3A, %swap3A_36] : memref<1000x128xf32, #tpu.memory_space<vmem>>, vector<1000x128xf32>
    tpu.vector_store %arg6[%swap3A, %swap3A_36], %add3A_35 {strides = array<i32>} : memref<1000x128xf32, #tpu.memory_space<vmem>>, vector<1000x128xf32>,
    return
  }
  func.func @transform_0(%arg0: i32) -> (i32, i32, i32) {
    %c0_i32 = arith.constant 0 : i32
    %c0_i32_0 = arith.constant 0 : i32
    %c0_i32_1 = arith.constant 0 : i32
    return %c0_i32, %arg0, %c0_i32_0 : i32, i32, i32
  }
  func.func @transform_1(%arg0: i32) -> (i32, i32) {
    %c0_i32 = arith.constant 0 : i32
    %c0_i32_0 = arith.constant 0 : i32
    return %arg0, %c0_i32 : i32, i32
  }
  func.func @transform_2(%arg0: i32) -> (i32, i32, i32) {
    %c0_i32 = arith.constant 0 : i32
    %c0_i32_0 = arith.constant 0 : i32
    %c0_i32_1 = arith.constant 0 : i32
    return %arg0, %c0_i32, %c0_i32_0 : i32, i32, i32
  }
  func.func @transform_3(%arg0: i32) -> (i32, i32) {
    %c0_i32 = arith.constant 0 : i32
    %c0_i32_0 = arith.constant 0 : i32
    %c0_i32_1 = arith.constant 0 : i32
    return %c0_i32, %c0_i32_0 : i32, i32
  }
  func.func @transform_4(%arg0: i32) -> (i32, i32) {
    %c0_i32 = arith.constant 0 : i32
    %c0_i32_0 = arith.constant 0 : i32
    %c0_i32_1 = arith.constant 0 : i32
    return %c0_i32, %c0_i32_0 : i32, i32
  }
  func.func @transform_5(%arg0: i32) -> (i32, i32) {
    %c0_i32 = arith.constant 0 : i32
    %c0_i32_0 = arith.constant 0 : i32
    return %arg0, %c0_i32 : i32, i32
  }
}

module attributes {stable_mosaic.version = 14 : i64} {
  func.func @_tc_layer2_body(%arg0: i32, %arg1: memref<2x1000x128xf32, #tpu.memory_space<vmem>>, %arg2: memref<1000x128xf32, #tpu.memory_space<vmem>>, %arg3: memref<1x1x1000xi32, #tpu.memory_space<vmem>>, %arg4: memref<64x1xf32, #tpu.memory_space<vmem>>, %arg5: memref<128x128xf32, #tpu.memory_space<vmem>>, %arg6: memref<1x128xf32, #tpu.memory_space<vmem>>, %arg7: memref<128x128xf32, #tpu.memory_space<vmem>>, %arg8: memref<1x128xf32, #tpu.memory_space<vmem>>, %arg9: memref<128x128xf32, #tpu.memory_space<vmem>>, %arg10: memref<1x128xf32, #tpu.memory_space<vmem>>, %arg11: memref<64x128xf32, #tpu.memory_space<vmem>>, %arg12: memref<64x128xf32, #tpu.memory_space<vmem>>) attributes {dimension_semantics = [#tpu.dimension_semantics<arbitrary>], iteration_bounds = array<i64: 10>, scalar_prefetch = 0 : i64, scratch_operands = 1 : i64, tpu.core_type = #tpu.core_type<tc>, window_params = [{transform_indices = @transform_0, window_bounds = array<i64: 2, 1000, 128>}, {transform_indices = @transform_1, window_bounds = array<i64: 1000, 128>}, {transform_indices = @transform_2, window_bounds = array<i64: 1, 1, 1000>}, {pipeline_mode = #tpu.pipeline_mode<synchronous>, transform_indices = @transform_3, window_bounds = array<i64: 64, 1>}, {pipeline_mode = #tpu.pipeline_mode<synchronous>, transform_indices = @transform_4, window_bounds = array<i64: 128, 128>}, {pipeline_mode = #tpu.pipeline_mode<synchronous>, transform_indices = @transform_5, window_bounds = array<i64: 1, 128>}, {pipeline_mode = #tpu.pipeline_mode<synchronous>, transform_indices = @transform_6, window_bounds = array<i64: 128, 128>}, {pipeline_mode = #tpu.pipeline_mode<synchronous>, transform_indices = @transform_7, window_bounds = array<i64: 1, 128>}, {pipeline_mode = #tpu.pipeline_mode<synchronous>, transform_indices = @transform_8, window_bounds = array<i64: 128, 128>}, {pipeline_mode = #tpu.pipeline_mode<synchronous>, transform_indices = @transform_9, window_bounds = array<i64: 1, 128>}, {pipeline_mode = #tpu.pipeline_mode<synchronous>, transform_indices = @transform_10, window_bounds = array<i64: 64, 128>}]} {
    %eq3A = arith.constant 0 : i32
    %eq3A_0 = arith.cmpi eq, %arg0, %eq3A : i32
    %convert_element_type3A = arith.extui %eq3A_0 : i1 to i32
    %cond3A = arith.constant 0 : i32
    %cond3A_1 = arith.cmpi ne, %convert_element_type3A, %cond3A : i32
    scf.if %cond3A_1 {
      %broadcast_in_dim3A_58 = arith.constant 0.000000e+00 : f32
      %broadcast_in_dim3A_59 = vector.broadcast %broadcast_in_dim3A_58 : f32 to vector<64x128xf32>
      %swap3A_60 = arith.constant 0 : index
      %swap3A_61 = arith.constant 0 : index
      %swap3A_62 = vector.load %arg12[%swap3A_60, %swap3A_61] : memref<64x128xf32, #tpu.memory_space<vmem>>, vector<64x128xf32>
      tpu.vector_store %arg12[%swap3A_60, %swap3A_61], %broadcast_in_dim3A_59 {strides = array<i32>} : memref<64x128xf32, #tpu.memory_space<vmem>>, vector<64x128xf32>,
    } else {
    }
    %get3A = arith.constant 0 : index
    %get3A_2 = arith.constant 0 : index
    %get3A_3 = arith.constant 0 : index
    %get3A_4 = vector.load %arg1[%get3A, %get3A_2, %get3A_3] : memref<2x1000x128xf32, #tpu.memory_space<vmem>>, vector<1x1000x128xf32>
    %get3A_5 = vector.shape_cast %get3A_4 : vector<1x1000x128xf32> to vector<1000x128xf32>
    %get3A_6 = arith.constant 1 : index
    %get3A_7 = arith.constant 0 : index
    %get3A_8 = arith.constant 0 : index
    %get3A_9 = vector.load %arg1[%get3A_6, %get3A_7, %get3A_8] : memref<2x1000x128xf32, #tpu.memory_space<vmem>>, vector<1x1000x128xf32>
    %get3A_10 = vector.shape_cast %get3A_9 : vector<1x1000x128xf32> to vector<1000x128xf32>
    %add3A = arith.addf %get3A_5, %get3A_10 : vector<1000x128xf32>
    %get3A_11 = arith.constant 0 : index
    %get3A_12 = arith.constant 0 : index
    %get3A_13 = vector.load %arg5[%get3A_11, %get3A_12] : memref<128x128xf32, #tpu.memory_space<vmem>>, vector<128x128xf32>
    %dot_general3A = arith.constant dense<0.000000e+00> : vector<1000x128xf32>
    %dot_general3A_14 = tpu.matmul %add3A, %get3A_13, %dot_general3A {dimension_numbers = #tpu.dot_dimension_numbers<[1], [0], [0], [1], [0, 0, 1, 1], [], []>, transpose_lhs_hint = false} : vector<1000x128xf32>, vector<128x128xf32>, vector<1000x128xf32> -> vector<1000x128xf32>
    %get3A_15 = arith.constant 0 : index
    %get3A_16 = arith.constant 0 : index
    %get3A_17 = vector.load %arg6[%get3A_15, %get3A_16] : memref<1x128xf32, #tpu.memory_space<vmem>>, vector<1x128xf32>
    %add3A_18 = vector.broadcast %get3A_17 : vector<1x128xf32> to vector<1000x128xf32>
    %add3A_19 = arith.addf %dot_general3A_14, %add3A_18 : vector<1000x128xf32>
    %max3A = arith.constant 0.000000e+00 : f32
    %max3A_20 = vector.broadcast %max3A : f32 to vector<1000x128xf32>
    %max3A_21 = arith.maximumf %add3A_19, %max3A_20 : vector<1000x128xf32>
    %get3A_22 = arith.constant 0 : index
    %get3A_23 = arith.constant 0 : index
    %get3A_24 = vector.load %arg7[%get3A_22, %get3A_23] : memref<128x128xf32, #tpu.memory_space<vmem>>, vector<128x128xf32>
    %dot_general3A_25 = arith.constant dense<0.000000e+00> : vector<1000x128xf32>
    %dot_general3A_26 = tpu.matmul %max3A_21, %get3A_24, %dot_general3A_25 {dimension_numbers = #tpu.dot_dimension_numbers<[1], [0], [0], [1], [0, 0, 1, 1], [], []>, transpose_lhs_hint = false} : vector<1000x128xf32>, vector<128x128xf32>, vector<1000x128xf32> -> vector<1000x128xf32>
    %get3A_27 = arith.constant 0 : index
    %get3A_28 = arith.constant 0 : index
    %get3A_29 = vector.load %arg8[%get3A_27, %get3A_28] : memref<1x128xf32, #tpu.memory_space<vmem>>, vector<1x128xf32>
    %add3A_30 = vector.broadcast %get3A_29 : vector<1x128xf32> to vector<1000x128xf32>
    %add3A_31 = arith.addf %dot_general3A_26, %add3A_30 : vector<1000x128xf32>
    %get3A_32 = arith.constant 0 : index
    %get3A_33 = arith.constant 0 : index
    %get3A_34 = vector.load %arg2[%get3A_32, %get3A_33] : memref<1000x128xf32, #tpu.memory_space<vmem>>, vector<1000x128xf32>
    %add3A_35 = arith.addf %add3A_31, %get3A_34 : vector<1000x128xf32>
    %get3A_36 = arith.constant 0 : index
    %get3A_37 = arith.constant 0 : index
    %get3A_38 = arith.constant 0 : index
    %get3A_39 = vector.load %arg3[%get3A_36, %get3A_37, %get3A_38] : memref<1x1x1000xi32, #tpu.memory_space<vmem>>, vector<1x1x1000xi32>
    %get3A_40 = vector.shape_cast %get3A_39 : vector<1x1x1000xi32> to vector<1000xi32>
    %iota3A = tpu.iota {dimensions = array<i32: 0>} : vector<64x1000xi32>
    %broadcast_in_dim3A = vector.shape_cast %get3A_40 : vector<1000xi32> to vector<1x1000xi32>
    %eq3A_41 = vector.broadcast %broadcast_in_dim3A : vector<1x1000xi32> to vector<64x1000xi32>
    %eq3A_42 = arith.cmpi eq, %iota3A, %eq3A_41 : vector<64x1000xi32>
    %convert_element_type3A_43 = arith.extui %eq3A_42 : vector<64x1000xi1> to vector<64x1000xi32>
    %convert_element_type3A_44 = arith.sitofp %convert_element_type3A_43 : vector<64x1000xi32> to vector<64x1000xf32>
    %get3A_45 = arith.constant 0 : index
    %get3A_46 = arith.constant 0 : index
    %get3A_47 = vector.load %arg12[%get3A_45, %get3A_46] : memref<64x128xf32, #tpu.memory_space<vmem>>, vector<64x128xf32>
    %dot_general3A_48 = arith.constant dense<0.000000e+00> : vector<64x128xf32>
    %dot_general3A_49 = tpu.matmul %convert_element_type3A_44, %add3A_35, %dot_general3A_48 {dimension_numbers = #tpu.dot_dimension_numbers<[1], [0], [0], [1], [0, 0, 1, 1], [], []>, transpose_lhs_hint = false} : vector<64x1000xf32>, vector<1000x128xf32>, vector<64x128xf32> -> vector<64x128xf32>
    %add3A_50 = arith.addf %get3A_47, %dot_general3A_49 : vector<64x128xf32>
    %swap3A = arith.constant 0 : index
    %swap3A_51 = arith.constant 0 : index
    %swap3A_52 = vector.load %arg12[%swap3A, %swap3A_51] : memref<64x128xf32, #tpu.memory_space<vmem>>, vector<64x128xf32>
    tpu.vector_store %arg12[%swap3A, %swap3A_51], %add3A_50 {strides = array<i32>} : memref<64x128xf32, #tpu.memory_space<vmem>>, vector<64x128xf32>,
    %eq3A_53 = arith.constant 9 : i32
    %eq3A_54 = arith.cmpi eq, %arg0, %eq3A_53 : i32
    %convert_element_type3A_55 = arith.extui %eq3A_54 : i1 to i32
    %cond3A_56 = arith.constant 0 : i32
    %cond3A_57 = arith.cmpi ne, %convert_element_type3A_55, %cond3A_56 : i32
    scf.if %cond3A_57 {
      %get3A_58 = arith.constant 0 : index
      %get3A_59 = arith.constant 0 : index
      %get3A_60 = vector.load %arg12[%get3A_58, %get3A_59] : memref<64x128xf32, #tpu.memory_space<vmem>>, vector<64x128xf32>
      %get3A_61 = arith.constant 0 : index
      %get3A_62 = arith.constant 0 : index
      %get3A_63 = vector.load %arg4[%get3A_61, %get3A_62] : memref<64x1xf32, #tpu.memory_space<vmem>>, vector<64x1xf32>
      %div3A = vector.broadcast %get3A_63 : vector<64x1xf32> to vector<64x128xf32>
      %div3A_64 = arith.divf %get3A_60, %div3A : vector<64x128xf32>
      %get3A_65 = arith.constant 0 : index
      %get3A_66 = arith.constant 0 : index
      %get3A_67 = vector.load %arg9[%get3A_65, %get3A_66] : memref<128x128xf32, #tpu.memory_space<vmem>>, vector<128x128xf32>
      %dot_general3A_68 = arith.constant dense<0.000000e+00> : vector<64x128xf32>
      %dot_general3A_69 = tpu.matmul %div3A_64, %get3A_67, %dot_general3A_68 {dimension_numbers = #tpu.dot_dimension_numbers<[1], [0], [0], [1], [0, 0, 1, 1], [], []>, transpose_lhs_hint = false} : vector<64x128xf32>, vector<128x128xf32>, vector<64x128xf32> -> vector<64x128xf32>
      %get3A_70 = arith.constant 0 : index
      %get3A_71 = arith.constant 0 : index
      %get3A_72 = vector.load %arg10[%get3A_70, %get3A_71] : memref<1x128xf32, #tpu.memory_space<vmem>>, vector<1x128xf32>
      %add3A_73 = vector.broadcast %get3A_72 : vector<1x128xf32> to vector<64x128xf32>
      %add3A_74 = arith.addf %dot_general3A_69, %add3A_73 : vector<64x128xf32>
      %swap3A_75 = arith.constant 0 : index
      %swap3A_76 = arith.constant 0 : index
      %swap3A_77 = vector.load %arg11[%swap3A_75, %swap3A_76] : memref<64x128xf32, #tpu.memory_space<vmem>>, vector<64x128xf32>
      tpu.vector_store %arg11[%swap3A_75, %swap3A_76], %add3A_74 {strides = array<i32>} : memref<64x128xf32, #tpu.memory_space<vmem>>, vector<64x128xf32>,
    } else {
    }
    return
  }
  func.func @transform_0(%arg0: i32) -> (i32, i32, i32) {
    %c0_i32 = arith.constant 0 : i32
    %c0_i32_0 = arith.constant 0 : i32
    %c0_i32_1 = arith.constant 0 : i32
    return %c0_i32, %arg0, %c0_i32_0 : i32, i32, i32
  }
  func.func @transform_1(%arg0: i32) -> (i32, i32) {
    %c0_i32 = arith.constant 0 : i32
    %c0_i32_0 = arith.constant 0 : i32
    return %arg0, %c0_i32 : i32, i32
  }
  func.func @transform_2(%arg0: i32) -> (i32, i32, i32) {
    %c0_i32 = arith.constant 0 : i32
    %c0_i32_0 = arith.constant 0 : i32
    %c0_i32_1 = arith.constant 0 : i32
    return %arg0, %c0_i32, %c0_i32_0 : i32, i32, i32
  }
  func.func @transform_3(%arg0: i32) -> (i32, i32) {
    %c0_i32 = arith.constant 0 : i32
    %c0_i32_0 = arith.constant 0 : i32
    %c0_i32_1 = arith.constant 0 : i32
    return %c0_i32, %c0_i32_0 : i32, i32
  }
  func.func @transform_4(%arg0: i32) -> (i32, i32) {
    %c0_i32 = arith.constant 0 : i32
    %c0_i32_0 = arith.constant 0 : i32
    %c0_i32_1 = arith.constant 0 : i32
    return %c0_i32, %c0_i32_0 : i32, i32
  }
  func.func @transform_5(%arg0: i32) -> (i32, i32) {
    %c0_i32 = arith.constant 0 : i32
    %c0_i32_0 = arith.constant 0 : i32
    %c0_i32_1 = arith.constant 0 : i32
    return %c0_i32, %c0_i32_0 : i32, i32
  }
  func.func @transform_6(%arg0: i32) -> (i32, i32) {
    %c0_i32 = arith.constant 0 : i32
    %c0_i32_0 = arith.constant 0 : i32
    %c0_i32_1 = arith.constant 0 : i32
    return %c0_i32, %c0_i32_0 : i32, i32
  }
  func.func @transform_7(%arg0: i32) -> (i32, i32) {
    %c0_i32 = arith.constant 0 : i32
    %c0_i32_0 = arith.constant 0 : i32
    %c0_i32_1 = arith.constant 0 : i32
    return %c0_i32, %c0_i32_0 : i32, i32
  }
  func.func @transform_8(%arg0: i32) -> (i32, i32) {
    %c0_i32 = arith.constant 0 : i32
    %c0_i32_0 = arith.constant 0 : i32
    %c0_i32_1 = arith.constant 0 : i32
    return %c0_i32, %c0_i32_0 : i32, i32
  }
  func.func @transform_9(%arg0: i32) -> (i32, i32) {
    %c0_i32 = arith.constant 0 : i32
    %c0_i32_0 = arith.constant 0 : i32
    %c0_i32_1 = arith.constant 0 : i32
    return %c0_i32, %c0_i32_0 : i32, i32
  }
  func.func @transform_10(%arg0: i32) -> (i32, i32) {
    %c0_i32 = arith.constant 0 : i32
    %c0_i32_0 = arith.constant 0 : i32
    %c0_i32_1 = arith.constant 0 : i32
    return %c0_i32, %c0_i32_0 : i32, i32
  }
}

</mosaic_0001>

<sc_bundles>
// kernel: kernel.11.cloned.1.call-start
scs
__scs_entry_jumppad:
0x0: {  	(pc) =	sbr.rel $0x88, $3  }
0x1: {  	(tag) =	ssettag $0x0;
	lr =	simm.s32 $0x1  }
0x2: {  	[smem:$0x3F94] =	sst lr;
	_ =	strace $0xD0000000  }
0x3: {  	_ = 	snop  }
0x4: {  	_ = 	snop  }
0x5: {  	_ = 	snop  }
0x6: {  	_ = 	snop  }
0x7: {  	_ = 	snop  }
__scs_overlays_trampoline_lowered:
0x8: {  	[smem:$0x3FA3] =	sst s0  }
0x9: {  	[smem:$0x3FA4] =	sst s1  }
0xa: {  	[smem:$0x3FA5] =	sst s2  }
0xb: {  	[smem:$0x3FA6] =	sst s3  }
0xc: {  	[smem:$0x3FA7] =	sst s4  }
0xd: {  	[smem:$0x3FA8] =	sst s5  }
0xe: {  	[smem:$0x3FA9] =	sst s6  }
0xf: {  	[smem:$0x3FAA] =	sst s7  }
0x10: {  	[smem:$0x3FAB] =	sst s8  }
0x11: {  	[smem:$0x3FAC] =	sst s9;
	s0 =	simm.s32 @!p0 $0x0  }
0x12: {  	s1 =	sld [smem:$0x3F92];
	s0 =	simm.s32 @p0 $0x1  }
0x13: {  	[smem:$0x3FAD] =	sst s0;
	s0 =	simm.s32 @!p1 $0x0  }
0x14: {  	s2 =	sld [smem:$0x3F91];
	s0 =	simm.s32 @p1 $0x1  }
0x15: {  	[smem:$0x3FAE] =	sst s0;
	s0 =	simm.s32 @!p2 $0x0  }
0x16: {  	s3 =	sld [smem:$0x3FDB];
	s0 =	simm.s32 @p2 $0x1  }
0x17: {  	s4 =	simm.s32 $0x1BF5;
	[smem:$0x3FB0] =	sst s0  }
0x18: {  	s0 =	sld [smem:$0x3F93];
	_ =	swait.ge [sflag:s4], $0x0  }
0x19: {  	s7 =	sld [smem:$0x3F94]  }
0x1a: {  	s8 =	sadd.s32 $0xFFFFE003, lr  }
0x1b: {  	s9 =	sadd.s32 $0xFFFFFEF7, lr;
	s5 =	simm.s32 $0xFFFFFFFF;
	p2 =	slt.u32 s8, $0xFFFFF086  }
0x1c: {  	p1 =	slt.u32 s9, $0xF7A;
	s5 =	simm.s32 @!p2 $0x0  }
0x1d: {  	s5 =	simm.s32 @p1 $0x1;
	p0 =	seq.s32 s7, s2  }
0x1e: {  	s7 =	smul.u32 @!p0 $0xF7A, s2;
	p2 =	seq.s32 @!p0 s5, $0x0  }
0x1f: {  	s9 =	smul.u32 $0xF7A, s1;
	s8 =	simm.s32 @!p0 $0x1BF5;
	p2 =	por !p2, p0  }
0x20: {  	[sflag:s8] =	ssyncset.s32 @!p0 $0xFFFFF086;
	s6 =	sadd.s32 @!p0 s3, s7;
	s7 =	simm.s32 @!p0 $0x108  }
0x21: {  	s3 =	sadd.s32 s3, s9;
	s6 =	sadd.s32 @!p0 $0x88, s6;
	s7 =	simm.s32 @p2 $0x1082  }
0x22: {  	[simem:s7], [sflag:s8] =	dma.local @!p0 [hbm:s6], $0xF7A  }
0x23: {  	s9 =	sor.u32 $0xD0000000, s2;
	s6 =	simm.s32 $0x108;
	_ =	swait.ge @!p0 [sflag:s8], $0x0  }
0x24: {  	s3 =	sadd.s32 $0x88, s3;
	s6 =	simm.s32 @!p1 $0x1082;
	[sflag:s4] =	ssyncset.s32 $0xFFFFF086  }
0x25: {  	[simem:s6], [sflag:s4] =	dma.local [hbm:s3], $0xF7A  }
0x26: {  	[smem:$0x3F94] =	sst s1;
	(tag) =	ssettag s2;
	_ =	strace s9  }
0x27: {  	s1 =	sld [smem:$0x3FA4]  }
0x28: {  	s2 =	sld [smem:$0x3FA5]  }
0x29: {  	s4 =	sld [smem:$0x3FA7]  }
0x2a: {  	p0 =	seq.s32 s5, $0x0;
	s5 =	sld [smem:$0x3FA8]  }
0x2b: {  	s6 =	sld [smem:$0x3FA9]  }
0x2c: {  	s7 =	sld [smem:$0x3FAA]  }
0x2d: {  	s3 =	simm.s32 $0x108;
	s8 =	sld [smem:$0x3FAB]  }
0x2e: {  	s3 =	simm.s32 @!p0 $0x1082;
	s9 =	sld [smem:$0x3FAC]  }
0x2f: {  	lr =	sadd.s32 s0, s3;
	s0 =	sld [smem:$0x3FA3]  }
0x30: {  	s3 =	sld [smem:$0x3FA6]  }
0x31: {  	[smem:$0x3FAF] =	sst s10  }
0x32: {  	s10 =	sld [smem:$0x3FAD];
	_ =	sdelay $0x3  }
0x33: {  	p0 =	seq.s32 s10, $0x1;
	s10 =	sld [smem:$0x3FAF];
	_ =	sdelay $0x3  }
0x34: {  	[smem:$0x3FAF] =	sst s10  }
0x35: {  	s10 =	sld [smem:$0x3FAE];
	_ =	sdelay $0x3  }
0x36: {  	p1 =	seq.s32 s10, $0x1;
	s10 =	sld [smem:$0x3FAF];
	_ =	sdelay $0x3  }
0x37: {  	[smem:$0x3FAF] =	sst s10  }
0x38: {  	s10 =	sld [smem:$0x3FB0]  }
0x39: {  	_ = 	snop;
	(pc) =	sbr.ind lr, $3  }
0x3a: {  	_ = 	snop  }
0x3b: {  	_ = 	snop  }
0x3c: {  	p2 =	seq.s32 s10, $0x1;
	s10 =	sld [smem:$0x3FAF]  }
0x3d: {  	_ =	shalt  }
0x3e: {  	_ =	shalt  }
0x3f: {  	_ =	shalt  }
0x40: {  	_ =	shalt  }
0x41: {  	_ =	shalt  }
0x42: {  	_ =	shalt  }
0x43: {  	_ =	shalt  }
0x44: {  	_ =	shalt  }
0x45: {  	_ =	shalt  }
0x46: {  	_ =	shalt  }
0x47: {  	_ =	shalt  }
0x48: {  	_ =	shalt  }
0x49: {  	_ =	shalt  }
0x4a: {  	_ =	shalt  }
0x4b: {  	_ =	shalt  }
0x4c: {  	_ =	shalt  }
0x4d: {  	_ =	shalt  }
0x4e: {  	_ =	shalt  }
0x4f: {  	_ =	shalt  }
0x50: {  	_ =	shalt  }
0x51: {  	_ =	shalt  }
0x52: {  	_ =	shalt  }
0x53: {  	_ =	shalt  }
0x54: {  	_ =	shalt  }
0x55: {  	_ =	shalt  }
0x56: {  	_ =	shalt  }
0x57: {  	_ =	shalt  }
0x58: {  	_ =	shalt  }
0x59: {  	_ =	shalt  }
0x5a: {  	_ =	shalt  }
0x5b: {  	_ =	shalt  }
0x5c: {  	_ =	shalt  }
0x5d: {  	_ =	shalt  }
0x5e: {  	_ =	shalt  }
0x5f: {  	_ =	shalt  }
0x60: {  	_ =	shalt  }
0x61: {  	_ =	shalt  }
0x62: {  	_ =	shalt  }
0x63: {  	_ =	shalt  }
0x64: {  	_ =	shalt  }
0x65: {  	_ =	shalt  }
0x66: {  	_ =	shalt  }
0x67: {  	_ =	shalt  }
0x68: {  	_ =	shalt  }
0x69: {  	_ =	shalt  }
0x6a: {  	_ =	shalt  }
0x6b: {  	_ =	shalt  }
0x6c: {  	_ =	shalt  }
0x6d: {  	_ =	shalt  }
0x6e: {  	_ =	shalt  }
0x6f: {  	_ =	shalt  }
0x70: {  	_ =	shalt  }
0x71: {  	_ =	shalt  }
0x72: {  	_ =	shalt  }
0x73: {  	_ =	shalt  }
0x74: {  	_ =	shalt  }
0x75: {  	_ =	shalt  }
0x76: {  	_ =	shalt  }
0x77: {  	_ =	shalt  }
0x78: {  	_ =	shalt  }
0x79: {  	_ =	shalt  }
0x7a: {  	_ =	shalt  }
0x7b: {  	_ =	shalt  }
0x7c: {  	_ =	shalt  }
0x7d: {  	_ =	shalt  }
0x7e: {  	_ =	shalt  }
0x7f: {  	_ =	shalt  }
0x80: {  	_ =	shalt  }
0x81: {  	_ =	shalt  }
0x82: {  	_ =	shalt  }
0x83: {  	_ =	shalt  }
0x84: {  	_ =	shalt  }
0x85: {  	_ =	shalt  }
0x86: {  	_ =	shalt  }
0x87: {  	_ =	shalt  }
.Lfunc_end0:
.L_simem_size_0:
called_computation.1_lowered:
.L_overlay_start_0:
0x88: {  	s2 =	sld [smem:$0x3FD9]  }
0x89: {  	s3 =	sld [smem:$0x3FFE];
	_ =	sdelay $0x1  }
0x8a: {  	s1 =	srdreg.scid  }
0x8b: {  	s0 =	sand.u32 $0x1, s1  }
0x8c: {  	s16 =	sshll.u32 s0, $0xA;
	s2 =	sadd.s32 s3, s2  }
0x8d: {  	s2 =	sadd.s32 s2, s16  }
0x8e: {  	[smem:$0x3FBB] =	sst s2  }
0x8f: {  	_ = 	snop  }
0x90: {  	(tm) =	ssettm $0x1  }
0x91: {  	s17 =	sld [smem:$0x3FFB];
	_ =	sdelay $0x3  }
0x92: {  	_ =	strace s17  }
0x93: {  	s2 =	sld [smem:$0x3FFC];
	_ =	sdelay $0x3  }
0x94: {  	_ =	strace s2  }
0x95: {  	s2 =	sld [smem:$0x3FFD];
	_ =	sdelay $0x3  }
0x96: {  	_ =	strace s2  }
0x97: {  	_ =	strace $0x8FFFFFFF  }
0x98: {  	s18 =	sld [smem:$0x3FDB];
	_ =	sdelay $0x1  }
0x99: {  	s19 =	simm.s32 $_scs_section_size  }
0x9a: {  	s4 =	simm.s32 $_size__tile_overlayer_lowered;
	s5 =	simm.s32 $_tile_overlayer_lowered  }
0x9b: {  	s22 =	simm.s32 $0x1BFF;
	s21 =	sshll.u32 s5, $0x1;
	s2 =	sadd.s32 s19, s18  }
0x9c: {  	s6 =	simm.s32 $0x0;
	s20 =	sshll.u32 s4, $0x1;
	s4 =	sadd.s32 s21, s2  }
0x9d: {  	[timem:s6], [sflag:s22] =	dma.local [hbm:s4], s20  }
0x9e: {  	_ =	swait.ge [sflag:s22], s20  }
0x9f: {  	s3 =	ssub.s32 $0x0, s20;
	[sflag:s22] =	ssyncset.done $0x0  }
0xa0: {  	[sflag:s22] =	ssyncadd.s32 s3;
	_ =	sdelay $0x1  }
0xa1: {  	s23 =	simm.s32 $0x1B8B  }
0xa2: {  	_ =	swait.ge [sflag:s23], $0x1  }
0xa3: {  	[sflag:s23] =	ssyncset.done $0x0  }
0xa4: {  	s25 =	simm.s32 $0x1B8E;
	s24 =	sld [smem:$0x3FFE];
	[sflag:s23] =	ssyncadd.s32 $0xFFFFFFFF  }
0xa5: {  	s26 =	simm.s32 $execute0_lowered;
	[smem:$0x3FD2] =	sst s25  }
0xa6: {  	s4 =	sshll.u32 s26, $0x1;
	_ =	strace $0x80000049;
	[dreg:$0x1] =	wrdreg $0xFFFFFFFF  }
0xa7: {  	s28 =	simm.s32 $_size_execute0_lowered;
	s2 =	sadd.s32 s2, s4;
	[dreg:$0x0] =	wrdreg $0x0  }
0xa8: {  	s4 =	sshll.u32 s28, $0x1;
	[dreg:$0x2] =	wrdreg s2  }
0xa9: {  	[dreg:$0x3] =	wrdreg s4  }
0xaa: {  	[dreg:$0x4] =	wrdreg $0xC0  }
0xab: {  	_ =	task [dreg:s6], $0x5FFFF  }
0xac: {  	[dreg:$0x1] =	wrdreg $0xFFFFFFFF  }
0xad: {  	[dreg:$0x0] =	wrdreg $0x60  }
0xae: {  	[dreg:$0x2] =	wrdreg s24  }
0xaf: {  	[dreg:$0x3] =	wrdreg $0xC3000  }
0xb0: {  	[dreg:$0x4] =	wrdreg $0x9  }
0xb1: {  	_ =	task.clear_ibuf [dreg:s6], $0x5FFFF;
	_ =	strace $0x90000049  }
0xb2: {  	s29 =	simm.s32 $0x9;
	_ =	strace $0x8000004B  }
0xb3: {  	_ =	swait.ge [sflag:s29], $0x1  }
0xb4: {  	[sflag:s29] =	ssyncadd.s32 $0xFFFFFFFF  }
0xb5: {  	_ =	strace $0x9000004B  }
0xb6: {  	_ =	sfence  }
0xb7: {  	s30 =	sld [smem:$0x0];
	_ =	sdelay $0x2  }
0xb8: {  	s31 =	sshll.u32 s1, $0xD;
	s1 =	sshrl.u32 s1, $0x2  }
0xb9: {  	s3 =	sand.u32 $0x4000, s31;
	s1 =	sadd.s32 s1, s30  }
0xba: {  	s0 =	sor.u32 s3, s0;
	s1 =	sshll.u32 s1, $0x11  }
0xbb: {  	s0 =	sor.u32 s1, s0  }
0xbc: {  	s0 =	sadd.s32 $0x8F2B, s0  }
0xbd: {  	[sflag:s0] =	ssyncadd.remote.s32 $0x1  }
0xbe: {  	_ =	sfence.sel $0xFFFF  }
0xbf: {  	[dreg:$0x0] =	wrdreg $0xFFFFFFFF;
	(pc) =	sbr.abs _section_cstart, $3  }
0xc0: {  	[dreg:$0x1] =	wrdreg $0xFFFFFFFF  }
0xc1: {  	_ =	task.clear_ibuf [dreg:s6], $0x2FFFF;
	_ =	strace $0x9FFFFFFF  }
0xc2: {  	(tm) =	ssettm $0x7FFFFFFF  }
0xc3: {  	_ =	shalt  }
tec
execute0_lowered:
.L_overlay_start_1:
0x0: {  	(tag) =	ssettag $0x1  }
0x1: {  	s0 =	rddreg [dreg:$0x0]  }
0x2: {  	s1 =	rddreg [dreg:$0x1]  }
0x3: {  	s3 =	simm.s32 $0x0;
	s2 =	srdreg.scid;
	s17 =	stileid.u32  }
0x4: {  	s30 =	simm.s32 $0x100;
	s29 =	simm.s32 $0x40;
	s31 =	simm.s32 $0x1  }
0x5: {  	s28 =	simm.s32 $0x2300;
	[smem:$0x7FF] =	sst s3;
	s2 =	sand.u32 $0x1, s2  }
0x6: {  	s8 =	smul.u32 $0x13C00, s17;
	s4 =	sadd.s32 $0x2EC00, s0;
	s5 =	sadd.s32 $0x18400, s0  }
0x7: {  	s6 =	sadd.s32 $0x4400, s0;
	s10 =	sadd.s32 $0x7E200, s0;
	s23 =	smul.u32 $0x4F000, s17  }
0x8: {  	s9 =	sadd.s32 $0x2C400, s0;
	s25 =	sshll.u32 s17, $0x6;
	s19 =	smul.u32 $0x28000, s17  }
0x9: {  	s7 =	smul.u32 $0x13C000, s2;
	_ =	strace $0x8000004A;
	[dreg:$0x3] =	wrdreg s9  }
0xa: {  	s22 =	sshll.u32 s2, $0x4;
	s24 =	ssub.s32 $0x2, s2;
	s15 =	smul.u32 $0x280000, s2  }
0xb: {  	s20 =	sor.u32 $0x1C0D, s25;
	s2 =	smul.u32 $0xA00, s2;
	s11 =	sor.u32 s17, s22  }
0xc: {  	s12 =	sshrl.u32 s24, $0x1;
	s7 =	sadd.s32 s8, s7;
	s8 =	smul.u32 $0x5000, s11  }
0xd: {  	s9 =	sshrl.u32 s23, $0x2;
	[dreg:$0x4] =	wrdreg s20;
	s11 =	smul.u32 $0x28000, s11  }
0xe: {  	s25 =	sadd.s32 s15, s10;
	s15 =	simm.s32 $0xD;
	s7 =	sshrl.u32 s7, $0x3  }
0xf: {  	s0 =	sadd.s32 s7, s0;
	s7 =	ssub.s32 s24, s12;
	s12 =	sadd.s32 s9, s1  }
0x10: {  	s13 =	sshrl.u32 s8, $0x3;
	s22 =	sadd.s32 s10, s11;
	s24 =	smul.u32 $0xA0, s17  }
0x11: {  	s11 =	simm.s32 $0x9;
	s17 =	simm.s32 $0x6300;
	s26 =	sadd.s32 s6, s13  }
0x12: {  	s14 =	sor.u32 $0x10, s13;
	s21 =	sadd.s32 s5, s13;
	[dreg:$0xa] =	wrdreg s22  }
0x13: {  	s0 =	sadd.s32 $0x560200, s0;
	s7 =	smax.u32 s7, $0x1;
	[dreg:$0x5] =	wrdreg s26  }
0x14: {  	s10 =	sshrl.u32 s12, $0x3;
	s12 =	simm.s32 $0x4300;
	[dreg:$0x9] =	wrdreg s21  }
0x15: {  	s13 =	simm.s32 $0x2;
	s16 =	sadd.s32 s6, s14;
	[dreg:$0xd] =	wrdreg s0  }
0x16: {  	s18 =	sadd.s32 $0x20, s26;
	s9 =	sadd.s32 $0x30, s26;
	[dreg:$0xe] =	wrdreg s7  }
0x17: {  	s23 =	sadd.s32 s5, s14;
	s0 =	sadd.s32 s19, s25;
	[dreg:$0x11] =	wrdreg s10  }
0x18: {  	s2 =	sadd.s32 s24, s2;
	s21 =	simm.s32 $0x80;
	[dreg:$0x6] =	wrdreg s16  }
0x19: {  	s7 =	simm.s32 $0x7;
	s14 =	simm.s32 $0x8;
	[dreg:$0x7] =	wrdreg s18  }
0x1a: {  	s19 =	simm.s32 $0x4;
	s25 =	simm.s32 $0x80;
	[dreg:$0x8] =	wrdreg s9  }
.Ltmp0:
0x1b: {  	[dreg:$0xb] =	wrdreg s23;
	s9 =	sadd.s32 $0x400, s22;
	(pc) =	sbr.rel .LBB2_1-.Ltmp0, $4  }
0x1c: {  	s0 =	sadd.s32 $0xC00, s0;
	s26 =	sor.u32 $0x2, s2;
	s23 =	simm.s32 $0x180  }
0x1d: {  	s22 =	simm.s32 $0x2300;
	s16 =	simm.s32 $0xA;
	[dreg:$0xc] =	wrdreg s9  }
0x1e: {  	s18 =	simm.s32 $0x3;
	s2 =	simm.s32 $0x0;
	[dreg:$0xf] =	wrdreg s0  }
0x1f: {  	[dreg:$0x10] =	wrdreg s26;
	s0 =	simm.s32 $0x280;
	s26 =	simm.s32 $0x100  }
.LBB2_4:
0x20: {  	s2 =	simm.s32 $0x5  }
0x21: {  	_ =	swait.ge [sflag:s2], $0x2000  }
0x22: {  	[sflag:s2] =	ssyncset.done $0x0  }
0x23: {  	s21 =	simm.s32 $0x6;
	[sflag:s2] =	ssyncadd.s32 $0xFFFFE000  }
0x24: {  	_ =	swait.ge [sflag:s21], $0x2000  }
0x25: {  	[sflag:s21] =	ssyncset.done $0x0  }
0x26: {  	[sflag:s21] =	ssyncadd.s32 $0xFFFFE000  }
0x27: {  	[bflag:$0x0] =	sbarrier.arrive $0xFFFF  }
0x28: {  	s20 =	rddreg [dreg:$0x4]  }
0x29: {  	s9 =	rddreg [dreg:$0xd]  }
0x2a: {  	s15 =	simm.s32 $0xD;
	s10 =	rddreg [dreg:$0x11]  }
0x2b: {  	[hbm:s9], [sflag:s20] =	dma.local [spmem:s10], $0x2780  }
0x2c: {  	_ =	swait.ge [sflag:s15], $0x2780  }
0x2d: {  	s22 =	rddreg [dreg:$0x12]  }
0x2e: {  	s24 =	rddreg [dreg:$0xe];
	s2 =	sadd.s32 $0x1, s22  }
0x2f: {  	p0 =	sne.s32 s2, s24  }
.Ltmp1:
0x30: {  	_ = 	snop;
	(pc) =	sbr.rel @!p0 .LBB2_5-.Ltmp1, $3  }
0x31: {  	_ =	sdelay $0x1  }
0x32: {  	[sflag:s15] =	ssyncset.done $0x0  }
0x33: {  	s21 =	simm.s32 $0x80;
	[sflag:s15] =	ssyncadd.s32 $0xFFFFD880;
	s22 =	simm.s32 $0x2300  }
.LBB2_1:
0x34: {  	[dreg:$0x12] =	wrdreg s2  }
0x35: {  	s9 =	rddreg [dreg:$0x3]  }
0x36: {  	[spmem:s10], [sflag:s20] =	dma.local [hbm:s9], $0x2780  }
0x37: {  	_ =	swait.ge [sflag:s15], $0x2780  }
0x38: {  	[sflag:s15] =	ssyncset.done $0x0  }
0x39: {  	[sflag:s15] =	ssyncadd.s32 $0xFFFFD880  }
0x3a: {  	[bflag:$0x0] =	sbarrier.arrive $0xFFFF  }
0x3b: {  	s10 =	rddreg [dreg:$0x5]  }
0x3c: {  	[tilespmem:s3], [sflag:$0xD] =	stream.linear.gather [hbm4b:s10+s3], $0x80, $0x38;
	[tilespmem:$0x1FF00] =	vst v63  }
0x3d: {  	_ =	swait.ge [sflag:s15], $0x80  }
0x3e: {  	[sflag:s15] =	ssyncset.done $0x0  }
0x3f: {  	s20 =	rddreg [dreg:$0x6];
	[sflag:s15] =	ssyncadd.s32 $0xFFFFFF80  }
0x40: {  	[tilespmem:s21], [sflag:$0xD] =	stream.linear.gather [hbm4b:s20+s3], $0x80, $0x38;
	[tilespmem:$0x1FF00] =	vst v63  }
0x41: {  	_ =	swait.ge [sflag:s15], $0x80  }
0x42: {  	[sflag:s15] =	ssyncset.done $0x0  }
0x43: {  	s21 =	rddreg [dreg:$0x7];
	[sflag:s15] =	ssyncadd.s32 $0xFFFFFF80  }
0x44: {  	[tilespmem:s30], [sflag:$0xD] =	stream.linear.gather [hbm4b:s21+s3], $0x80, $0x38;
	[tilespmem:$0x1FF00] =	vst v63  }
0x45: {  	_ =	swait.ge [sflag:s15], $0x80  }
0x46: {  	[sflag:s15] =	ssyncset.done $0x0  }
0x47: {  	s24 =	rddreg [dreg:$0x8];
	[sflag:s15] =	ssyncadd.s32 $0xFFFFFF80  }
0x48: {  	[tilespmem:s23], [sflag:$0xD] =	stream.linear.gather [hbm4b:s24+s3], $0x80, $0x38;
	[tilespmem:$0x1FF00] =	vst v63  }
0x49: {  	_ =	swait.ge [sflag:s15], $0x80  }
0x4a: {  	[sflag:s15] =	ssyncset.done $0x0  }
0x4b: {  	s2 =	simm.s32 $0x200;
	s30 =	rddreg [dreg:$0x9];
	[sflag:s15] =	ssyncadd.s32 $0xFFFFFF80  }
0x4c: {  	[tilespmem:s2], [sflag:$0xD] =	stream.linear.gather [hbm4b:s30+s3], $0x80, $0x38;
	[tilespmem:$0x1FF00] =	vst v63  }
0x4d: {  	_ =	swait.ge [sflag:s15], $0x80  }
0x4e: {  	[sflag:s15] =	ssyncset.done $0x0  }
0x4f: {  	s9 =	simm.s32 $0x300;
	[sflag:s15] =	ssyncadd.s32 $0xFFFFFF80  }
0x50: {  	[tilespmem:s9], [sflag:$0x1] =	stream.indirect.gather [hbm4b:s4+s29], $0x80, s2, s29, $0xb8;
	[tilespmem:$0x1FF00] =	vst v63  }
0x51: {  	s21 =	simm.s32 $0x8300;
	s20 =	rddreg [dreg:$0xa]  }
0x52: {  	[tilespmem:s21], [sflag:$0xB] =	stream.linear.gather [hbm4b:s20+s3], $0x2000, $0x38;
	[tilespmem:$0x1FF00] =	vst v63  }
0x53: {  	s23 =	rddreg [dreg:$0xb]  }
0x54: {  	[tilespmem:s0], [sflag:$0xD] =	stream.linear.gather [hbm4b:s23+s3], $0x80, $0x38;
	[tilespmem:$0x1FF00] =	vst v63  }
0x55: {  	_ =	swait.ge [sflag:s15], $0x80  }
0x56: {  	[sflag:s15] =	ssyncset.done $0x0;
	s24 =	rddreg [dreg:$0xc]  }
0x57: {  	s21 =	rddreg [dreg:$0x10];
	[sflag:s15] =	ssyncadd.s32 $0xFFFFFF80  }
0x58: {  	[tilespmem:s22], [sflag:$0x2] =	stream.indirect.gather [hbm4b:s4+s29], $0x80, s0, s29, $0xb8;
	[tilespmem:$0x1FF00] =	vst v63  }
0x59: {  	s30 =	simm.s32 $0xA300;
	s10 =	rddreg [dreg:$0xf];
	s15 =	simm.s32 $0x0  }
0x5a: {  	[tilespmem:s30], [sflag:$0xC] =	stream.linear.gather [hbm4b:s24+s3], $0x2000, $0x38;
	[tilespmem:$0x1FF00] =	vst v63  }
.LBB2_2:
0x5b: {  	_ =	swait.ge [sflag:s31], $0x2000;
	s9 =	sadd.s32 $0xFFFFFFFE, s21  }
0x5c: {  	[sflag:s31] =	ssyncset.done $0x0;
	p0 =	sgt.u32 s9, $0x1387  }
0x5d: {  	s2 =	simm.s32 $0x300;
	[sflag:s31] =	ssyncadd.s32 $0xFFFFE000;
	s9 =	simm.s32 @!p0 $0xB  }
0x5e: {  	[spmem:s1] =	stream.indirect.scatter.add.f32 [tilespmem:s2], [sflag:$0x3], $0x80, s3, s29, $0xb8;
	[tilespmem:$0x1FF00] =	vst v63  }
0x5f: {  	_ =	swait.ge @!p0 [sflag:s9], $0x2000  }
0x60: {  	s22 =	simm.s32 @!p0 $0x0;
	[sflag:s9] =	ssyncset.done @!p0 $0x0  }
0x61: {  	s20 =	simm.s32 @!p0 $0x8300;
	[sflag:s9] =	ssyncadd.s32 @!p0 $0xFFFFE000;
	s9 =	simm.s32 @!p0 $0x40  }
0x62: {  	[spmem:s1] =	stream.indirect.scatter.add.f32 @!p0 [tilespmem:s20], [sflag:$0xD], $0x80, s22, s9, $0xb8;
	[tilespmem:$0x1FF00] =	vst v63  }
0x63: {  	s20 =	simm.s32 @!p0 $0xD  }
0x64: {  	p2 =	seq.s32 s15, $0x0;
	s23 =	sadd.s32 $0x100, s15;
	_ =	swait.ge @!p0 [sflag:s20], $0x2000  }
0x65: {  	s30 =	simm.s32 @!p2 $0x5;
	s2 =	sand.u32 $0x7C00, s15;
	[sflag:s20] =	ssyncset.done @!p0 $0x0  }
0x66: {  	s23 =	sand.u32 $0x300, s23;
	s22 =	sadd.s32 s8, s2;
	[sflag:s20] =	ssyncadd.s32 @!p0 $0xFFFFE000  }
0x67: {  	s23 =	sor.u32 s22, s23;
	_ =	swait.ge @!p2 [sflag:s30], $0x2000  }
0x68: {  	s23 =	sshrl.u32 s23, $0x3;
	[sflag:s30] =	ssyncset.done @!p2 $0x0  }
0x69: {  	s24 =	simm.s32 $0x200;
	[sflag:s30] =	ssyncadd.s32 @!p2 $0xFFFFE000;
	s30 =	sadd.s32 s5, s23  }
0x6a: {  	[tilespmem:s24], [sflag:$0x7] =	stream.linear.gather [hbm4b:s30+s3], $0x80, $0x38;
	[tilespmem:$0x1FF00] =	vst v63  }
0x6b: {  	s23 =	sadd.s32 s6, s23  }
0x6c: {  	[tilespmem:s26], [sflag:$0x9] =	stream.linear.gather [hbm4b:s23+s3], $0x80, $0x38;
	[tilespmem:$0x1FF00] =	vst v63  }
0x6d: {  	_ =	swait.ge [sflag:s7], $0x80  }
0x6e: {  	[sflag:s7] =	ssyncset.done $0x0  }
0x6f: {  	[sflag:s7] =	ssyncadd.s32 $0xFFFFFF80  }
0x70: {  	_ =	swait.ge [sflag:s11], $0x80  }
0x71: {  	[sflag:s11] =	ssyncset.done $0x0  }
0x72: {  	p1 =	sgt.u32 s21, $0x1387;
	[sflag:s11] =	ssyncadd.s32 $0xFFFFFF80  }
0x73: {  	[tilespmem:s12], [sflag:$0x1] =	stream.indirect.gather [hbm4b:s4+s29], $0x80, s24, s29, $0xb8;
	[tilespmem:$0x1FF00] =	vst v63  }
0x74: {  	s30 =	simm.s32 @!p1 $0x0;
	s23 =	sadd.s32 @!p1 $0xFFFFFC00, s10;
	s24 =	simm.s32 @!p1 $0x8300  }
0x75: {  	[tilespmem:s24], [sflag:$0xB] =	stream.linear.gather @!p1 [hbm4b:s23+s30], $0x2000, $0x38;
	[tilespmem:$0x1FF00] =	vst v63  }
0x76: {  	_ =	swait.ge [sflag:s13], $0x2000  }
0x77: {  	[sflag:s13] =	ssyncset.done $0x0  }
0x78: {  	s23 =	simm.s32 @!p0 $0xC;
	[sflag:s13] =	ssyncadd.s32 $0xFFFFE000  }
0x79: {  	[spmem:s1] =	stream.indirect.scatter.add.f32 [tilespmem:s28], [sflag:$0x4], $0x80, s25, s29, $0xb8;
	[tilespmem:$0x1FF00] =	vst v63  }
0x7a: {  	_ =	swait.ge @!p0 [sflag:s23], $0x2000  }
0x7b: {  	[sflag:s23] =	ssyncset.done @!p0 $0x0  }
0x7c: {  	s30 =	simm.s32 @!p0 $0xA300;
	[sflag:s23] =	ssyncadd.s32 @!p0 $0xFFFFE000;
	s23 =	simm.s32 @!p0 $0x80  }
0x7d: {  	[spmem:s1] =	stream.indirect.scatter.add.f32 @!p0 [tilespmem:s30], [sflag:$0xD], $0x80, s23, s9, $0xb8;
	[tilespmem:$0x1FF00] =	vst v63  }
0x7e: {  	_ =	swait.ge @!p0 [sflag:s20], $0x2000  }
0x7f: {  	s2 =	sadd.s32 $0x180, s15;
	[sflag:s20] =	ssyncset.done @!p0 $0x0  }
0x80: {  	s9 =	sand.u32 $0x380, s2;
	[sflag:s20] =	ssyncadd.s32 @!p0 $0xFFFFE000;
	s20 =	simm.s32 @!p2 $0x6  }
0x81: {  	s9 =	sor.u32 s22, s9;
	_ =	swait.ge @!p2 [sflag:s20], $0x2000  }
0x82: {  	s9 =	sshrl.u32 s9, $0x3;
	[sflag:s20] =	ssyncset.done @!p2 $0x0  }
0x83: {  	s22 =	sadd.s32 s5, s9;
	[sflag:s20] =	ssyncadd.s32 @!p2 $0xFFFFE000  }
0x84: {  	[tilespmem:s0], [sflag:$0x8] =	stream.linear.gather [hbm4b:s22+s3], $0x80, $0x38;
	[tilespmem:$0x1FF00] =	vst v63  }
0x85: {  	s2 =	simm.s32 $0x180;
	s9 =	sadd.s32 s6, s9  }
0x86: {  	[tilespmem:s2], [sflag:$0xA] =	stream.linear.gather [hbm4b:s9+s3], $0x80, $0x38;
	[tilespmem:$0x1FF00] =	vst v63  }
0x87: {  	_ =	swait.ge [sflag:s14], $0x80  }
0x88: {  	[sflag:s14] =	ssyncset.done $0x0  }
0x89: {  	[sflag:s14] =	ssyncadd.s32 $0xFFFFFF80  }
0x8a: {  	_ =	swait.ge [sflag:s16], $0x80  }
0x8b: {  	s23 =	sadd.s32 $0x1, s21;
	[sflag:s16] =	ssyncset.done $0x0  }
0x8c: {  	p0 =	sgt.u32 s23, $0x1387;
	[sflag:s16] =	ssyncadd.s32 $0xFFFFFF80  }
0x8d: {  	[tilespmem:s17], [sflag:$0x2] =	stream.indirect.gather [hbm4b:s4+s29], $0x80, s0, s29, $0xb8;
	[tilespmem:$0x1FF00] =	vst v63  }
0x8e: {  	s20 =	simm.s32 @!p0 $0xA300;
	s9 =	simm.s32 @!p0 $0x0  }
0x8f: {  	[tilespmem:s20], [sflag:$0xC] =	stream.linear.gather @!p0 [hbm4b:s10+s9], $0x2000, $0x38;
	[tilespmem:$0x1FF00] =	vst v63  }
0x90: {  	_ =	swait.ge [sflag:s31], $0x2000  }
0x91: {  	[sflag:s31] =	ssyncset.done $0x0  }
0x92: {  	s9 =	simm.s32 @!p1 $0xB;
	[sflag:s31] =	ssyncadd.s32 $0xFFFFE000  }
0x93: {  	[spmem:s1] =	stream.indirect.scatter.add.f32 [tilespmem:s12], [sflag:$0x5], $0x80, s26, s29, $0xb8;
	[tilespmem:$0x1FF00] =	vst v63  }
0x94: {  	_ =	swait.ge @!p1 [sflag:s9], $0x2000  }
0x95: {  	[sflag:s9] =	ssyncset.done @!p1 $0x0  }
0x96: {  	s22 =	simm.s32 @!p1 $0x100;
	[sflag:s9] =	ssyncadd.s32 @!p1 $0xFFFFE000;
	s9 =	simm.s32 @!p1 $0x40  }
0x97: {  	[spmem:s1] =	stream.indirect.scatter.add.f32 @!p1 [tilespmem:s24], [sflag:$0xD], $0x80, s22, s9, $0xb8;
	[tilespmem:$0x1FF00] =	vst v63  }
0x98: {  	s9 =	simm.s32 @!p1 $0xD  }
0x99: {  	p2 =	seq.s32 s15, $0x4E00;
	_ =	swait.ge @!p1 [sflag:s9], $0x2000  }
0x9a: {  	s22 =	sadd.s32 @!p2 $0x200, s15;
	[sflag:s9] =	ssyncset.done @!p1 $0x0  }
0x9b: {  	[sflag:s9] =	ssyncadd.s32 @!p1 $0xFFFFE000;
	s9 =	sand.u32 @!p2 $0xFC00, s22  }
0x9c: {  	s22 =	sand.u32 @!p2 $0x200, s22;
	s9 =	sadd.s32 @!p2 s8, s9  }
0x9d: {  	_ =	swait.ge [sflag:s18], $0x2000;
	s9 =	sor.u32 @!p2 s22, s9  }
0x9e: {  	s23 =	simm.s32 @!p2 $0x0;
	[sflag:s18] =	ssyncset.done $0x0;
	s9 =	sshrl.u32 @!p2 s9, $0x3  }
0x9f: {  	s24 =	simm.s32 @!p2 $0x200;
	[sflag:s18] =	ssyncadd.s32 $0xFFFFE000;
	s22 =	sadd.s32 @!p2 s5, s9  }
0xa0: {  	[tilespmem:s24], [sflag:$0x7] =	stream.linear.gather @!p2 [hbm4b:s22+s23], $0x80, $0x38;
	[tilespmem:$0x1FF00] =	vst v63  }
0xa1: {  	s9 =	sadd.s32 @!p2 s6, s9  }
0xa2: {  	[tilespmem:s23], [sflag:$0x9] =	stream.linear.gather @!p2 [hbm4b:s9+s23], $0x80, $0x38;
	[tilespmem:$0x1FF00] =	vst v63  }
0xa3: {  	s9 =	simm.s32 @!p2 $0x7  }
0xa4: {  	_ =	swait.ge @!p2 [sflag:s9], $0x80  }
0xa5: {  	[sflag:s9] =	ssyncset.done @!p2 $0x0  }
0xa6: {  	[sflag:s9] =	ssyncadd.s32 @!p2 $0xFFFFFF80;
	s9 =	simm.s32 @!p2 $0x9  }
0xa7: {  	_ =	swait.ge @!p2 [sflag:s9], $0x80  }
0xa8: {  	[sflag:s9] =	ssyncset.done @!p2 $0x0  }
0xa9: {  	s22 =	simm.s32 @!p2 $0x300;
	[sflag:s9] =	ssyncadd.s32 @!p2 $0xFFFFFF80;
	s9 =	simm.s32 @!p2 $0x40  }
0xaa: {  	[tilespmem:s22], [sflag:$0x1] =	stream.indirect.gather @!p2 [hbm4b:s4+s9], $0x80, s24, s9, $0xb8;
	[tilespmem:$0x1FF00] =	vst v63  }
0xab: {  	s9 =	sadd.s32 @!p2 $0x2, s21  }
0xac: {  	p1 =	sgt.u32 @!p2 s9, $0x1387  }
0xad: {  	p1 =	por p1, p2  }
0xae: {  	s9 =	sadd.s32 @!p1 $0x400, s10;
	s22 =	simm.s32 @!p1 $0x0;
	s23 =	simm.s32 @!p1 $0x8300  }
0xaf: {  	[tilespmem:s23], [sflag:$0xB] =	stream.linear.gather @!p1 [hbm4b:s9+s22], $0x2000, $0x38;
	[tilespmem:$0x1FF00] =	vst v63  }
0xb0: {  	_ =	swait.ge [sflag:s13], $0x2000  }
0xb1: {  	[sflag:s13] =	ssyncset.done $0x0  }
0xb2: {  	s9 =	simm.s32 @!p0 $0xC;
	[sflag:s13] =	ssyncadd.s32 $0xFFFFE000  }
0xb3: {  	[spmem:s1] =	stream.indirect.scatter.add.f32 [tilespmem:s17], [sflag:$0x6], $0x80, s2, s29, $0xb8;
	[tilespmem:$0x1FF00] =	vst v63  }
0xb4: {  	_ =	swait.ge @!p0 [sflag:s9], $0x2000  }
0xb5: {  	[sflag:s9] =	ssyncset.done @!p0 $0x0  }
0xb6: {  	s22 =	simm.s32 @!p0 $0x180;
	[sflag:s9] =	ssyncadd.s32 @!p0 $0xFFFFE000;
	s9 =	simm.s32 @!p0 $0x40  }
0xb7: {  	[spmem:s1] =	stream.indirect.scatter.add.f32 @!p0 [tilespmem:s20], [sflag:$0xD], $0x80, s22, s9, $0xb8;
	[tilespmem:$0x1FF00] =	vst v63  }
0xb8: {  	s9 =	simm.s32 @!p0 $0xD  }
0xb9: {  	_ =	swait.ge @!p0 [sflag:s9], $0x2000  }
.Ltmp2:
0xba: {  	[sflag:s9] =	ssyncset.done @!p0 $0x0;
	(pc) =	sbr.rel @p2 .LBB2_4-.Ltmp2, $4  }
0xbb: {  	[sflag:s9] =	ssyncadd.s32 @!p0 $0xFFFFE000  }
0xbc: {  	_ =	swait.ge [sflag:s19], $0x2000  }
0xbd: {  	[sflag:s19] =	ssyncset.done $0x0  }
0xbe: {  	s30 =	simm.s32 $0x100;
	s23 =	simm.s32 $0x180;
	[sflag:s19] =	ssyncadd.s32 $0xFFFFE000  }
0xbf: {  	s9 =	sadd.s32 $0x280, s15  }
0xc0: {  	s20 =	sand.u32 $0xFC00, s9  }
0xc1: {  	s9 =	sand.u32 $0x280, s9;
	s20 =	sadd.s32 s8, s20  }
0xc2: {  	s9 =	sor.u32 s9, s20  }
0xc3: {  	s9 =	sshrl.u32 s9, $0x3  }
0xc4: {  	s24 =	sadd.s32 s5, s9  }
0xc5: {  	[tilespmem:s0], [sflag:$0x8] =	stream.linear.gather [hbm4b:s24+s3], $0x80, $0x38;
	[tilespmem:$0x1FF00] =	vst v63  }
0xc6: {  	s9 =	sadd.s32 s6, s9  }
0xc7: {  	[tilespmem:s25], [sflag:$0xA] =	stream.linear.gather [hbm4b:s9+s3], $0x80, $0x38;
	[tilespmem:$0x1FF00] =	vst v63  }
0xc8: {  	_ =	swait.ge [sflag:s14], $0x80  }
0xc9: {  	[sflag:s14] =	ssyncset.done $0x0  }
0xca: {  	[sflag:s14] =	ssyncadd.s32 $0xFFFFFF80  }
0xcb: {  	s30 =	sadd.s32 $0x3, s21;
	s15 =	sadd.s32 $0x200, s15;
	_ =	swait.ge [sflag:s16], $0x80  }
.Ltmp3:
0xcc: {  	p0 =	sgt.u32 s30, $0x1387;
	[sflag:s16] =	ssyncset.done $0x0;
	(pc) =	sbr.rel .LBB2_2-.Ltmp3, $4  }
0xcd: {  	s21 =	sadd.s32 $0x4, s21;
	s22 =	simm.s32 @!p0 $0xA300;
	[sflag:s16] =	ssyncadd.s32 $0xFFFFFF80  }
0xce: {  	[tilespmem:s28], [sflag:$0x2] =	stream.indirect.gather [hbm4b:s4+s29], $0x80, s0, s29, $0xb8;
	[tilespmem:$0x1FF00] =	vst v63  }
0xcf: {  	s20 =	simm.s32 @!p0 $0x0;
	s9 =	sadd.s32 @!p0 $0x800, s10;
	s10 =	sadd.s32 $0x1000, s10  }
0xd0: {  	[tilespmem:s22], [sflag:$0xC] =	stream.linear.gather @!p0 [hbm4b:s9+s20], $0x2000, $0x38;
	[tilespmem:$0x1FF00] =	vst v63  }
.LBB2_5:
0xd1: {  	_ =	sfence.sel $0x180000  }
0xd2: {  	[bflag:$0x0] =	sbarrier.arrive $0xFFFF  }
0xd3: {  	_ =	strace $0x9000004A  }
0xd4: {  	s0 =	stileid.u32;
	[bflag:$0x2] =	sbarrier.arrive $0xFFFF  }
0xd5: {  	p0 =	sne.s32 s0, $0x0;
	s0 =	rddreg [dreg:$0x2]  }
0xd6: {  	s0 =	sadd.s32 @!p0 $0x100000, s0  }
0xd7: {  	[sflag:s0] =	ssyncadd.tile.s32 @!p0 $0x1;
	_ =	shalt  }
.Lfunc_end2:
_tile_overlayer_lowered:
.L_overlay_start_2:
0xd8: {  	(tag) =	ssettag $0x2  }
0xd9: {  	s0 =	rddreg [dreg:$0x0];
	s2 =	stileid.u32  }
0xda: {  	s1 =	rddreg [dreg:$0x1];
	p0 =	sne.s32 s2, $0x0  }
0xdb: {  	s3 =	rddreg [dreg:$0x2];
	[bflag:$0x3] =	sbarrier.arrive $0xFFFF;
	s2 =	simm.s32 @!p0 $0x1C0D  }
0xdc: {  	[timem:s3], [sflag:s2] =	dma.local @!p0 [hbm:s0], s1  }
0xdd: {  	s0 =	simm.s32 @!p0 $0xD  }
0xde: {  	_ =	swait.ge @!p0 [sflag:s0], s1  }
0xdf: {  	s1 =	ssub.s32 @!p0 $0x0, s1;
	[sflag:s0] =	ssyncset.done @!p0 $0x0  }
0xe0: {  	[sflag:s0] =	ssyncadd.s32 @!p0 s1  }
0xe1: {  	[bflag:$0x3] =	sbarrier.arrive $0xFFFF  }
0xe2: {  	_ =	shalt  }

// kernel: kernel.8.cloned.1.call-start
scs
__scs_entry_jumppad:
0x0: {  	(pc) =	sbr.rel $0x88, $3  }
0x1: {  	(tag) =	ssettag $0x0;
	lr =	simm.s32 $0x1  }
0x2: {  	[smem:$0x3F94] =	sst lr;
	_ =	strace $0xD0000000  }
0x3: {  	_ = 	snop  }
0x4: {  	_ = 	snop  }
0x5: {  	_ = 	snop  }
0x6: {  	_ = 	snop  }
0x7: {  	_ = 	snop  }
__scs_overlays_trampoline_lowered:
0x8: {  	[smem:$0x3FA3] =	sst s0  }
0x9: {  	[smem:$0x3FA4] =	sst s1  }
0xa: {  	[smem:$0x3FA5] =	sst s2  }
0xb: {  	[smem:$0x3FA6] =	sst s3  }
0xc: {  	[smem:$0x3FA7] =	sst s4  }
0xd: {  	[smem:$0x3FA8] =	sst s5  }
0xe: {  	[smem:$0x3FA9] =	sst s6  }
0xf: {  	[smem:$0x3FAA] =	sst s7  }
0x10: {  	[smem:$0x3FAB] =	sst s8  }
0x11: {  	[smem:$0x3FAC] =	sst s9;
	s0 =	simm.s32 @!p0 $0x0  }
0x12: {  	s1 =	sld [smem:$0x3F92];
	s0 =	simm.s32 @p0 $0x1  }
0x13: {  	[smem:$0x3FAD] =	sst s0;
	s0 =	simm.s32 @!p1 $0x0  }
0x14: {  	s2 =	sld [smem:$0x3F91];
	s0 =	simm.s32 @p1 $0x1  }
0x15: {  	[smem:$0x3FAE] =	sst s0;
	s0 =	simm.s32 @!p2 $0x0  }
0x16: {  	s3 =	sld [smem:$0x3FDB];
	s0 =	simm.s32 @p2 $0x1  }
0x17: {  	s4 =	simm.s32 $0x1BF5;
	[smem:$0x3FB0] =	sst s0  }
0x18: {  	s0 =	sld [smem:$0x3F93];
	_ =	swait.ge [sflag:s4], $0x0  }
0x19: {  	s7 =	sld [smem:$0x3F94]  }
0x1a: {  	s8 =	sadd.s32 $0xFFFFE003, lr  }
0x1b: {  	s9 =	sadd.s32 $0xFFFFFEF7, lr;
	s5 =	simm.s32 $0xFFFFFFFF;
	p2 =	slt.u32 s8, $0xFFFFF086  }
0x1c: {  	p1 =	slt.u32 s9, $0xF7A;
	s5 =	simm.s32 @!p2 $0x0  }
0x1d: {  	s5 =	simm.s32 @p1 $0x1;
	p0 =	seq.s32 s7, s2  }
0x1e: {  	s7 =	smul.u32 @!p0 $0xF7A, s2;
	p2 =	seq.s32 @!p0 s5, $0x0  }
0x1f: {  	s9 =	smul.u32 $0xF7A, s1;
	s8 =	simm.s32 @!p0 $0x1BF5;
	p2 =	por !p2, p0  }
0x20: {  	[sflag:s8] =	ssyncset.s32 @!p0 $0xFFFFF086;
	s6 =	sadd.s32 @!p0 s3, s7;
	s7 =	simm.s32 @!p0 $0x108  }
0x21: {  	s3 =	sadd.s32 s3, s9;
	s6 =	sadd.s32 @!p0 $0x88, s6;
	s7 =	simm.s32 @p2 $0x1082  }
0x22: {  	[simem:s7], [sflag:s8] =	dma.local @!p0 [hbm:s6], $0xF7A  }
0x23: {  	s9 =	sor.u32 $0xD0000000, s2;
	s6 =	simm.s32 $0x108;
	_ =	swait.ge @!p0 [sflag:s8], $0x0  }
0x24: {  	s3 =	sadd.s32 $0x88, s3;
	s6 =	simm.s32 @!p1 $0x1082;
	[sflag:s4] =	ssyncset.s32 $0xFFFFF086  }
0x25: {  	[simem:s6], [sflag:s4] =	dma.local [hbm:s3], $0xF7A  }
0x26: {  	[smem:$0x3F94] =	sst s1;
	(tag) =	ssettag s2;
	_ =	strace s9  }
0x27: {  	s1 =	sld [smem:$0x3FA4]  }
0x28: {  	s2 =	sld [smem:$0x3FA5]  }
0x29: {  	s4 =	sld [smem:$0x3FA7]  }
0x2a: {  	p0 =	seq.s32 s5, $0x0;
	s5 =	sld [smem:$0x3FA8]  }
0x2b: {  	s6 =	sld [smem:$0x3FA9]  }
0x2c: {  	s7 =	sld [smem:$0x3FAA]  }
0x2d: {  	s3 =	simm.s32 $0x108;
	s8 =	sld [smem:$0x3FAB]  }
0x2e: {  	s3 =	simm.s32 @!p0 $0x1082;
	s9 =	sld [smem:$0x3FAC]  }
0x2f: {  	lr =	sadd.s32 s0, s3;
	s0 =	sld [smem:$0x3FA3]  }
0x30: {  	s3 =	sld [smem:$0x3FA6]  }
0x31: {  	[smem:$0x3FAF] =	sst s10  }
0x32: {  	s10 =	sld [smem:$0x3FAD];
	_ =	sdelay $0x3  }
0x33: {  	p0 =	seq.s32 s10, $0x1;
	s10 =	sld [smem:$0x3FAF];
	_ =	sdelay $0x3  }
0x34: {  	[smem:$0x3FAF] =	sst s10  }
0x35: {  	s10 =	sld [smem:$0x3FAE];
	_ =	sdelay $0x3  }
0x36: {  	p1 =	seq.s32 s10, $0x1;
	s10 =	sld [smem:$0x3FAF];
	_ =	sdelay $0x3  }
0x37: {  	[smem:$0x3FAF] =	sst s10  }
0x38: {  	s10 =	sld [smem:$0x3FB0]  }
0x39: {  	_ = 	snop;
	(pc) =	sbr.ind lr, $3  }
0x3a: {  	_ = 	snop  }
0x3b: {  	_ = 	snop  }
0x3c: {  	p2 =	seq.s32 s10, $0x1;
	s10 =	sld [smem:$0x3FAF]  }
0x3d: {  	_ =	shalt  }
0x3e: {  	_ =	shalt  }
0x3f: {  	_ =	shalt  }
0x40: {  	_ =	shalt  }
0x41: {  	_ =	shalt  }
0x42: {  	_ =	shalt  }
0x43: {  	_ =	shalt  }
0x44: {  	_ =	shalt  }
0x45: {  	_ =	shalt  }
0x46: {  	_ =	shalt  }
0x47: {  	_ =	shalt  }
0x48: {  	_ =	shalt  }
0x49: {  	_ =	shalt  }
0x4a: {  	_ =	shalt  }
0x4b: {  	_ =	shalt  }
0x4c: {  	_ =	shalt  }
0x4d: {  	_ =	shalt  }
0x4e: {  	_ =	shalt  }
0x4f: {  	_ =	shalt  }
0x50: {  	_ =	shalt  }
0x51: {  	_ =	shalt  }
0x52: {  	_ =	shalt  }
0x53: {  	_ =	shalt  }
0x54: {  	_ =	shalt  }
0x55: {  	_ =	shalt  }
0x56: {  	_ =	shalt  }
0x57: {  	_ =	shalt  }
0x58: {  	_ =	shalt  }
0x59: {  	_ =	shalt  }
0x5a: {  	_ =	shalt  }
0x5b: {  	_ =	shalt  }
0x5c: {  	_ =	shalt  }
0x5d: {  	_ =	shalt  }
0x5e: {  	_ =	shalt  }
0x5f: {  	_ =	shalt  }
0x60: {  	_ =	shalt  }
0x61: {  	_ =	shalt  }
0x62: {  	_ =	shalt  }
0x63: {  	_ =	shalt  }
0x64: {  	_ =	shalt  }
0x65: {  	_ =	shalt  }
0x66: {  	_ =	shalt  }
0x67: {  	_ =	shalt  }
0x68: {  	_ =	shalt  }
0x69: {  	_ =	shalt  }
0x6a: {  	_ =	shalt  }
0x6b: {  	_ =	shalt  }
0x6c: {  	_ =	shalt  }
0x6d: {  	_ =	shalt  }
0x6e: {  	_ =	shalt  }
0x6f: {  	_ =	shalt  }
0x70: {  	_ =	shalt  }
0x71: {  	_ =	shalt  }
0x72: {  	_ =	shalt  }
0x73: {  	_ =	shalt  }
0x74: {  	_ =	shalt  }
0x75: {  	_ =	shalt  }
0x76: {  	_ =	shalt  }
0x77: {  	_ =	shalt  }
0x78: {  	_ =	shalt  }
0x79: {  	_ =	shalt  }
0x7a: {  	_ =	shalt  }
0x7b: {  	_ =	shalt  }
0x7c: {  	_ =	shalt  }
0x7d: {  	_ =	shalt  }
0x7e: {  	_ =	shalt  }
0x7f: {  	_ =	shalt  }
0x80: {  	_ =	shalt  }
0x81: {  	_ =	shalt  }
0x82: {  	_ =	shalt  }
0x83: {  	_ =	shalt  }
0x84: {  	_ =	shalt  }
0x85: {  	_ =	shalt  }
0x86: {  	_ =	shalt  }
0x87: {  	_ =	shalt  }
.Lfunc_end0:
.L_simem_size_0:
called_computation_lowered:
.L_overlay_start_0:
0x88: {  	s2 =	sld [smem:$0x3FD9]  }
0x89: {  	s3 =	sld [smem:$0x3FFE];
	_ =	sdelay $0x1  }
0x8a: {  	s1 =	srdreg.scid  }
0x8b: {  	s0 =	sand.u32 $0x1, s1  }
0x8c: {  	s17 =	sshll.u32 s0, $0xA;
	s2 =	sadd.s32 s3, s2  }
0x8d: {  	s2 =	sadd.s32 s2, s17  }
0x8e: {  	[smem:$0x3FBB] =	sst s2  }
0x8f: {  	_ = 	snop  }
0x90: {  	s2 =	sld [smem:$0x3FC9];
	(tm) =	ssettm $0x1  }
0x91: {  	s18 =	sld [smem:$0x3FFB];
	_ =	sdelay $0x3  }
0x92: {  	_ =	strace s18  }
0x93: {  	s3 =	sld [smem:$0x3FFC];
	_ =	sdelay $0x3  }
0x94: {  	_ =	strace s3  }
0x95: {  	s3 =	sld [smem:$0x3FFD];
	_ =	sdelay $0x3  }
0x96: {  	_ =	strace s3  }
0x97: {  	_ =	strace $0x8FFFFFFF  }
0x98: {  	s19 =	sld [smem:$0x3FDB];
	_ =	sdelay $0x1  }
0x99: {  	s4 =	simm.s32 $_scs_section_size  }
0x9a: {  	s5 =	simm.s32 $_size__tile_overlayer_lowered;
	s6 =	simm.s32 $_tile_overlayer_lowered  }
0x9b: {  	s22 =	simm.s32 $0x1BFF;
	s21 =	sshll.u32 s6, $0x1;
	s3 =	sadd.s32 s4, s19  }
0x9c: {  	s7 =	simm.s32 $0x0;
	s20 =	sshll.u32 s5, $0x1;
	s5 =	sadd.s32 s21, s3  }
0x9d: {  	[timem:s7], [sflag:s22] =	dma.local [hbm:s5], s20  }
0x9e: {  	_ =	swait.ge [sflag:s22], s20  }
0x9f: {  	s4 =	ssub.s32 $0x0, s20;
	[sflag:s22] =	ssyncset.done $0x0  }
0xa0: {  	[sflag:s22] =	ssyncadd.s32 s4;
	_ =	sdelay $0x1  }
0xa1: {  	s23 =	simm.s32 $0x1B8B  }
0xa2: {  	_ =	swait.ge [sflag:s23], $0x1  }
0xa3: {  	[sflag:s23] =	ssyncset.done $0x0  }
0xa4: {  	s25 =	simm.s32 $0x1B8E;
	s24 =	sld [smem:$0x3FFE];
	[sflag:s23] =	ssyncadd.s32 $0xFFFFFFFF  }
0xa5: {  	s26 =	simm.s32 $execute0_lowered;
	[smem:$0x3FD2] =	sst s25  }
0xa6: {  	s5 =	sshll.u32 s26, $0x1;
	_ =	strace $0x80000046;
	[dreg:$0x1] =	wrdreg $0xFFFFFFFF  }
0xa7: {  	s28 =	simm.s32 $_size_execute0_lowered;
	s3 =	sadd.s32 s3, s5;
	[dreg:$0x0] =	wrdreg $0x0  }
0xa8: {  	s5 =	sshll.u32 s28, $0x1;
	[dreg:$0x2] =	wrdreg s3  }
0xa9: {  	[dreg:$0x3] =	wrdreg s5  }
0xaa: {  	[dreg:$0x4] =	wrdreg $0xC0  }
0xab: {  	_ =	task [dreg:s7], $0x5FFFF  }
0xac: {  	[dreg:$0x1] =	wrdreg $0xFFFFFFFF  }
0xad: {  	[dreg:$0x0] =	wrdreg $0x60  }
0xae: {  	[dreg:$0x2] =	wrdreg s2  }
0xaf: {  	[dreg:$0x3] =	wrdreg s24  }
0xb0: {  	[dreg:$0x4] =	wrdreg $0x83000  }
0xb1: {  	[dreg:$0x5] =	wrdreg $0x9  }
0xb2: {  	_ =	task.clear_ibuf [dreg:s7], $0x6FFFF;
	_ =	strace $0x90000046  }
0xb3: {  	s29 =	simm.s32 $0x9;
	_ =	strace $0x80000048  }
0xb4: {  	_ =	swait.ge [sflag:s29], $0x1  }
0xb5: {  	[sflag:s29] =	ssyncadd.s32 $0xFFFFFFFF  }
0xb6: {  	_ =	strace $0x90000048  }
0xb7: {  	_ =	sfence  }
0xb8: {  	s30 =	sld [smem:$0x0];
	_ =	sdelay $0x2  }
0xb9: {  	s31 =	sshll.u32 s1, $0xD;
	s1 =	sshrl.u32 s1, $0x2  }
0xba: {  	s3 =	sand.u32 $0x4000, s31;
	s1 =	sadd.s32 s1, s30  }
0xbb: {  	s0 =	sor.u32 s3, s0;
	s1 =	sshll.u32 s1, $0x11  }
0xbc: {  	s0 =	sor.u32 s1, s0  }
0xbd: {  	s0 =	sadd.s32 $0x8F2B, s0  }
0xbe: {  	[sflag:s0] =	ssyncadd.remote.s32 $0x1  }
0xbf: {  	_ =	sfence.sel $0xFFFF  }
0xc0: {  	[dreg:$0x0] =	wrdreg $0xFFFFFFFF;
	(pc) =	sbr.abs _section_cstart, $3  }
0xc1: {  	[dreg:$0x1] =	wrdreg $0xFFFFFFFF  }
0xc2: {  	_ =	task.clear_ibuf [dreg:s7], $0x2FFFF;
	_ =	strace $0x9FFFFFFF  }
0xc3: {  	(tm) =	ssettm $0x7FFFFFFF  }
tec
execute0_lowered:
.L_overlay_start_1:
0x0: {  	(tag) =	ssettag $0x1  }
0x1: {  	s1 =	rddreg [dreg:$0x0]  }
0x2: {  	s0 =	rddreg [dreg:$0x1]  }
0x3: {  	s2 =	rddreg [dreg:$0x2];
	s3 =	srdreg.scid  }
0x4: {  	s4 =	simm.s32 $0x0;
	s11 =	stileid.u32;
	s28 =	simm.s32 $0x2300  }
0x5: {  	s29 =	simm.s32 $0x1;
	s30 =	simm.s32 $0x7;
	s31 =	simm.s32 $0x9  }
0x6: {  	s13 =	simm.s32 $0x3;
	s14 =	simm.s32 $0x4;
	s3 =	sand.u32 $0x1, s3  }
0x7: {  	[smem:$0x7FF] =	sst s4;
	s8 =	smul.u32 $0x13C00, s11;
	s5 =	sadd.s32 $0x18400, s0  }
0x8: {  	s6 =	sadd.s32 $0x4400, s0;
	s9 =	sadd.s32 $0x2C400, s0;
	s17 =	smul.u32 $0x4F000, s11  }
0x9: {  	s19 =	sshll.u32 s11, $0x6;
	s7 =	smul.u32 $0x13C000, s3;
	_ =	strace $0x80000047  }
0xa: {  	[dreg:$0x4] =	wrdreg s9;
	s16 =	sshll.u32 s3, $0x4;
	s3 =	ssub.s32 $0x2, s3  }
0xb: {  	s15 =	sor.u32 $0x1C0B, s19;
	s19 =	simm.s32 $0xB;
	s10 =	sshrl.u32 s3, $0x1  }
0xc: {  	s18 =	sshrl.u32 s17, $0x2;
	s17 =	simm.s32 $0x0;
	s7 =	sadd.s32 s8, s7  }
0xd: {  	s8 =	sor.u32 s11, s16;
	s3 =	ssub.s32 s3, s10;
	s11 =	simm.s32 $0xA  }
0xe: {  	s7 =	sshrl.u32 s7, $0x3;
	s8 =	smul.u32 $0x5000, s8;
	s26 =	smax.u32 s3, $0x1  }
0xf: {  	s3 =	simm.s32 $0x2;
	s0 =	sadd.s32 s7, s0;
	s7 =	sadd.s32 s18, s2  }
0x10: {  	[dreg:$0xc] =	wrdreg s26;
	s26 =	simm.s32 $0x280;
	s0 =	sadd.s32 $0x2EC00, s0  }
0x11: {  	s20 =	sshrl.u32 s8, $0x3;
	s10 =	sshrl.u32 s7, $0x3;
	[dreg:$0xb] =	wrdreg s0  }
0x12: {  	s7 =	simm.s32 $0x8;
	s21 =	sadd.s32 s6, s20;
	[dreg:$0xd] =	wrdreg s10  }
0x13: {  	s22 =	sor.u32 $0x10, s20;
	s24 =	sadd.s32 s5, s20;
	[dreg:$0x5] =	wrdreg s21  }
0x14: {  	s20 =	simm.s32 $0x80;
	s12 =	sadd.s32 s6, s22;
	[dreg:$0x9] =	wrdreg s24  }
.Ltmp0:
0x15: {  	s23 =	sadd.s32 $0x20, s21;
	[dreg:$0x6] =	wrdreg s12;
	(pc) =	sbr.rel .LBB2_1-.Ltmp0, $4  }
0x16: {  	s0 =	simm.s32 $0x4300;
	s9 =	sadd.s32 $0x30, s21;
	[dreg:$0x7] =	wrdreg s23  }
0x17: {  	s25 =	sadd.s32 s5, s22;
	s21 =	simm.s32 $0x100;
	[dreg:$0x8] =	wrdreg s9  }
0x18: {  	s22 =	simm.s32 $0x180;
	s24 =	simm.s32 $0x40;
	[dreg:$0xa] =	wrdreg s25  }
0x19: {  	s23 =	simm.s32 $0x200;
	s25 =	simm.s32 $0x300;
	s12 =	simm.s32 $0x6300  }
.LBB2_4:
0x1a: {  	_ =	swait.ge [sflag:s3], $0x2000  }
0x1b: {  	[sflag:s3] =	ssyncset.done $0x0  }
0x1c: {  	[sflag:s3] =	ssyncadd.s32 $0xFFFFE000  }
0x1d: {  	[spmem:s2] =	stream.indirect.scatter.add.f32 [tilespmem:s12], [sflag:$0x6], $0x80, s22, s24, $0xb8;
	[tilespmem:$0x1BF00] =	vst v63  }
0x1e: {  	_ =	swait.ge [sflag:s14], $0x2000  }
0x1f: {  	[sflag:s14] =	ssyncset.done $0x0  }
0x20: {  	s9 =	simm.s32 $0x5;
	[sflag:s14] =	ssyncadd.s32 $0xFFFFE000  }
0x21: {  	_ =	swait.ge [sflag:s9], $0x2000  }
0x22: {  	[sflag:s9] =	ssyncset.done $0x0  }
0x23: {  	s15 =	simm.s32 $0x6;
	[sflag:s9] =	ssyncadd.s32 $0xFFFFE000  }
0x24: {  	_ =	swait.ge [sflag:s15], $0x2000  }
0x25: {  	[sflag:s15] =	ssyncset.done $0x0  }
0x26: {  	[sflag:s15] =	ssyncadd.s32 $0xFFFFE000  }
0x27: {  	[bflag:$0x0] =	sbarrier.arrive $0xFFFF  }
0x28: {  	s16 =	rddreg [dreg:$0xb]  }
0x29: {  	s10 =	rddreg [dreg:$0xd]  }
0x2a: {  	[hbm:s16], [sflag:s18] =	dma.local [spmem:s10], $0x2780  }
0x2b: {  	_ =	swait.ge [sflag:s19], $0x2780  }
0x2c: {  	s17 =	sadd.s32 $0x1, s17;
	s15 =	smov.u32 s18;
	s18 =	rddreg [dreg:$0xc]  }
0x2d: {  	p0 =	sne.s32 s17, s18  }
.Ltmp1:
0x2e: {  	_ = 	snop;
	(pc) =	sbr.rel @!p0 .LBB2_5-.Ltmp1, $3  }
0x2f: {  	_ =	sdelay $0x1  }
0x30: {  	[sflag:s19] =	ssyncset.done $0x0  }
0x31: {  	[sflag:s19] =	ssyncadd.s32 $0xFFFFD880  }
.LBB2_1:
0x32: {  	s9 =	rddreg [dreg:$0x4]  }
0x33: {  	[spmem:s10], [sflag:s15] =	dma.local [hbm:s9], $0x2780  }
0x34: {  	_ =	swait.ge [sflag:s19], $0x2780  }
0x35: {  	[sflag:s19] =	ssyncset.done $0x0  }
0x36: {  	[sflag:s19] =	ssyncadd.s32 $0xFFFFD880  }
0x37: {  	[bflag:$0x0] =	sbarrier.arrive $0xFFFF  }
0x38: {  	s10 =	rddreg [dreg:$0x5]  }
0x39: {  	[tilespmem:s4], [sflag:$0xB] =	stream.linear.gather [hbm4b:s10+s4], $0x80, $0x38;
	[tilespmem:$0x1BF00] =	vst v63  }
0x3a: {  	_ =	swait.ge [sflag:s19], $0x80  }
0x3b: {  	[sflag:s19] =	ssyncset.done $0x0  }
0x3c: {  	s18 =	smov.u32 s15;
	s15 =	rddreg [dreg:$0x6];
	[sflag:s19] =	ssyncadd.s32 $0xFFFFFF80  }
0x3d: {  	[tilespmem:s20], [sflag:$0xB] =	stream.linear.gather [hbm4b:s15+s4], $0x80, $0x38;
	[tilespmem:$0x1BF00] =	vst v63  }
0x3e: {  	_ =	swait.ge [sflag:s19], $0x80  }
0x3f: {  	[sflag:s19] =	ssyncset.done $0x0  }
0x40: {  	s16 =	rddreg [dreg:$0x7];
	[sflag:s19] =	ssyncadd.s32 $0xFFFFFF80  }
0x41: {  	[tilespmem:s21], [sflag:$0xB] =	stream.linear.gather [hbm4b:s16+s4], $0x80, $0x38;
	[tilespmem:$0x1BF00] =	vst v63  }
0x42: {  	_ =	swait.ge [sflag:s19], $0x80  }
0x43: {  	[sflag:s19] =	ssyncset.done $0x0  }
0x44: {  	s10 =	rddreg [dreg:$0x8];
	[sflag:s19] =	ssyncadd.s32 $0xFFFFFF80  }
0x45: {  	[tilespmem:s22], [sflag:$0xB] =	stream.linear.gather [hbm4b:s10+s4], $0x80, $0x38;
	[tilespmem:$0x1BF00] =	vst v63  }
0x46: {  	_ =	swait.ge [sflag:s19], $0x80  }
0x47: {  	[sflag:s19] =	ssyncset.done $0x0  }
0x48: {  	s15 =	rddreg [dreg:$0x9];
	[sflag:s19] =	ssyncadd.s32 $0xFFFFFF80  }
0x49: {  	[tilespmem:s23], [sflag:$0xB] =	stream.linear.gather [hbm4b:s15+s4], $0x80, $0x38;
	[tilespmem:$0x1BF00] =	vst v63  }
0x4a: {  	_ =	swait.ge [sflag:s19], $0x80  }
0x4b: {  	[sflag:s19] =	ssyncset.done $0x0  }
0x4c: {  	[sflag:s19] =	ssyncadd.s32 $0xFFFFFF80  }
0x4d: {  	[tilespmem:s25], [sflag:$0x1] =	stream.indirect.gather [hbm4b:s1+s24], $0x80, s23, s24, $0xb8;
	[tilespmem:$0x1BF00] =	vst v63  }
0x4e: {  	s16 =	rddreg [dreg:$0xa]  }
0x4f: {  	[tilespmem:s26], [sflag:$0xB] =	stream.linear.gather [hbm4b:s16+s4], $0x80, $0x38;
	[tilespmem:$0x1BF00] =	vst v63  }
0x50: {  	_ =	swait.ge [sflag:s19], $0x80  }
0x51: {  	[sflag:s19] =	ssyncset.done $0x0  }
0x52: {  	s10 =	simm.s32 $0x0;
	[sflag:s19] =	ssyncadd.s32 $0xFFFFFF80  }
0x53: {  	[tilespmem:s28], [sflag:$0x2] =	stream.indirect.gather [hbm4b:s1+s24], $0x80, s26, s24, $0xb8;
	[tilespmem:$0x1BF00] =	vst v63  }
.LBB2_2:
0x54: {  	_ =	swait.ge [sflag:s29], $0x2000;
	s15 =	sand.u32 $0x7C00, s10;
	p0 =	seq.s32 s10, $0x0  }
0x55: {  	s16 =	sand.u32 $0x200, s10;
	[sflag:s29] =	ssyncset.done $0x0;
	s15 =	sadd.s32 s8, s15  }
0x56: {  	s9 =	simm.s32 @!p0 $0x5;
	[sflag:s29] =	ssyncadd.s32 $0xFFFFE000;
	s15 =	sor.u32 s16, s15  }
0x57: {  	[spmem:s2] =	stream.indirect.scatter.add.f32 [tilespmem:s25], [sflag:$0x3], $0x80, s4, s24, $0xb8;
	[tilespmem:$0x1BF00] =	vst v63  }
0x58: {  	s15 =	sshrl.u32 s15, $0x3;
	_ =	swait.ge @!p0 [sflag:s9], $0x2000  }
0x59: {  	s16 =	sor.u32 $0x20, s15;
	[sflag:s9] =	ssyncset.done @!p0 $0x0  }
0x5a: {  	[sflag:s9] =	ssyncadd.s32 @!p0 $0xFFFFE000;
	s9 =	sadd.s32 s5, s16  }
0x5b: {  	[tilespmem:s23], [sflag:$0x7] =	stream.linear.gather [hbm4b:s9+s4], $0x80, $0x38;
	[tilespmem:$0x1BF00] =	vst v63  }
0x5c: {  	s16 =	sadd.s32 s6, s16  }
0x5d: {  	[tilespmem:s21], [sflag:$0x9] =	stream.linear.gather [hbm4b:s16+s4], $0x80, $0x38;
	[tilespmem:$0x1BF00] =	vst v63  }
0x5e: {  	_ =	swait.ge [sflag:s30], $0x80  }
0x5f: {  	[sflag:s30] =	ssyncset.done $0x0  }
0x60: {  	[sflag:s30] =	ssyncadd.s32 $0xFFFFFF80  }
0x61: {  	_ =	swait.ge [sflag:s31], $0x80  }
0x62: {  	[sflag:s31] =	ssyncset.done $0x0  }
0x63: {  	[sflag:s31] =	ssyncadd.s32 $0xFFFFFF80  }
0x64: {  	[tilespmem:s0], [sflag:$0x1] =	stream.indirect.gather [hbm4b:s1+s24], $0x80, s23, s24, $0xb8;
	[tilespmem:$0x1BF00] =	vst v63  }
0x65: {  	_ =	swait.ge [sflag:s3], $0x2000  }
0x66: {  	[sflag:s3] =	ssyncset.done $0x0  }
0x67: {  	s9 =	simm.s32 @!p0 $0x6;
	[sflag:s3] =	ssyncadd.s32 $0xFFFFE000  }
0x68: {  	[spmem:s2] =	stream.indirect.scatter.add.f32 [tilespmem:s28], [sflag:$0x4], $0x80, s20, s24, $0xb8;
	[tilespmem:$0x1BF00] =	vst v63  }
0x69: {  	_ =	swait.ge @!p0 [sflag:s9], $0x2000  }
0x6a: {  	s15 =	sor.u32 $0x30, s15;
	[sflag:s9] =	ssyncset.done @!p0 $0x0  }
0x6b: {  	s16 =	sadd.s32 s5, s15;
	[sflag:s9] =	ssyncadd.s32 @!p0 $0xFFFFE000  }
0x6c: {  	[tilespmem:s26], [sflag:$0x8] =	stream.linear.gather [hbm4b:s16+s4], $0x80, $0x38;
	[tilespmem:$0x1BF00] =	vst v63  }
0x6d: {  	s16 =	sadd.s32 s6, s15  }
0x6e: {  	[tilespmem:s22], [sflag:$0xA] =	stream.linear.gather [hbm4b:s16+s4], $0x80, $0x38;
	[tilespmem:$0x1BF00] =	vst v63  }
0x6f: {  	_ =	swait.ge [sflag:s7], $0x80  }
0x70: {  	[sflag:s7] =	ssyncset.done $0x0  }
0x71: {  	[sflag:s7] =	ssyncadd.s32 $0xFFFFFF80  }
0x72: {  	_ =	swait.ge [sflag:s11], $0x80  }
0x73: {  	[sflag:s11] =	ssyncset.done $0x0  }
0x74: {  	[sflag:s11] =	ssyncadd.s32 $0xFFFFFF80  }
0x75: {  	[tilespmem:s12], [sflag:$0x2] =	stream.indirect.gather [hbm4b:s1+s24], $0x80, s26, s24, $0xb8;
	[tilespmem:$0x1BF00] =	vst v63  }
0x76: {  	_ =	swait.ge [sflag:s29], $0x2000  }
0x77: {  	p0 =	seq.s32 s10, $0x4E00;
	[sflag:s29] =	ssyncset.done $0x0  }
.Ltmp2:
0x78: {  	[sflag:s29] =	ssyncadd.s32 $0xFFFFE000;
	(pc) =	sbr.rel @p0 .LBB2_4-.Ltmp2, $4  }
0x79: {  	[spmem:s2] =	stream.indirect.scatter.add.f32 [tilespmem:s0], [sflag:$0x5], $0x80, s21, s24, $0xb8;
	[tilespmem:$0x1BF00] =	vst v63  }
0x7a: {  	_ =	swait.ge [sflag:s13], $0x2000  }
0x7b: {  	[sflag:s13] =	ssyncset.done $0x0  }
0x7c: {  	[sflag:s13] =	ssyncadd.s32 $0xFFFFE000  }
0x7d: {  	s9 =	sadd.s32 $0x200, s10  }
0x7e: {  	s15 =	sand.u32 $0xFC00, s9  }
0x7f: {  	s16 =	sand.u32 $0x200, s9;
	s15 =	sadd.s32 s8, s15  }
0x80: {  	s15 =	sor.u32 s16, s15  }
0x81: {  	s15 =	sshrl.u32 s15, $0x3  }
0x82: {  	s16 =	sadd.s32 s5, s15  }
0x83: {  	[tilespmem:s23], [sflag:$0x7] =	stream.linear.gather [hbm4b:s16+s4], $0x80, $0x38;
	[tilespmem:$0x1BF00] =	vst v63  }
0x84: {  	s15 =	sadd.s32 s6, s15  }
0x85: {  	[tilespmem:s4], [sflag:$0x9] =	stream.linear.gather [hbm4b:s15+s4], $0x80, $0x38;
	[tilespmem:$0x1BF00] =	vst v63  }
0x86: {  	_ =	swait.ge [sflag:s30], $0x80  }
0x87: {  	[sflag:s30] =	ssyncset.done $0x0  }
0x88: {  	[sflag:s30] =	ssyncadd.s32 $0xFFFFFF80  }
0x89: {  	_ =	swait.ge [sflag:s31], $0x80  }
0x8a: {  	[sflag:s31] =	ssyncset.done $0x0  }
0x8b: {  	[sflag:s31] =	ssyncadd.s32 $0xFFFFFF80  }
0x8c: {  	[tilespmem:s25], [sflag:$0x1] =	stream.indirect.gather [hbm4b:s1+s24], $0x80, s23, s24, $0xb8;
	[tilespmem:$0x1BF00] =	vst v63  }
0x8d: {  	s10 =	sadd.s32 $0x280, s10;
	_ =	swait.ge [sflag:s3], $0x2000  }
0x8e: {  	s16 =	sand.u32 $0xFC00, s10;
	[sflag:s3] =	ssyncset.done $0x0  }
0x8f: {  	s10 =	sand.u32 $0x280, s10;
	s15 =	sadd.s32 s8, s16;
	[sflag:s3] =	ssyncadd.s32 $0xFFFFE000  }
0x90: {  	[spmem:s2] =	stream.indirect.scatter.add.f32 [tilespmem:s12], [sflag:$0x6], $0x80, s22, s24, $0xb8;
	[tilespmem:$0x1BF00] =	vst v63  }
0x91: {  	s10 =	sor.u32 s10, s15;
	_ =	swait.ge [sflag:s14], $0x2000  }
0x92: {  	s10 =	sshrl.u32 s10, $0x3;
	[sflag:s14] =	ssyncset.done $0x0  }
0x93: {  	s16 =	sadd.s32 s5, s10;
	[sflag:s14] =	ssyncadd.s32 $0xFFFFE000  }
0x94: {  	[tilespmem:s26], [sflag:$0x8] =	stream.linear.gather [hbm4b:s16+s4], $0x80, $0x38;
	[tilespmem:$0x1BF00] =	vst v63  }
0x95: {  	s10 =	sadd.s32 s6, s10  }
0x96: {  	[tilespmem:s20], [sflag:$0xA] =	stream.linear.gather [hbm4b:s10+s4], $0x80, $0x38;
	[tilespmem:$0x1BF00] =	vst v63  }
0x97: {  	_ =	swait.ge [sflag:s7], $0x80  }
0x98: {  	[sflag:s7] =	ssyncset.done $0x0  }
.Ltmp3:
0x99: {  	[sflag:s7] =	ssyncadd.s32 $0xFFFFFF80;
	(pc) =	sbr.rel .LBB2_2-.Ltmp3, $4  }
0x9a: {  	_ =	swait.ge [sflag:s11], $0x80  }
0x9b: {  	[sflag:s11] =	ssyncset.done $0x0  }
0x9c: {  	s10 =	smov.u32 s9;
	[sflag:s11] =	ssyncadd.s32 $0xFFFFFF80  }
0x9d: {  	[tilespmem:s28], [sflag:$0x2] =	stream.indirect.gather [hbm4b:s1+s24], $0x80, s26, s24, $0xb8;
	[tilespmem:$0x1BF00] =	vst v63  }
.LBB2_5:
0x9e: {  	_ =	sfence.sel $0x180000  }
0x9f: {  	[bflag:$0x0] =	sbarrier.arrive $0xFFFF  }
0xa0: {  	_ =	strace $0x90000047  }
0xa1: {  	s0 =	stileid.u32;
	[bflag:$0x2] =	sbarrier.arrive $0xFFFF  }
0xa2: {  	p0 =	sne.s32 s0, $0x0;
	s0 =	rddreg [dreg:$0x3]  }
0xa3: {  	s0 =	sadd.s32 @!p0 $0x100000, s0  }
0xa4: {  	[sflag:s0] =	ssyncadd.tile.s32 @!p0 $0x1;
	_ =	shalt  }
.Lfunc_end2:
_tile_overlayer_lowered:
.L_overlay_start_2:
0xa5: {  	(tag) =	ssettag $0x2  }
0xa6: {  	s0 =	rddreg [dreg:$0x0];
	s2 =	stileid.u32  }
0xa7: {  	s1 =	rddreg [dreg:$0x1];
	p0 =	sne.s32 s2, $0x0  }
0xa8: {  	s3 =	rddreg [dreg:$0x2];
	[bflag:$0x3] =	sbarrier.arrive $0xFFFF;
	s2 =	simm.s32 @!p0 $0x1C0B  }
0xa9: {  	[timem:s3], [sflag:s2] =	dma.local @!p0 [hbm:s0], s1  }
0xaa: {  	s0 =	simm.s32 @!p0 $0xB  }
0xab: {  	_ =	swait.ge @!p0 [sflag:s0], s1  }
0xac: {  	s1 =	ssub.s32 @!p0 $0x0, s1;
	[sflag:s0] =	ssyncset.done @!p0 $0x0  }
0xad: {  	[sflag:s0] =	ssyncadd.s32 @!p0 s1  }
0xae: {  	[bflag:$0x3] =	sbarrier.arrive $0xFFFF  }
0xaf: {  	_ =	shalt  }

</sc_bundles>
